<compile_context>
chip_gen: v7x
topology: tpu7x:2x2x1
jax: 0.10.2.dev20260603
libtpu: 0.0.44.dev20260713+nightly
codegen_flags: <defaults>
</compile_context>

<pallas_src>
import functools

import jax
import jax.numpy as jnp
from jax import lax
from jax.experimental import pallas as pl
from jax.experimental.pallas import tpu as pltpu
from jax.experimental.pallas import tpu_sc as plsc

H = 128
N_GRID = 100000
N_MESH = 10000
N_EDGE = 320000

NC = 2
NS = 16
NW = NC * NS
NMP = 10240
RPS = NMP // NS

_f32 = jnp.float32



def _silu(x):
    return x * (1.0 / (1.0 + jnp.exp(-x)))


def _ln(h, gam, bet):
    mu = jnp.mean(h, axis=-1, keepdims=True)
    var = jnp.mean((h - mu) ** 2, axis=-1, keepdims=True)
    return (h - mu) * lax.rsqrt(var + 1e-5) * gam + bet


def _dot(a, b):
    return jnp.dot(a, b, preferred_element_type=_f32)


def _w_spec(r, c):
    return pl.BlockSpec((r, c), lambda i: (0, 0))


def _row_spec(blk, c):
    return pl.BlockSpec((blk, c), lambda i: (i, 0))



def _grid_embed_body(x, w1, b1, w2, b2, g1, be1, wp, g_out, gp_out):
    h1 = lax.dot_general(x[...], w1[...], (((0,), (0,)), ((), ())),
                         preferred_element_type=_f32)
    g = _ln(_dot(_silu(h1 + b1[...]), w2[...]) + b2[...],
            g1[...], be1[...])
    g_out[...] = g
    gp_out[...] = _dot(g, wp[...])


def _grid_node_body(g_in, w3, b3, w4, b4, g2, be2, gn_out):
    g = g_in[...]
    gn_out[...] = g + _ln(
        _dot(_silu(_dot(g, w3[...]) + b3[...]), w4[...]) + b4[...],
        g2[...], be2[...])


def _mesh_body(x, w1, b1, w2, b2, g1, be1, wp, m_out, mp_out):
    h1 = lax.dot_general(x[...], w1[...], (((0,), (0,)), ((), ())),
                         preferred_element_type=_f32)
    m = _ln(_dot(_silu(h1 + b1[...]), w2[...]) + b2[...],
            g1[...], be1[...])
    m_out[...] = m
    mp_out[...] = _dot(m, wp[...])


def _edge_fused_body(x, gs, md, w1, b1, w2, b2, g1, be1, wp, bp,
                     w2i, b2i, g2i, be2i, eu_out, en_out):
    e1 = lax.dot_general(x[...], w1[...], (((0,), (0,)), ((), ())),
                         preferred_element_type=_f32)
    e = _ln(_dot(_silu(e1 + b1[...]), w2[...]) + b2[...],
            g1[...], be1[...])
    ep = _dot(e, wp[...]) + bp[...]
    h = _silu(gs[...] + md[...] + ep)
    eu = _ln(_dot(h, w2i[...]) + b2i[...], g2i[...], be2i[...])
    eu_out[...] = eu
    en_out[...] = e + eu


def _edge_fused_body_b(x, gs, md, w1, b1, w2, b2, g1, be1, wp, bp,
                       w2i, b2i, g2i, be2i, en_alias, eu_out, en_out):
    _edge_fused_body(x, gs, md, w1, b1, w2, b2, g1, be1, wp, bp,
                     w2i, b2i, g2i, be2i, eu_out, en_out)


def _mesh_upd_body(m, pa, pb, w1m, w1a, b1, w2, b2, g1, be1, mn_out):
    aggr = (pa[0] + pa[1]) + (pb[0] + pb[1])
    mm = m[...]
    h = _silu(_dot(mm, w1m[...]) + _dot(aggr, w1a[...]) + b1[...])
    mn_out[...] = mm + _ln(_dot(h, w2[...]) + b2[...], g1[...], be1[...])



@functools.lru_cache(maxsize=None)
def _sc_mesh():
    return plsc.VectorSubcoreMesh(core_axis_name="c", subcore_axis_name="s",
                                  num_cores=NC, num_subcores=NS)


@functools.lru_cache(maxsize=None)
def _build_sc_gather2(ne, ch):
    epw = ne // NW
    nch = epw // ch
    assert epw % ch == 0 and ch % 8 == 0 and epw % 8 == 0

    @functools.partial(
        pl.kernel, mesh=_sc_mesh(),
        out_type=(jax.ShapeDtypeStruct((ne, H), _f32),
                  jax.ShapeDtypeStruct((ne, H), _f32)),
        scratch_types=[
            pltpu.VMEM((ch,), jnp.int32), pltpu.VMEM((ch,), jnp.int32),
            pltpu.VMEM((ch, H), _f32), pltpu.VMEM((ch, H), _f32),
            pltpu.SemaphoreType.DMA, pltpu.SemaphoreType.DMA,
        ])
    def _sc_gather_kernel(g1_hbm, m1_hbm, src_hbm, dst_hbm, gs_hbm, md_hbm,
                          idx_s, idx_d, buf_s, buf_d, sem_s, sem_d):
        wid = lax.axis_index("s") * NC + lax.axis_index("c")
        base0 = pl.multiple_of(wid * epw, 8)

        def body(i, carry):
            base = pl.multiple_of(base0 + i * ch, 8)
            pltpu.sync_copy(src_hbm.at[pl.ds(base, ch)], idx_s)
            pltpu.sync_copy(dst_hbm.at[pl.ds(base, ch)], idx_d)
            cs = pltpu.async_copy(g1_hbm.at[idx_s], buf_s, sem_s)
            cd = pltpu.async_copy(m1_hbm.at[idx_d], buf_d, sem_d)
            cs.wait()
            cd.wait()
            pltpu.sync_copy(buf_s, gs_hbm.at[pl.ds(base, ch)])
            pltpu.sync_copy(buf_d, md_hbm.at[pl.ds(base, ch)])
            return carry

        lax.fori_loop(0, nch, body, 0)

    return _sc_gather_kernel


@functools.lru_cache(maxsize=None)
def _build_sc_scatter(ne, chs):
    epw = ne // NW
    nchs = epw // chs
    assert epw % chs == 0 and chs % 8 == 0 and epw % 8 == 0

    @functools.partial(
        pl.kernel, mesh=_sc_mesh(),
        out_type=jax.ShapeDtypeStruct((NC * NMP, H), _f32),
        scratch_types=[
            pltpu.VMEM((chs,), jnp.int32),
            pltpu.VMEM((chs, H), _f32),
            pltpu.VMEM_SHARED((NMP, H), _f32),
        ])
    def _sc_scatter_kernel(eupd_hbm, dst_hbm, zero_hbm, out_hbm,
                           idx_d, buf, accum):
        cid = lax.axis_index("c")
        sid = lax.axis_index("s")
        wid = sid * NC + cid
        base0 = pl.multiple_of(wid * epw, 8)

        pltpu.sync_copy(zero_hbm, accum.at[pl.ds(sid * RPS, RPS)])
        plsc.subcore_barrier()

        def body(i, carry):
            base = pl.multiple_of(base0 + i * chs, 8)
            pltpu.sync_copy(dst_hbm.at[pl.ds(base, chs)], idx_d)
            pltpu.sync_copy(eupd_hbm.at[pl.ds(base, chs)], buf)
            pltpu.sync_copy(buf, accum.at[idx_d], add=True)
            return carry

        lax.fori_loop(0, nchs, body, 0)
        plsc.subcore_barrier()

        pltpu.sync_copy(accum.at[pl.ds(sid * RPS, RPS)],
                        out_hbm.at[pl.ds(cid * NMP + sid * RPS, RPS)])

    return _sc_scatter_kernel


def _sc_gather2(g1p, m1p, src, dst, ch=200):
    return _build_sc_gather2(src.shape[0], ch)(g1p, m1p, src, dst)


def _sc_scatter(e_upd, dst, chs=200):
    zero = jnp.zeros((RPS, H), _f32)
    partials = _build_sc_scatter(e_upd.shape[0], chs)(e_upd, dst, zero)
    return partials.reshape(NC, NMP, H)



def _mlp_w(params, name):
    p = params
    return (p[name + '_W1'], p[name + '_b1'].reshape(1, H),
            p[name + '_W2'], p[name + '_b2'].reshape(1, H),
            p[name + '_g'].reshape(1, H), p[name + '_beta'].reshape(1, H))


def kernel(grid_nfeat, mesh_nfeat, edge_index, grid2mesh_efeat, params):
    src = edge_index[0].astype(jnp.int32)
    dst = edge_index[1].astype(jnp.int32)

    w1e = params['ie_edge_W1']
    w1e_g, w1e_m, w1e_e = w1e[:H], w1e[H:2 * H], w1e[2 * H:]
    b1e = params['ie_edge_b1'].reshape(1, H)
    w1n = params['ie_node_W1']
    w1n_m, w1n_a = w1n[:H], w1n[H:]

    GB = 2048
    GN = (N_GRID + GB - 1) // GB
    gw = _mlp_w(params, 'emb_grid')
    gnw = _mlp_w(params, 'grid_node')
    g, g1p = pl.pallas_call(
        _grid_embed_body,
        grid=(GN,),
        in_specs=[pl.BlockSpec((3, GB), lambda i: (0, i)),
                  _w_spec(3, H), _w_spec(1, H), _w_spec(H, H), _w_spec(1, H),
                  _w_spec(1, H), _w_spec(1, H), _w_spec(H, H)],
        out_specs=[_row_spec(GB, H)] * 2,
        out_shape=[jax.ShapeDtypeStruct((N_GRID, H), _f32)] * 2,
    )(grid_nfeat.T, gw[0], gw[1], gw[2], gw[3], gw[4], gw[5], w1e_g)
    g_new = pl.pallas_call(
        _grid_node_body,
        grid=(GN,),
        in_specs=[_row_spec(GB, H),
                  _w_spec(H, H), _w_spec(1, H), _w_spec(H, H), _w_spec(1, H),
                  _w_spec(1, H), _w_spec(1, H)],
        out_specs=_row_spec(GB, H),
        out_shape=jax.ShapeDtypeStruct((N_GRID, H), _f32),
    )(g, gnw[0], gnw[1], gnw[2], gnw[3], gnw[4], gnw[5])

    MB = 2048
    MN = (N_MESH + MB - 1) // MB
    mw = _mlp_w(params, 'emb_mesh')
    m, m1p = pl.pallas_call(
        _mesh_body,
        grid=(MN,),
        in_specs=[pl.BlockSpec((3, MB), lambda i: (0, i)),
                  _w_spec(3, H), _w_spec(1, H), _w_spec(H, H), _w_spec(1, H),
                  _w_spec(1, H), _w_spec(1, H), _w_spec(H, H)],
        out_specs=[_row_spec(MB, H)] * 2,
        out_shape=[jax.ShapeDtypeStruct((N_MESH, H), _f32),
                   jax.ShapeDtypeStruct((N_MESH, H), _f32)],
    )(mesh_nfeat.T, mw[0], mw[1], mw[2], mw[3], mw[4], mw[5], w1e_m)

    E2 = N_EDGE // 2
    EB = 3200
    EN2 = E2 // EB
    eft = grid2mesh_efeat.T
    ew = _mlp_w(params, 'emb_edge')
    iew = (params['ie_edge_W2'], params['ie_edge_b2'].reshape(1, H),
           params['ie_edge_g'].reshape(1, H),
           params['ie_edge_beta'].reshape(1, H))

    srcA, srcB = src[:E2], src[E2:]
    dstA, dstB = dst[:E2], dst[E2:]
    gsA, mdA = _sc_gather2(g1p, m1p, srcA, dstA)
    gsB, mdB = _sc_gather2(g1p, m1p, srcB, dstB)

    edge_w = (ew[0], ew[1], ew[2], ew[3], ew[4], ew[5], w1e_e, b1e,
              iew[0], iew[1], iew[2], iew[3])
    edge_w_specs = [_w_spec(4, H), _w_spec(1, H), _w_spec(H, H),
                    _w_spec(1, H), _w_spec(1, H), _w_spec(1, H),
                    _w_spec(H, H), _w_spec(1, H),
                    _w_spec(H, H), _w_spec(1, H), _w_spec(1, H),
                    _w_spec(1, H)]

    e_updA, e_newA = pl.pallas_call(
        _edge_fused_body,
        grid=(EN2,),
        in_specs=[pl.BlockSpec((4, EB), lambda i: (0, i)),
                  _row_spec(EB, H), _row_spec(EB, H)]
                 + edge_w_specs,
        out_specs=[_row_spec(EB, H),
                   pl.BlockSpec((EB, H), lambda i: (i, 0))],
        out_shape=[jax.ShapeDtypeStruct((E2, H), _f32),
                   jax.ShapeDtypeStruct((N_EDGE, H), _f32)],
    )(eft, gsA, mdA, *edge_w)

    partialsA = _sc_scatter(e_updA, dstA)

    e_updB, e_new = pl.pallas_call(
        _edge_fused_body_b,
        grid=(EN2,),
        in_specs=[pl.BlockSpec((4, EB), lambda i: (0, i + EN2)),
                  _row_spec(EB, H), _row_spec(EB, H)]
                 + edge_w_specs
                 + [pl.BlockSpec(memory_space=pl.ANY)],
        out_specs=[_row_spec(EB, H),
                   pl.BlockSpec((EB, H), lambda i: (i + EN2, 0))],
        out_shape=[jax.ShapeDtypeStruct((E2, H), _f32),
                   jax.ShapeDtypeStruct((N_EDGE, H), _f32)],
        input_output_aliases={15: 1},
    )(eft, gsB, mdB, *edge_w, e_newA)

    partialsB = _sc_scatter(e_updB, dstB)

    MU, MUN = 2000, N_MESH // 2000
    nw = _mlp_w(params, 'ie_node')
    m_new = pl.pallas_call(
        _mesh_upd_body,
        grid=(MUN,),
        in_specs=[_row_spec(MU, H),
                  pl.BlockSpec((NC, MU, H), lambda i: (0, i, 0)),
                  pl.BlockSpec((NC, MU, H), lambda i: (0, i, 0)),
                  _w_spec(H, H), _w_spec(H, H), _w_spec(1, H),
                  _w_spec(H, H), _w_spec(1, H), _w_spec(1, H), _w_spec(1, H)],
        out_specs=_row_spec(MU, H),
        out_shape=jax.ShapeDtypeStruct((N_MESH, H), _f32),
    )(m, partialsA, partialsB, w1n_m, w1n_a, nw[1], nw[2], nw[3], nw[4],
      nw[5])

    return (g_new, m_new, e_new)

# --- scband reference (transcript-rebuilt; emitter-appended) ---
"""Pipeline reference for scband-graph-cast-encoder-87814901334435 (READ-ONLY COPY).

The authoritative reference and input builder live on the scoring server;
editing this copy changes nothing except your own understanding.
"""

import jax, jax.numpy as jnp
import numpy as np

HIDDEN = 128
N_GRID = 100000
N_MESH = 10000
N_EDGE = 320000


def _ln(x, g, b):
    m = x.mean(-1, keepdims=True)
    v = x.var(-1, keepdims=True)
    return (x - m) / jnp.sqrt(v + 1e-5) * g + b


def _mlp(x, p, name):
    # Linear -> SiLU -> Linear -> LayerNorm (GraphCast MLP with num_layers=1, use_norm=True)
    h = jax.nn.silu(x @ p[name + '_W1'] + p[name + '_b1'])
    h = h @ p[name + '_W2'] + p[name + '_b2']
    return _ln(h, p[name + '_g'], p[name + '_beta'])


def _make_mlp_params(key, in_dim, name, params):
    k1, k2 = jax.random.split(key)
    params[name + '_W1'] = jax.random.normal(k1, (in_dim, HIDDEN), jnp.float32) * (1.0 / np.sqrt(in_dim))
    params[name + '_b1'] = jnp.zeros((HIDDEN,), jnp.float32)
    params[name + '_W2'] = jax.random.normal(k2, (HIDDEN, HIDDEN), jnp.float32) * (1.0 / np.sqrt(HIDDEN))
    params[name + '_b2'] = jnp.zeros((HIDDEN,), jnp.float32)
    params[name + '_g'] = jnp.ones((HIDDEN,), jnp.float32)
    params[name + '_beta'] = jnp.zeros((HIDDEN,), jnp.float32)


def setup_inputs(seed: int = 0) -> dict:
    key = jax.random.key(seed)
    ks = jax.random.split(key, 10)
    grid_nfeat = jax.random.normal(ks[0], (N_GRID, 3), jnp.float32)
    mesh_nfeat = jax.random.normal(ks[1], (N_MESH, 3), jnp.float32)
    grid2mesh_efeat = jax.random.normal(ks[2], (N_EDGE, 4), jnp.float32)
    src = jax.random.randint(ks[3], (N_EDGE,), 0, N_GRID, jnp.int64 if jax.config.jax_enable_x64 else jnp.int32)
    dst = jax.random.randint(ks[4], (N_EDGE,), 0, N_MESH, jnp.int64 if jax.config.jax_enable_x64 else jnp.int32)
    edge_index = jnp.stack([src, dst], axis=0)
    params = {}
    _make_mlp_params(ks[5], 3, 'emb_grid', params)
    _make_mlp_params(ks[6], 3, 'emb_mesh', params)
    _make_mlp_params(ks[7], 4, 'emb_edge', params)
    _make_mlp_params(ks[8], 3 * HIDDEN, 'ie_edge', params)   # InteractionNetwork edge MLP: [src_grid, dst_mesh, edge]
    k9a, k9b = jax.random.split(ks[9])
    _make_mlp_params(k9a, 2 * HIDDEN, 'ie_node', params)     # InteractionNetwork mesh node MLP: [mesh, aggr]
    _make_mlp_params(k9b, HIDDEN, 'grid_node', params)       # GridNodeModel MLP
    return {'grid_nfeat': grid_nfeat, 'mesh_nfeat': mesh_nfeat, 'edge_index': edge_index, 'grid2mesh_efeat': grid2mesh_efeat, 'params': params}


def reference(grid_nfeat, mesh_nfeat, edge_index, grid2mesh_efeat, params):
    # --- GraphCastEncoderEmbedding ---
    g = _mlp(grid_nfeat, params, 'emb_grid')          # [N_grid, 128]
    m = _mlp(mesh_nfeat, params, 'emb_mesh')          # [N_mesh, 128]
    e = _mlp(grid2mesh_efeat, params, 'emb_edge')     # [E, 128]
    # --- InteractionNetwork (grid2mesh mesh GNN) ---
    src = edge_index[0]
    dst = edge_index[1]
    e_in = jnp.concatenate([g[src], m[dst], e], axis=-1)   # gather, [E, 384]
    e_upd = _mlp(e_in, params, 'ie_edge')                   # [E, 128]
    aggr = jax.ops.segment_sum(e_upd, dst, num_segments=m.shape[0])  # scatter-add, [N_mesh, 128]
    n_in = jnp.concatenate([m, aggr], axis=-1)              # [N_mesh, 256]
    m_upd = _mlp(n_in, params, 'ie_node')
    m_new = m + m_upd
    e_new = e + e_upd
    # --- GridNodeModel ---
    g_new = g + _mlp(g, params, 'grid_node')
    return (g_new, m_new, e_new)

if __name__ == "__main__":
    import jax
    _d = setup_inputs()
    print(jax.jit(kernel)(*tuple(_d.values())))

</pallas_src>

<mosaic_0001>
#map = affine_map<(d0, d1) -> (0, 0)>
#map1 = affine_map<(d0, d1) -> (0)>
module attributes {stable_mosaic.version = 14 : i64} {
  func.func @_sc_scatter_kernel(%arg0: i32, %arg1: i32, %arg2: memref<160000x128xf32, #tpu.memory_space<hbm>>, %arg3: memref<160000xi32, #tpu.memory_space<hbm>>, %arg4: memref<640x128xf32, #tpu.memory_space<hbm>>, %arg5: memref<20480x128xf32, #tpu.memory_space<hbm>>, %arg6: memref<200xi32, #tpu.memory_space<vmem>>, %arg7: memref<200x128xf32, #tpu.memory_space<vmem>>, %arg8: memref<10240x128xf32, #tpu.memory_space<vmem_shared>>) attributes {dimension_semantics = [#tpu.dimension_semantics<core_parallel>, #tpu.dimension_semantics<subcore_parallel>], iteration_bounds = array<i64: 2, 16>, scalar_prefetch = 0 : i64, scratch_operands = 3 : i64, tpu.core_type = #tpu.core_type<sc_vector_subcore>, window_params = [{transform_indices = #map}, {transform_indices = #map1}, {transform_indices = #map}, {transform_indices = #map}]} {
    %mul3A = arith.constant 2 : i32
    %mul3A_0 = arith.muli %arg1, %mul3A : i32
    %add3A = arith.addi %mul3A_0, %arg0 : i32
    %mul3A_1 = arith.constant 5000 : i32
    %mul3A_2 = arith.muli %add3A, %mul3A_1 : i32
    %multiple_of3A = tpu.assume_multiple %mul3A_2, 8 : i32
    %mul3A_3 = arith.constant 640 : i32
    %mul3A_4 = arith.muli %arg1, %mul3A_3 : i32
    "tpu.region"() ({
      %run_scoped3A = tpu.sem_alloc : memref<!tpu.dma_semaphore, #tpu.memory_space<semaphore_mem>>
      %dma_start3A = arith.constant 0 : i32
      %dma_start3A_18 = tpu.memref_slice %arg8[%mul3A_4, %dma_start3A] : memref<10240x128xf32, #tpu.memory_space<vmem_shared>> -> memref<640x128xf32, #tpu.memory_space<vmem_shared>>
      tpu.enqueue_dma source(%arg4 : memref<640x128xf32, #tpu.memory_space<hbm>>) target(%dma_start3A_18 : memref<640x128xf32, #tpu.memory_space<vmem_shared>>) target_semaphore(%run_scoped3A : memref<!tpu.dma_semaphore, #tpu.memory_space<semaphore_mem>>)
      %dma_wait3A = arith.constant 0 : i32
      %dma_wait3A_19 = tpu.memref_slice %arg8[%mul3A_4, %dma_wait3A] : memref<10240x128xf32, #tpu.memory_space<vmem_shared>> -> memref<640x128xf32, #tpu.memory_space<vmem_shared>>
      tpu.wait_dma2 semaphore(%run_scoped3A : memref<!tpu.dma_semaphore, #tpu.memory_space<semaphore_mem>>) src(%arg4 : memref<640x128xf32, #tpu.memory_space<hbm>>) dst(%dma_wait3A_19 : memref<640x128xf32, #tpu.memory_space<vmem_shared>>)
      tpu.yield
    }) : () -> ()
    %barrier3A = arith.constant 0 : index
    tpu.barrier barrier_id(%barrier3A)
    %scan3A = arith.constant 0 : i32
    %scan3A_5 = arith.constant 0 : i32
    %scan3A_6 = arith.constant 25 : i32
    %scan3A_7 = arith.addi %scan3A_5, %scan3A_6 : i32
    %scan3A_8 = arith.constant 1 : i32
    scf.for %scan3A_18 = %scan3A_5 to %scan3A_7 step %scan3A_8  : i32 {
      %mul3A_19 = arith.constant 200 : i32
      %mul3A_20 = arith.muli %scan3A_18, %mul3A_19 : i32
      %add3A_21 = arith.addi %multiple_of3A, %mul3A_20 : i32
      %multiple_of3A_22 = tpu.assume_multiple %add3A_21, 8 : i32
      "tpu.region"() ({
        %run_scoped3A = tpu.sem_alloc : memref<!tpu.dma_semaphore, #tpu.memory_space<semaphore_mem>>
        %dma_start3A = tpu.memref_slice %arg3[%multiple_of3A_22] : memref<160000xi32, #tpu.memory_space<hbm>> -> memref<200xi32, #tpu.memory_space<hbm>>
        %dma_start3A_23 = tpu.memref_slice %arg3[%multiple_of3A_22] : memref<160000xi32, #tpu.memory_space<hbm>> -> memref<200xi32, #tpu.memory_space<hbm>>
        tpu.enqueue_dma source(%dma_start3A_23 : memref<200xi32, #tpu.memory_space<hbm>>) target(%arg6 : memref<200xi32, #tpu.memory_space<vmem>>) target_semaphore(%run_scoped3A : memref<!tpu.dma_semaphore, #tpu.memory_space<semaphore_mem>>)
        %dma_wait3A = tpu.memref_slice %arg3[%multiple_of3A_22] : memref<160000xi32, #tpu.memory_space<hbm>> -> memref<200xi32, #tpu.memory_space<hbm>>
        %dma_wait3A_24 = tpu.memref_slice %arg3[%multiple_of3A_22] : memref<160000xi32, #tpu.memory_space<hbm>> -> memref<200xi32, #tpu.memory_space<hbm>>
        tpu.wait_dma2 semaphore(%run_scoped3A : memref<!tpu.dma_semaphore, #tpu.memory_space<semaphore_mem>>) src(%dma_wait3A_24 : memref<200xi32, #tpu.memory_space<hbm>>) dst(%arg6 : memref<200xi32, #tpu.memory_space<vmem>>)
        tpu.yield
      }) : () -> ()
      "tpu.region"() ({
        %run_scoped3A = tpu.sem_alloc : memref<!tpu.dma_semaphore, #tpu.memory_space<semaphore_mem>>
        %dma_start3A = arith.constant 0 : i32
        %dma_start3A_23 = tpu.memref_slice %arg2[%multiple_of3A_22, %dma_start3A] : memref<160000x128xf32, #tpu.memory_space<hbm>> -> memref<200x128xf32, #tpu.memory_space<hbm>>
        %dma_start3A_24 = arith.constant 0 : i32
        %dma_start3A_25 = tpu.memref_slice %arg2[%multiple_of3A_22, %dma_start3A_24] : memref<160000x128xf32, #tpu.memory_space<hbm>> -> memref<200x128xf32, #tpu.memory_space<hbm>>
        tpu.enqueue_dma source(%dma_start3A_25 : memref<200x128xf32, #tpu.memory_space<hbm>>) target(%arg7 : memref<200x128xf32, #tpu.memory_space<vmem>>) target_semaphore(%run_scoped3A : memref<!tpu.dma_semaphore, #tpu.memory_space<semaphore_mem>>)
        %dma_wait3A = arith.constant 0 : i32
        %dma_wait3A_26 = tpu.memref_slice %arg2[%multiple_of3A_22, %dma_wait3A] : memref<160000x128xf32, #tpu.memory_space<hbm>> -> memref<200x128xf32, #tpu.memory_space<hbm>>
        %dma_wait3A_27 = arith.constant 0 : i32
        %dma_wait3A_28 = tpu.memref_slice %arg2[%multiple_of3A_22, %dma_wait3A_27] : memref<160000x128xf32, #tpu.memory_space<hbm>> -> memref<200x128xf32, #tpu.memory_space<hbm>>
        tpu.wait_dma2 semaphore(%run_scoped3A : memref<!tpu.dma_semaphore, #tpu.memory_space<semaphore_mem>>) src(%dma_wait3A_28 : memref<200x128xf32, #tpu.memory_space<hbm>>) dst(%arg7 : memref<200x128xf32, #tpu.memory_space<vmem>>)
        tpu.yield
      }) : () -> ()
      "tpu.region"() ({
        %run_scoped3A = tpu.sem_alloc : memref<!tpu.dma_semaphore, #tpu.memory_space<semaphore_mem>>
        %dma_start3A = arith.constant 0 : i32
        %dma_start3A_23 = arith.constant 0 : i32
        %dma_start3A_24 = tpu.memref_slice %arg8[%dma_start3A, %dma_start3A_23] : memref<10240x128xf32, #tpu.memory_space<vmem_shared>> -> memref<10240x128xf32, #tpu.memory_space<vmem_shared>>
        tpu.enqueue_indirect_dma source(%arg7 : memref<200x128xf32, #tpu.memory_space<vmem>>) target(%dma_start3A_24 : memref<10240x128xf32, #tpu.memory_space<vmem_shared>>) offsets(%arg6 : memref<200xi32, #tpu.memory_space<vmem>>) semaphore(%run_scoped3A : memref<!tpu.dma_semaphore, #tpu.memory_space<semaphore_mem>>) {add = true}
        %dma_wait3A = arith.constant 0 : i32
        %dma_wait3A_25 = arith.constant 0 : i32
        %dma_wait3A_26 = tpu.memref_slice %arg8[%dma_wait3A, %dma_wait3A_25] : memref<10240x128xf32, #tpu.memory_space<vmem_shared>> -> memref<10240x128xf32, #tpu.memory_space<vmem_shared>>
        tpu.wait_indirect_dma semaphore(%run_scoped3A : memref<!tpu.dma_semaphore, #tpu.memory_space<semaphore_mem>>) src(%arg7 : memref<200x128xf32, #tpu.memory_space<vmem>>) dst(%dma_wait3A_26 : memref<10240x128xf32, #tpu.memory_space<vmem_shared>>)
        tpu.yield
      }) : () -> ()
    }
    %scan3A_9 = arith.constant 25 : i32
    %barrier3A_10 = arith.constant 0 : index
    tpu.barrier barrier_id(%barrier3A_10)
    %mul3A_11 = arith.constant 640 : i32
    %mul3A_12 = arith.muli %arg1, %mul3A_11 : i32
    %mul3A_13 = arith.constant 10240 : i32
    %mul3A_14 = arith.muli %arg0, %mul3A_13 : i32
    %mul3A_15 = arith.constant 640 : i32
    %mul3A_16 = arith.muli %arg1, %mul3A_15 : i32
    %add3A_17 = arith.addi %mul3A_14, %mul3A_16 : i32
    "tpu.region"() ({
      %run_scoped3A = tpu.sem_alloc : memref<!tpu.dma_semaphore, #tpu.memory_space<semaphore_mem>>
      %dma_start3A = arith.constant 0 : i32
      %dma_start3A_18 = tpu.memref_slice %arg5[%add3A_17, %dma_start3A] : memref<20480x128xf32, #tpu.memory_space<hbm>> -> memref<640x128xf32, #tpu.memory_space<hbm>>
      %dma_start3A_19 = arith.constant 0 : i32
      %dma_start3A_20 = tpu.memref_slice %arg8[%mul3A_12, %dma_start3A_19] : memref<10240x128xf32, #tpu.memory_space<vmem_shared>> -> memref<640x128xf32, #tpu.memory_space<vmem_shared>>
      tpu.enqueue_dma source(%dma_start3A_20 : memref<640x128xf32, #tpu.memory_space<vmem_shared>>) target(%dma_start3A_18 : memref<640x128xf32, #tpu.memory_space<hbm>>) target_semaphore(%run_scoped3A : memref<!tpu.dma_semaphore, #tpu.memory_space<semaphore_mem>>)
      %dma_wait3A = arith.constant 0 : i32
      %dma_wait3A_21 = tpu.memref_slice %arg5[%add3A_17, %dma_wait3A] : memref<20480x128xf32, #tpu.memory_space<hbm>> -> memref<640x128xf32, #tpu.memory_space<hbm>>
      %dma_wait3A_22 = arith.constant 0 : i32
      %dma_wait3A_23 = tpu.memref_slice %arg8[%mul3A_12, %dma_wait3A_22] : memref<10240x128xf32, #tpu.memory_space<vmem_shared>> -> memref<640x128xf32, #tpu.memory_space<vmem_shared>>
      tpu.wait_dma2 semaphore(%run_scoped3A : memref<!tpu.dma_semaphore, #tpu.memory_space<semaphore_mem>>) src(%dma_wait3A_23 : memref<640x128xf32, #tpu.memory_space<vmem_shared>>) dst(%dma_wait3A_21 : memref<640x128xf32, #tpu.memory_space<hbm>>)
      tpu.yield
    }) : () -> ()
    return
  }
}

#map = affine_map<(d0, d1) -> (0, 0)>
#map1 = affine_map<(d0, d1) -> (0)>
module attributes {stable_mosaic.version = 14 : i64} {
  func.func @_sc_gather_kernel(%arg0: i32, %arg1: i32, %arg2: memref<100000x128xf32, #tpu.memory_space<hbm>>, %arg3: memref<10000x128xf32, #tpu.memory_space<hbm>>, %arg4: memref<160000xi32, #tpu.memory_space<hbm>>, %arg5: memref<160000xi32, #tpu.memory_space<hbm>>, %arg6: memref<160000x128xf32, #tpu.memory_space<hbm>>, %arg7: memref<160000x128xf32, #tpu.memory_space<hbm>>, %arg8: memref<200xi32, #tpu.memory_space<vmem>>, %arg9: memref<200xi32, #tpu.memory_space<vmem>>, %arg10: memref<200x128xf32, #tpu.memory_space<vmem>>, %arg11: memref<200x128xf32, #tpu.memory_space<vmem>>, %arg12: memref<!tpu.dma_semaphore, #tpu.memory_space<semaphore_mem>>, %arg13: memref<!tpu.dma_semaphore, #tpu.memory_space<semaphore_mem>>) attributes {dimension_semantics = [#tpu.dimension_semantics<core_parallel>, #tpu.dimension_semantics<subcore_parallel>], iteration_bounds = array<i64: 2, 16>, scalar_prefetch = 0 : i64, scratch_operands = 6 : i64, tpu.core_type = #tpu.core_type<sc_vector_subcore>, window_params = [{transform_indices = #map}, {transform_indices = #map}, {transform_indices = #map1}, {transform_indices = #map1}, {transform_indices = #map}, {transform_indices = #map}]} {
    %mul3A = arith.constant 2 : i32
    %mul3A_0 = arith.muli %arg1, %mul3A : i32
    %add3A = arith.addi %mul3A_0, %arg0 : i32
    %mul3A_1 = arith.constant 5000 : i32
    %mul3A_2 = arith.muli %add3A, %mul3A_1 : i32
    %multiple_of3A = tpu.assume_multiple %mul3A_2, 8 : i32
    %scan3A = arith.constant 0 : i32
    %scan3A_3 = arith.constant 0 : i32
    %scan3A_4 = arith.constant 25 : i32
    %scan3A_5 = arith.addi %scan3A_3, %scan3A_4 : i32
    %scan3A_6 = arith.constant 1 : i32
    scf.for %scan3A_8 = %scan3A_3 to %scan3A_5 step %scan3A_6  : i32 {
      %mul3A_9 = arith.constant 200 : i32
      %mul3A_10 = arith.muli %scan3A_8, %mul3A_9 : i32
      %add3A_11 = arith.addi %multiple_of3A, %mul3A_10 : i32
      %multiple_of3A_12 = tpu.assume_multiple %add3A_11, 8 : i32
      "tpu.region"() ({
        %run_scoped3A = tpu.sem_alloc : memref<!tpu.dma_semaphore, #tpu.memory_space<semaphore_mem>>
        %dma_start3A_23 = tpu.memref_slice %arg4[%multiple_of3A_12] : memref<160000xi32, #tpu.memory_space<hbm>> -> memref<200xi32, #tpu.memory_space<hbm>>
        %dma_start3A_24 = tpu.memref_slice %arg4[%multiple_of3A_12] : memref<160000xi32, #tpu.memory_space<hbm>> -> memref<200xi32, #tpu.memory_space<hbm>>
        tpu.enqueue_dma source(%dma_start3A_24 : memref<200xi32, #tpu.memory_space<hbm>>) target(%arg8 : memref<200xi32, #tpu.memory_space<vmem>>) target_semaphore(%run_scoped3A : memref<!tpu.dma_semaphore, #tpu.memory_space<semaphore_mem>>)
        %dma_wait3A_25 = tpu.memref_slice %arg4[%multiple_of3A_12] : memref<160000xi32, #tpu.memory_space<hbm>> -> memref<200xi32, #tpu.memory_space<hbm>>
        %dma_wait3A_26 = tpu.memref_slice %arg4[%multiple_of3A_12] : memref<160000xi32, #tpu.memory_space<hbm>> -> memref<200xi32, #tpu.memory_space<hbm>>
        tpu.wait_dma2 semaphore(%run_scoped3A : memref<!tpu.dma_semaphore, #tpu.memory_space<semaphore_mem>>) src(%dma_wait3A_26 : memref<200xi32, #tpu.memory_space<hbm>>) dst(%arg8 : memref<200xi32, #tpu.memory_space<vmem>>)
        tpu.yield
      }) : () -> ()
      "tpu.region"() ({
        %run_scoped3A = tpu.sem_alloc : memref<!tpu.dma_semaphore, #tpu.memory_space<semaphore_mem>>
        %dma_start3A_23 = tpu.memref_slice %arg5[%multiple_of3A_12] : memref<160000xi32, #tpu.memory_space<hbm>> -> memref<200xi32, #tpu.memory_space<hbm>>
        %dma_start3A_24 = tpu.memref_slice %arg5[%multiple_of3A_12] : memref<160000xi32, #tpu.memory_space<hbm>> -> memref<200xi32, #tpu.memory_space<hbm>>
        tpu.enqueue_dma source(%dma_start3A_24 : memref<200xi32, #tpu.memory_space<hbm>>) target(%arg9 : memref<200xi32, #tpu.memory_space<vmem>>) target_semaphore(%run_scoped3A : memref<!tpu.dma_semaphore, #tpu.memory_space<semaphore_mem>>)
        %dma_wait3A_25 = tpu.memref_slice %arg5[%multiple_of3A_12] : memref<160000xi32, #tpu.memory_space<hbm>> -> memref<200xi32, #tpu.memory_space<hbm>>
        %dma_wait3A_26 = tpu.memref_slice %arg5[%multiple_of3A_12] : memref<160000xi32, #tpu.memory_space<hbm>> -> memref<200xi32, #tpu.memory_space<hbm>>
        tpu.wait_dma2 semaphore(%run_scoped3A : memref<!tpu.dma_semaphore, #tpu.memory_space<semaphore_mem>>) src(%dma_wait3A_26 : memref<200xi32, #tpu.memory_space<hbm>>) dst(%arg9 : memref<200xi32, #tpu.memory_space<vmem>>)
        tpu.yield
      }) : () -> ()
      %dma_start3A = arith.constant 0 : i32
      %dma_start3A_13 = arith.constant 0 : i32
      %dma_start3A_14 = tpu.memref_slice %arg2[%dma_start3A, %dma_start3A_13] : memref<100000x128xf32, #tpu.memory_space<hbm>> -> memref<100000x128xf32, #tpu.memory_space<hbm>>
      tpu.enqueue_indirect_dma source(%dma_start3A_14 : memref<100000x128xf32, #tpu.memory_space<hbm>>) target(%arg10 : memref<200x128xf32, #tpu.memory_space<vmem>>) offsets(%arg8 : memref<200xi32, #tpu.memory_space<vmem>>) semaphore(%arg12 : memref<!tpu.dma_semaphore, #tpu.memory_space<semaphore_mem>>)
      %dma_start3A_15 = arith.constant 0 : i32
      %dma_start3A_16 = arith.constant 0 : i32
      %dma_start3A_17 = tpu.memref_slice %arg3[%dma_start3A_15, %dma_start3A_16] : memref<10000x128xf32, #tpu.memory_space<hbm>> -> memref<10000x128xf32, #tpu.memory_space<hbm>>
      tpu.enqueue_indirect_dma source(%dma_start3A_17 : memref<10000x128xf32, #tpu.memory_space<hbm>>) target(%arg11 : memref<200x128xf32, #tpu.memory_space<vmem>>) offsets(%arg9 : memref<200xi32, #tpu.memory_space<vmem>>) semaphore(%arg13 : memref<!tpu.dma_semaphore, #tpu.memory_space<semaphore_mem>>)
      %dma_wait3A = arith.constant 0 : i32
      %dma_wait3A_18 = arith.constant 0 : i32
      %dma_wait3A_19 = tpu.memref_slice %arg2[%dma_wait3A, %dma_wait3A_18] : memref<100000x128xf32, #tpu.memory_space<hbm>> -> memref<100000x128xf32, #tpu.memory_space<hbm>>
      tpu.wait_indirect_dma semaphore(%arg12 : memref<!tpu.dma_semaphore, #tpu.memory_space<semaphore_mem>>) src(%dma_wait3A_19 : memref<100000x128xf32, #tpu.memory_space<hbm>>) dst(%arg10 : memref<200x128xf32, #tpu.memory_space<vmem>>)
      %dma_wait3A_20 = arith.constant 0 : i32
      %dma_wait3A_21 = arith.constant 0 : i32
      %dma_wait3A_22 = tpu.memref_slice %arg3[%dma_wait3A_20, %dma_wait3A_21] : memref<10000x128xf32, #tpu.memory_space<hbm>> -> memref<10000x128xf32, #tpu.memory_space<hbm>>
      tpu.wait_indirect_dma semaphore(%arg13 : memref<!tpu.dma_semaphore, #tpu.memory_space<semaphore_mem>>) src(%dma_wait3A_22 : memref<10000x128xf32, #tpu.memory_space<hbm>>) dst(%arg11 : memref<200x128xf32, #tpu.memory_space<vmem>>)
      "tpu.region"() ({
        %run_scoped3A = tpu.sem_alloc : memref<!tpu.dma_semaphore, #tpu.memory_space<semaphore_mem>>
        %dma_start3A_23 = arith.constant 0 : i32
        %dma_start3A_24 = tpu.memref_slice %arg6[%multiple_of3A_12, %dma_start3A_23] : memref<160000x128xf32, #tpu.memory_space<hbm>> -> memref<200x128xf32, #tpu.memory_space<hbm>>
        %dma_start3A_25 = arith.constant 0 : i32
        %dma_start3A_26 = tpu.memref_slice %arg6[%multiple_of3A_12, %dma_start3A_25] : memref<160000x128xf32, #tpu.memory_space<hbm>> -> memref<200x128xf32, #tpu.memory_space<hbm>>
        tpu.enqueue_dma source(%arg10 : memref<200x128xf32, #tpu.memory_space<vmem>>) target(%dma_start3A_26 : memref<200x128xf32, #tpu.memory_space<hbm>>) target_semaphore(%run_scoped3A : memref<!tpu.dma_semaphore, #tpu.memory_space<semaphore_mem>>)
        %dma_wait3A_27 = arith.constant 0 : i32
        %dma_wait3A_28 = tpu.memref_slice %arg6[%multiple_of3A_12, %dma_wait3A_27] : memref<160000x128xf32, #tpu.memory_space<hbm>> -> memref<200x128xf32, #tpu.memory_space<hbm>>
        %dma_wait3A_29 = arith.constant 0 : i32
        %dma_wait3A_30 = tpu.memref_slice %arg6[%multiple_of3A_12, %dma_wait3A_29] : memref<160000x128xf32, #tpu.memory_space<hbm>> -> memref<200x128xf32, #tpu.memory_space<hbm>>
        tpu.wait_dma2 semaphore(%run_scoped3A : memref<!tpu.dma_semaphore, #tpu.memory_space<semaphore_mem>>) src(%arg10 : memref<200x128xf32, #tpu.memory_space<vmem>>) dst(%dma_wait3A_30 : memref<200x128xf32, #tpu.memory_space<hbm>>)
        tpu.yield
      }) : () -> ()
      "tpu.region"() ({
        %run_scoped3A = tpu.sem_alloc : memref<!tpu.dma_semaphore, #tpu.memory_space<semaphore_mem>>
        %dma_start3A_23 = arith.constant 0 : i32
        %dma_start3A_24 = tpu.memref_slice %arg7[%multiple_of3A_12, %dma_start3A_23] : memref<160000x128xf32, #tpu.memory_space<hbm>> -> memref<200x128xf32, #tpu.memory_space<hbm>>
        %dma_start3A_25 = arith.constant 0 : i32
        %dma_start3A_26 = tpu.memref_slice %arg7[%multiple_of3A_12, %dma_start3A_25] : memref<160000x128xf32, #tpu.memory_space<hbm>> -> memref<200x128xf32, #tpu.memory_space<hbm>>
        tpu.enqueue_dma source(%arg11 : memref<200x128xf32, #tpu.memory_space<vmem>>) target(%dma_start3A_26 : memref<200x128xf32, #tpu.memory_space<hbm>>) target_semaphore(%run_scoped3A : memref<!tpu.dma_semaphore, #tpu.memory_space<semaphore_mem>>)
        %dma_wait3A_27 = arith.constant 0 : i32
        %dma_wait3A_28 = tpu.memref_slice %arg7[%multiple_of3A_12, %dma_wait3A_27] : memref<160000x128xf32, #tpu.memory_space<hbm>> -> memref<200x128xf32, #tpu.memory_space<hbm>>
        %dma_wait3A_29 = arith.constant 0 : i32
        %dma_wait3A_30 = tpu.memref_slice %arg7[%multiple_of3A_12, %dma_wait3A_29] : memref<160000x128xf32, #tpu.memory_space<hbm>> -> memref<200x128xf32, #tpu.memory_space<hbm>>
        tpu.wait_dma2 semaphore(%run_scoped3A : memref<!tpu.dma_semaphore, #tpu.memory_space<semaphore_mem>>) src(%arg11 : memref<200x128xf32, #tpu.memory_space<vmem>>) dst(%dma_wait3A_30 : memref<200x128xf32, #tpu.memory_space<hbm>>)
        tpu.yield
      }) : () -> ()
    }
    %scan3A_7 = arith.constant 25 : i32
    return
  }
}

#map = affine_map<(d0, d1) -> (0, 0)>
#map1 = affine_map<(d0, d1) -> (0)>
module attributes {stable_mosaic.version = 14 : i64} {
  func.func @_sc_scatter_kernel(%arg0: i32, %arg1: i32, %arg2: memref<160000x128xf32, #tpu.memory_space<hbm>>, %arg3: memref<160000xi32, #tpu.memory_space<hbm>>, %arg4: memref<640x128xf32, #tpu.memory_space<hbm>>, %arg5: memref<20480x128xf32, #tpu.memory_space<hbm>>, %arg6: memref<200xi32, #tpu.memory_space<vmem>>, %arg7: memref<200x128xf32, #tpu.memory_space<vmem>>, %arg8: memref<10240x128xf32, #tpu.memory_space<vmem_shared>>) attributes {dimension_semantics = [#tpu.dimension_semantics<core_parallel>, #tpu.dimension_semantics<subcore_parallel>], iteration_bounds = array<i64: 2, 16>, scalar_prefetch = 0 : i64, scratch_operands = 3 : i64, tpu.core_type = #tpu.core_type<sc_vector_subcore>, window_params = [{transform_indices = #map}, {transform_indices = #map1}, {transform_indices = #map}, {transform_indices = #map}]} {
    %mul3A = arith.constant 2 : i32
    %mul3A_0 = arith.muli %arg1, %mul3A : i32
    %add3A = arith.addi %mul3A_0, %arg0 : i32
    %mul3A_1 = arith.constant 5000 : i32
    %mul3A_2 = arith.muli %add3A, %mul3A_1 : i32
    %multiple_of3A = tpu.assume_multiple %mul3A_2, 8 : i32
    %mul3A_3 = arith.constant 640 : i32
    %mul3A_4 = arith.muli %arg1, %mul3A_3 : i32
    "tpu.region"() ({
      %run_scoped3A = tpu.sem_alloc : memref<!tpu.dma_semaphore, #tpu.memory_space<semaphore_mem>>
      %dma_start3A = arith.constant 0 : i32
      %dma_start3A_18 = tpu.memref_slice %arg8[%mul3A_4, %dma_start3A] : memref<10240x128xf32, #tpu.memory_space<vmem_shared>> -> memref<640x128xf32, #tpu.memory_space<vmem_shared>>
      tpu.enqueue_dma source(%arg4 : memref<640x128xf32, #tpu.memory_space<hbm>>) target(%dma_start3A_18 : memref<640x128xf32, #tpu.memory_space<vmem_shared>>) target_semaphore(%run_scoped3A : memref<!tpu.dma_semaphore, #tpu.memory_space<semaphore_mem>>)
      %dma_wait3A = arith.constant 0 : i32
      %dma_wait3A_19 = tpu.memref_slice %arg8[%mul3A_4, %dma_wait3A] : memref<10240x128xf32, #tpu.memory_space<vmem_shared>> -> memref<640x128xf32, #tpu.memory_space<vmem_shared>>
      tpu.wait_dma2 semaphore(%run_scoped3A : memref<!tpu.dma_semaphore, #tpu.memory_space<semaphore_mem>>) src(%arg4 : memref<640x128xf32, #tpu.memory_space<hbm>>) dst(%dma_wait3A_19 : memref<640x128xf32, #tpu.memory_space<vmem_shared>>)
      tpu.yield
    }) : () -> ()
    %barrier3A = arith.constant 0 : index
    tpu.barrier barrier_id(%barrier3A)
    %scan3A = arith.constant 0 : i32
    %scan3A_5 = arith.constant 0 : i32
    %scan3A_6 = arith.constant 25 : i32
    %scan3A_7 = arith.addi %scan3A_5, %scan3A_6 : i32
    %scan3A_8 = arith.constant 1 : i32
    scf.for %scan3A_18 = %scan3A_5 to %scan3A_7 step %scan3A_8  : i32 {
      %mul3A_19 = arith.constant 200 : i32
      %mul3A_20 = arith.muli %scan3A_18, %mul3A_19 : i32
      %add3A_21 = arith.addi %multiple_of3A, %mul3A_20 : i32
      %multiple_of3A_22 = tpu.assume_multiple %add3A_21, 8 : i32
      "tpu.region"() ({
        %run_scoped3A = tpu.sem_alloc : memref<!tpu.dma_semaphore, #tpu.memory_space<semaphore_mem>>
        %dma_start3A = tpu.memref_slice %arg3[%multiple_of3A_22] : memref<160000xi32, #tpu.memory_space<hbm>> -> memref<200xi32, #tpu.memory_space<hbm>>
        %dma_start3A_23 = tpu.memref_slice %arg3[%multiple_of3A_22] : memref<160000xi32, #tpu.memory_space<hbm>> -> memref<200xi32, #tpu.memory_space<hbm>>
        tpu.enqueue_dma source(%dma_start3A_23 : memref<200xi32, #tpu.memory_space<hbm>>) target(%arg6 : memref<200xi32, #tpu.memory_space<vmem>>) target_semaphore(%run_scoped3A : memref<!tpu.dma_semaphore, #tpu.memory_space<semaphore_mem>>)
        %dma_wait3A = tpu.memref_slice %arg3[%multiple_of3A_22] : memref<160000xi32, #tpu.memory_space<hbm>> -> memref<200xi32, #tpu.memory_space<hbm>>
        %dma_wait3A_24 = tpu.memref_slice %arg3[%multiple_of3A_22] : memref<160000xi32, #tpu.memory_space<hbm>> -> memref<200xi32, #tpu.memory_space<hbm>>
        tpu.wait_dma2 semaphore(%run_scoped3A : memref<!tpu.dma_semaphore, #tpu.memory_space<semaphore_mem>>) src(%dma_wait3A_24 : memref<200xi32, #tpu.memory_space<hbm>>) dst(%arg6 : memref<200xi32, #tpu.memory_space<vmem>>)
        tpu.yield
      }) : () -> ()
      "tpu.region"() ({
        %run_scoped3A = tpu.sem_alloc : memref<!tpu.dma_semaphore, #tpu.memory_space<semaphore_mem>>
        %dma_start3A = arith.constant 0 : i32
        %dma_start3A_23 = tpu.memref_slice %arg2[%multiple_of3A_22, %dma_start3A] : memref<160000x128xf32, #tpu.memory_space<hbm>> -> memref<200x128xf32, #tpu.memory_space<hbm>>
        %dma_start3A_24 = arith.constant 0 : i32
        %dma_start3A_25 = tpu.memref_slice %arg2[%multiple_of3A_22, %dma_start3A_24] : memref<160000x128xf32, #tpu.memory_space<hbm>> -> memref<200x128xf32, #tpu.memory_space<hbm>>
        tpu.enqueue_dma source(%dma_start3A_25 : memref<200x128xf32, #tpu.memory_space<hbm>>) target(%arg7 : memref<200x128xf32, #tpu.memory_space<vmem>>) target_semaphore(%run_scoped3A : memref<!tpu.dma_semaphore, #tpu.memory_space<semaphore_mem>>)
        %dma_wait3A = arith.constant 0 : i32
        %dma_wait3A_26 = tpu.memref_slice %arg2[%multiple_of3A_22, %dma_wait3A] : memref<160000x128xf32, #tpu.memory_space<hbm>> -> memref<200x128xf32, #tpu.memory_space<hbm>>
        %dma_wait3A_27 = arith.constant 0 : i32
        %dma_wait3A_28 = tpu.memref_slice %arg2[%multiple_of3A_22, %dma_wait3A_27] : memref<160000x128xf32, #tpu.memory_space<hbm>> -> memref<200x128xf32, #tpu.memory_space<hbm>>
        tpu.wait_dma2 semaphore(%run_scoped3A : memref<!tpu.dma_semaphore, #tpu.memory_space<semaphore_mem>>) src(%dma_wait3A_28 : memref<200x128xf32, #tpu.memory_space<hbm>>) dst(%arg7 : memref<200x128xf32, #tpu.memory_space<vmem>>)
        tpu.yield
      }) : () -> ()
      "tpu.region"() ({
        %run_scoped3A = tpu.sem_alloc : memref<!tpu.dma_semaphore, #tpu.memory_space<semaphore_mem>>
        %dma_start3A = arith.constant 0 : i32
        %dma_start3A_23 = arith.constant 0 : i32
        %dma_start3A_24 = tpu.memref_slice %arg8[%dma_start3A, %dma_start3A_23] : memref<10240x128xf32, #tpu.memory_space<vmem_shared>> -> memref<10240x128xf32, #tpu.memory_space<vmem_shared>>
        tpu.enqueue_indirect_dma source(%arg7 : memref<200x128xf32, #tpu.memory_space<vmem>>) target(%dma_start3A_24 : memref<10240x128xf32, #tpu.memory_space<vmem_shared>>) offsets(%arg6 : memref<200xi32, #tpu.memory_space<vmem>>) semaphore(%run_scoped3A : memref<!tpu.dma_semaphore, #tpu.memory_space<semaphore_mem>>) {add = true}
        %dma_wait3A = arith.constant 0 : i32
        %dma_wait3A_25 = arith.constant 0 : i32
        %dma_wait3A_26 = tpu.memref_slice %arg8[%dma_wait3A, %dma_wait3A_25] : memref<10240x128xf32, #tpu.memory_space<vmem_shared>> -> memref<10240x128xf32, #tpu.memory_space<vmem_shared>>
        tpu.wait_indirect_dma semaphore(%run_scoped3A : memref<!tpu.dma_semaphore, #tpu.memory_space<semaphore_mem>>) src(%arg7 : memref<200x128xf32, #tpu.memory_space<vmem>>) dst(%dma_wait3A_26 : memref<10240x128xf32, #tpu.memory_space<vmem_shared>>)
        tpu.yield
      }) : () -> ()
    }
    %scan3A_9 = arith.constant 25 : i32
    %barrier3A_10 = arith.constant 0 : index
    tpu.barrier barrier_id(%barrier3A_10)
    %mul3A_11 = arith.constant 640 : i32
    %mul3A_12 = arith.muli %arg1, %mul3A_11 : i32
    %mul3A_13 = arith.constant 10240 : i32
    %mul3A_14 = arith.muli %arg0, %mul3A_13 : i32
    %mul3A_15 = arith.constant 640 : i32
    %mul3A_16 = arith.muli %arg1, %mul3A_15 : i32
    %add3A_17 = arith.addi %mul3A_14, %mul3A_16 : i32
    "tpu.region"() ({
      %run_scoped3A = tpu.sem_alloc : memref<!tpu.dma_semaphore, #tpu.memory_space<semaphore_mem>>
      %dma_start3A = arith.constant 0 : i32
      %dma_start3A_18 = tpu.memref_slice %arg5[%add3A_17, %dma_start3A] : memref<20480x128xf32, #tpu.memory_space<hbm>> -> memref<640x128xf32, #tpu.memory_space<hbm>>
      %dma_start3A_19 = arith.constant 0 : i32
      %dma_start3A_20 = tpu.memref_slice %arg8[%mul3A_12, %dma_start3A_19] : memref<10240x128xf32, #tpu.memory_space<vmem_shared>> -> memref<640x128xf32, #tpu.memory_space<vmem_shared>>
      tpu.enqueue_dma source(%dma_start3A_20 : memref<640x128xf32, #tpu.memory_space<vmem_shared>>) target(%dma_start3A_18 : memref<640x128xf32, #tpu.memory_space<hbm>>) target_semaphore(%run_scoped3A : memref<!tpu.dma_semaphore, #tpu.memory_space<semaphore_mem>>)
      %dma_wait3A = arith.constant 0 : i32
      %dma_wait3A_21 = tpu.memref_slice %arg5[%add3A_17, %dma_wait3A] : memref<20480x128xf32, #tpu.memory_space<hbm>> -> memref<640x128xf32, #tpu.memory_space<hbm>>
      %dma_wait3A_22 = arith.constant 0 : i32
      %dma_wait3A_23 = tpu.memref_slice %arg8[%mul3A_12, %dma_wait3A_22] : memref<10240x128xf32, #tpu.memory_space<vmem_shared>> -> memref<640x128xf32, #tpu.memory_space<vmem_shared>>
      tpu.wait_dma2 semaphore(%run_scoped3A : memref<!tpu.dma_semaphore, #tpu.memory_space<semaphore_mem>>) src(%dma_wait3A_23 : memref<640x128xf32, #tpu.memory_space<vmem_shared>>) dst(%dma_wait3A_21 : memref<640x128xf32, #tpu.memory_space<hbm>>)
      tpu.yield
    }) : () -> ()
    return
  }
}

#map = affine_map<(d0, d1) -> (0, 0)>
#map1 = affine_map<(d0, d1) -> (0)>
module attributes {stable_mosaic.version = 14 : i64} {
  func.func @_sc_gather_kernel(%arg0: i32, %arg1: i32, %arg2: memref<100000x128xf32, #tpu.memory_space<hbm>>, %arg3: memref<10000x128xf32, #tpu.memory_space<hbm>>, %arg4: memref<160000xi32, #tpu.memory_space<hbm>>, %arg5: memref<160000xi32, #tpu.memory_space<hbm>>, %arg6: memref<160000x128xf32, #tpu.memory_space<hbm>>, %arg7: memref<160000x128xf32, #tpu.memory_space<hbm>>, %arg8: memref<200xi32, #tpu.memory_space<vmem>>, %arg9: memref<200xi32, #tpu.memory_space<vmem>>, %arg10: memref<200x128xf32, #tpu.memory_space<vmem>>, %arg11: memref<200x128xf32, #tpu.memory_space<vmem>>, %arg12: memref<!tpu.dma_semaphore, #tpu.memory_space<semaphore_mem>>, %arg13: memref<!tpu.dma_semaphore, #tpu.memory_space<semaphore_mem>>) attributes {dimension_semantics = [#tpu.dimension_semantics<core_parallel>, #tpu.dimension_semantics<subcore_parallel>], iteration_bounds = array<i64: 2, 16>, scalar_prefetch = 0 : i64, scratch_operands = 6 : i64, tpu.core_type = #tpu.core_type<sc_vector_subcore>, window_params = [{transform_indices = #map}, {transform_indices = #map}, {transform_indices = #map1}, {transform_indices = #map1}, {transform_indices = #map}, {transform_indices = #map}]} {
    %mul3A = arith.constant 2 : i32
    %mul3A_0 = arith.muli %arg1, %mul3A : i32
    %add3A = arith.addi %mul3A_0, %arg0 : i32
    %mul3A_1 = arith.constant 5000 : i32
    %mul3A_2 = arith.muli %add3A, %mul3A_1 : i32
    %multiple_of3A = tpu.assume_multiple %mul3A_2, 8 : i32
    %scan3A = arith.constant 0 : i32
    %scan3A_3 = arith.constant 0 : i32
    %scan3A_4 = arith.constant 25 : i32
    %scan3A_5 = arith.addi %scan3A_3, %scan3A_4 : i32
    %scan3A_6 = arith.constant 1 : i32
    scf.for %scan3A_8 = %scan3A_3 to %scan3A_5 step %scan3A_6  : i32 {
      %mul3A_9 = arith.constant 200 : i32
      %mul3A_10 = arith.muli %scan3A_8, %mul3A_9 : i32
      %add3A_11 = arith.addi %multiple_of3A, %mul3A_10 : i32
      %multiple_of3A_12 = tpu.assume_multiple %add3A_11, 8 : i32
      "tpu.region"() ({
        %run_scoped3A = tpu.sem_alloc : memref<!tpu.dma_semaphore, #tpu.memory_space<semaphore_mem>>
        %dma_start3A_23 = tpu.memref_slice %arg4[%multiple_of3A_12] : memref<160000xi32, #tpu.memory_space<hbm>> -> memref<200xi32, #tpu.memory_space<hbm>>
        %dma_start3A_24 = tpu.memref_slice %arg4[%multiple_of3A_12] : memref<160000xi32, #tpu.memory_space<hbm>> -> memref<200xi32, #tpu.memory_space<hbm>>
        tpu.enqueue_dma source(%dma_start3A_24 : memref<200xi32, #tpu.memory_space<hbm>>) target(%arg8 : memref<200xi32, #tpu.memory_space<vmem>>) target_semaphore(%run_scoped3A : memref<!tpu.dma_semaphore, #tpu.memory_space<semaphore_mem>>)
        %dma_wait3A_25 = tpu.memref_slice %arg4[%multiple_of3A_12] : memref<160000xi32, #tpu.memory_space<hbm>> -> memref<200xi32, #tpu.memory_space<hbm>>
        %dma_wait3A_26 = tpu.memref_slice %arg4[%multiple_of3A_12] : memref<160000xi32, #tpu.memory_space<hbm>> -> memref<200xi32, #tpu.memory_space<hbm>>
        tpu.wait_dma2 semaphore(%run_scoped3A : memref<!tpu.dma_semaphore, #tpu.memory_space<semaphore_mem>>) src(%dma_wait3A_26 : memref<200xi32, #tpu.memory_space<hbm>>) dst(%arg8 : memref<200xi32, #tpu.memory_space<vmem>>)
        tpu.yield
      }) : () -> ()
      "tpu.region"() ({
        %run_scoped3A = tpu.sem_alloc : memref<!tpu.dma_semaphore, #tpu.memory_space<semaphore_mem>>
        %dma_start3A_23 = tpu.memref_slice %arg5[%multiple_of3A_12] : memref<160000xi32, #tpu.memory_space<hbm>> -> memref<200xi32, #tpu.memory_space<hbm>>
        %dma_start3A_24 = tpu.memref_slice %arg5[%multiple_of3A_12] : memref<160000xi32, #tpu.memory_space<hbm>> -> memref<200xi32, #tpu.memory_space<hbm>>
        tpu.enqueue_dma source(%dma_start3A_24 : memref<200xi32, #tpu.memory_space<hbm>>) target(%arg9 : memref<200xi32, #tpu.memory_space<vmem>>) target_semaphore(%run_scoped3A : memref<!tpu.dma_semaphore, #tpu.memory_space<semaphore_mem>>)
        %dma_wait3A_25 = tpu.memref_slice %arg5[%multiple_of3A_12] : memref<160000xi32, #tpu.memory_space<hbm>> -> memref<200xi32, #tpu.memory_space<hbm>>
        %dma_wait3A_26 = tpu.memref_slice %arg5[%multiple_of3A_12] : memref<160000xi32, #tpu.memory_space<hbm>> -> memref<200xi32, #tpu.memory_space<hbm>>
        tpu.wait_dma2 semaphore(%run_scoped3A : memref<!tpu.dma_semaphore, #tpu.memory_space<semaphore_mem>>) src(%dma_wait3A_26 : memref<200xi32, #tpu.memory_space<hbm>>) dst(%arg9 : memref<200xi32, #tpu.memory_space<vmem>>)
        tpu.yield
      }) : () -> ()
      %dma_start3A = arith.constant 0 : i32
      %dma_start3A_13 = arith.constant 0 : i32
      %dma_start3A_14 = tpu.memref_slice %arg2[%dma_start3A, %dma_start3A_13] : memref<100000x128xf32, #tpu.memory_space<hbm>> -> memref<100000x128xf32, #tpu.memory_space<hbm>>
      tpu.enqueue_indirect_dma source(%dma_start3A_14 : memref<100000x128xf32, #tpu.memory_space<hbm>>) target(%arg10 : memref<200x128xf32, #tpu.memory_space<vmem>>) offsets(%arg8 : memref<200xi32, #tpu.memory_space<vmem>>) semaphore(%arg12 : memref<!tpu.dma_semaphore, #tpu.memory_space<semaphore_mem>>)
      %dma_start3A_15 = arith.constant 0 : i32
      %dma_start3A_16 = arith.constant 0 : i32
      %dma_start3A_17 = tpu.memref_slice %arg3[%dma_start3A_15, %dma_start3A_16] : memref<10000x128xf32, #tpu.memory_space<hbm>> -> memref<10000x128xf32, #tpu.memory_space<hbm>>
      tpu.enqueue_indirect_dma source(%dma_start3A_17 : memref<10000x128xf32, #tpu.memory_space<hbm>>) target(%arg11 : memref<200x128xf32, #tpu.memory_space<vmem>>) offsets(%arg9 : memref<200xi32, #tpu.memory_space<vmem>>) semaphore(%arg13 : memref<!tpu.dma_semaphore, #tpu.memory_space<semaphore_mem>>)
      %dma_wait3A = arith.constant 0 : i32
      %dma_wait3A_18 = arith.constant 0 : i32
      %dma_wait3A_19 = tpu.memref_slice %arg2[%dma_wait3A, %dma_wait3A_18] : memref<100000x128xf32, #tpu.memory_space<hbm>> -> memref<100000x128xf32, #tpu.memory_space<hbm>>
      tpu.wait_indirect_dma semaphore(%arg12 : memref<!tpu.dma_semaphore, #tpu.memory_space<semaphore_mem>>) src(%dma_wait3A_19 : memref<100000x128xf32, #tpu.memory_space<hbm>>) dst(%arg10 : memref<200x128xf32, #tpu.memory_space<vmem>>)
      %dma_wait3A_20 = arith.constant 0 : i32
      %dma_wait3A_21 = arith.constant 0 : i32
      %dma_wait3A_22 = tpu.memref_slice %arg3[%dma_wait3A_20, %dma_wait3A_21] : memref<10000x128xf32, #tpu.memory_space<hbm>> -> memref<10000x128xf32, #tpu.memory_space<hbm>>
      tpu.wait_indirect_dma semaphore(%arg13 : memref<!tpu.dma_semaphore, #tpu.memory_space<semaphore_mem>>) src(%dma_wait3A_22 : memref<10000x128xf32, #tpu.memory_space<hbm>>) dst(%arg11 : memref<200x128xf32, #tpu.memory_space<vmem>>)
      "tpu.region"() ({
        %run_scoped3A = tpu.sem_alloc : memref<!tpu.dma_semaphore, #tpu.memory_space<semaphore_mem>>
        %dma_start3A_23 = arith.constant 0 : i32
        %dma_start3A_24 = tpu.memref_slice %arg6[%multiple_of3A_12, %dma_start3A_23] : memref<160000x128xf32, #tpu.memory_space<hbm>> -> memref<200x128xf32, #tpu.memory_space<hbm>>
        %dma_start3A_25 = arith.constant 0 : i32
        %dma_start3A_26 = tpu.memref_slice %arg6[%multiple_of3A_12, %dma_start3A_25] : memref<160000x128xf32, #tpu.memory_space<hbm>> -> memref<200x128xf32, #tpu.memory_space<hbm>>
        tpu.enqueue_dma source(%arg10 : memref<200x128xf32, #tpu.memory_space<vmem>>) target(%dma_start3A_26 : memref<200x128xf32, #tpu.memory_space<hbm>>) target_semaphore(%run_scoped3A : memref<!tpu.dma_semaphore, #tpu.memory_space<semaphore_mem>>)
        %dma_wait3A_27 = arith.constant 0 : i32
        %dma_wait3A_28 = tpu.memref_slice %arg6[%multiple_of3A_12, %dma_wait3A_27] : memref<160000x128xf32, #tpu.memory_space<hbm>> -> memref<200x128xf32, #tpu.memory_space<hbm>>
        %dma_wait3A_29 = arith.constant 0 : i32
        %dma_wait3A_30 = tpu.memref_slice %arg6[%multiple_of3A_12, %dma_wait3A_29] : memref<160000x128xf32, #tpu.memory_space<hbm>> -> memref<200x128xf32, #tpu.memory_space<hbm>>
        tpu.wait_dma2 semaphore(%run_scoped3A : memref<!tpu.dma_semaphore, #tpu.memory_space<semaphore_mem>>) src(%arg10 : memref<200x128xf32, #tpu.memory_space<vmem>>) dst(%dma_wait3A_30 : memref<200x128xf32, #tpu.memory_space<hbm>>)
        tpu.yield
      }) : () -> ()
      "tpu.region"() ({
        %run_scoped3A = tpu.sem_alloc : memref<!tpu.dma_semaphore, #tpu.memory_space<semaphore_mem>>
        %dma_start3A_23 = arith.constant 0 : i32
        %dma_start3A_24 = tpu.memref_slice %arg7[%multiple_of3A_12, %dma_start3A_23] : memref<160000x128xf32, #tpu.memory_space<hbm>> -> memref<200x128xf32, #tpu.memory_space<hbm>>
        %dma_start3A_25 = arith.constant 0 : i32
        %dma_start3A_26 = tpu.memref_slice %arg7[%multiple_of3A_12, %dma_start3A_25] : memref<160000x128xf32, #tpu.memory_space<hbm>> -> memref<200x128xf32, #tpu.memory_space<hbm>>
        tpu.enqueue_dma source(%arg11 : memref<200x128xf32, #tpu.memory_space<vmem>>) target(%dma_start3A_26 : memref<200x128xf32, #tpu.memory_space<hbm>>) target_semaphore(%run_scoped3A : memref<!tpu.dma_semaphore, #tpu.memory_space<semaphore_mem>>)
        %dma_wait3A_27 = arith.constant 0 : i32
        %dma_wait3A_28 = tpu.memref_slice %arg7[%multiple_of3A_12, %dma_wait3A_27] : memref<160000x128xf32, #tpu.memory_space<hbm>> -> memref<200x128xf32, #tpu.memory_space<hbm>>
        %dma_wait3A_29 = arith.constant 0 : i32
        %dma_wait3A_30 = tpu.memref_slice %arg7[%multiple_of3A_12, %dma_wait3A_29] : memref<160000x128xf32, #tpu.memory_space<hbm>> -> memref<200x128xf32, #tpu.memory_space<hbm>>
        tpu.wait_dma2 semaphore(%run_scoped3A : memref<!tpu.dma_semaphore, #tpu.memory_space<semaphore_mem>>) src(%arg11 : memref<200x128xf32, #tpu.memory_space<vmem>>) dst(%dma_wait3A_30 : memref<200x128xf32, #tpu.memory_space<hbm>>)
        tpu.yield
      }) : () -> ()
    }
    %scan3A_7 = arith.constant 25 : i32
    return
  }
}

module attributes {stable_mosaic.version = 14 : i64} {
  func.func @_mesh_body(%arg0: i32, %arg1: memref<3x2048xf32, #tpu.memory_space<vmem>>, %arg2: memref<3x128xf32, #tpu.memory_space<vmem>>, %arg3: memref<1x128xf32, #tpu.memory_space<vmem>>, %arg4: memref<128x128xf32, #tpu.memory_space<vmem>>, %arg5: memref<1x128xf32, #tpu.memory_space<vmem>>, %arg6: memref<1x128xf32, #tpu.memory_space<vmem>>, %arg7: memref<1x128xf32, #tpu.memory_space<vmem>>, %arg8: memref<128x128xf32, #tpu.memory_space<vmem>>, %arg9: memref<2048x128xf32, #tpu.memory_space<vmem>>, %arg10: memref<2048x128xf32, #tpu.memory_space<vmem>>) attributes {dimension_semantics = [#tpu.dimension_semantics<arbitrary>], iteration_bounds = array<i64: 5>, scalar_prefetch = 0 : i64, scratch_operands = 0 : i64, tpu.core_type = #tpu.core_type<tc>, window_params = [{transform_indices = @transform_0, window_bounds = array<i64: 3, 2048>}, {pipeline_mode = #tpu.pipeline_mode<synchronous>, transform_indices = @transform_1, window_bounds = array<i64: 3, 128>}, {pipeline_mode = #tpu.pipeline_mode<synchronous>, transform_indices = @transform_2, window_bounds = array<i64: 1, 128>}, {pipeline_mode = #tpu.pipeline_mode<synchronous>, transform_indices = @transform_3, window_bounds = array<i64: 128, 128>}, {pipeline_mode = #tpu.pipeline_mode<synchronous>, transform_indices = @transform_4, window_bounds = array<i64: 1, 128>}, {pipeline_mode = #tpu.pipeline_mode<synchronous>, transform_indices = @transform_5, window_bounds = array<i64: 1, 128>}, {pipeline_mode = #tpu.pipeline_mode<synchronous>, transform_indices = @transform_6, window_bounds = array<i64: 1, 128>}, {pipeline_mode = #tpu.pipeline_mode<synchronous>, transform_indices = @transform_7, window_bounds = array<i64: 128, 128>}, {transform_indices = @transform_8, window_bounds = array<i64: 2048, 128>}, {transform_indices = @transform_9, window_bounds = array<i64: 2048, 128>}]} {
    %get3A = arith.constant 0 : index
    %get3A_0 = arith.constant 0 : index
    %get3A_1 = vector.load %arg1[%get3A, %get3A_0] : memref<3x2048xf32, #tpu.memory_space<vmem>>, vector<3x2048xf32>
    %get3A_2 = arith.constant 0 : index
    %get3A_3 = arith.constant 0 : index
    %get3A_4 = vector.load %arg2[%get3A_2, %get3A_3] : memref<3x128xf32, #tpu.memory_space<vmem>>, vector<3x128xf32>
    %dot_general3A = arith.constant dense<0.000000e+00> : vector<2048x128xf32>
    %dot_general3A_5 = tpu.matmul %get3A_1, %get3A_4, %dot_general3A {dimension_numbers = #tpu.dot_dimension_numbers<[0], [0], [1], [1], [0, 1, 1, 1], [], []>, transpose_lhs_hint = false} : vector<3x2048xf32>, vector<3x128xf32>, vector<2048x128xf32> -> vector<2048x128xf32>
    %get3A_6 = arith.constant 0 : index
    %get3A_7 = arith.constant 0 : index
    %get3A_8 = vector.load %arg3[%get3A_6, %get3A_7] : memref<1x128xf32, #tpu.memory_space<vmem>>, vector<1x128xf32>
    %add3A = vector.broadcast %get3A_8 : vector<1x128xf32> to vector<2048x128xf32>
    %add3A_9 = arith.addf %dot_general3A_5, %add3A : vector<2048x128xf32>
    %neg3A = arith.constant 0.000000e+00 : f32
    %neg3A_10 = vector.broadcast %neg3A : f32 to vector<2048x128xf32>
    %neg3A_11 = arith.subf %neg3A_10, %add3A_9 : vector<2048x128xf32>
    %exp3A = math.exp %neg3A_11 : vector<2048x128xf32>
    %add3A_12 = arith.constant 1.000000e+00 : f32
    %add3A_13 = vector.broadcast %add3A_12 : f32 to vector<2048x128xf32>
    %add3A_14 = arith.addf %add3A_13, %exp3A : vector<2048x128xf32>
    %div3A = arith.constant 1.000000e+00 : f32
    %div3A_15 = vector.broadcast %div3A : f32 to vector<2048x128xf32>
    %div3A_16 = arith.divf %div3A_15, %add3A_14 : vector<2048x128xf32>
    %mul3A = arith.mulf %add3A_9, %div3A_16 : vector<2048x128xf32>
    %get3A_17 = arith.constant 0 : index
    %get3A_18 = arith.constant 0 : index
    %get3A_19 = vector.load %arg4[%get3A_17, %get3A_18] : memref<128x128xf32, #tpu.memory_space<vmem>>, vector<128x128xf32>
    %dot_general3A_20 = arith.constant dense<0.000000e+00> : vector<2048x128xf32>
    %dot_general3A_21 = tpu.matmul %mul3A, %get3A_19, %dot_general3A_20 {dimension_numbers = #tpu.dot_dimension_numbers<[1], [0], [0], [1], [0, 0, 1, 1], [], []>, transpose_lhs_hint = false} : vector<2048x128xf32>, vector<128x128xf32>, vector<2048x128xf32> -> vector<2048x128xf32>
    %get3A_22 = arith.constant 0 : index
    %get3A_23 = arith.constant 0 : index
    %get3A_24 = vector.load %arg5[%get3A_22, %get3A_23] : memref<1x128xf32, #tpu.memory_space<vmem>>, vector<1x128xf32>
    %add3A_25 = vector.broadcast %get3A_24 : vector<1x128xf32> to vector<2048x128xf32>
    %add3A_26 = arith.addf %dot_general3A_21, %add3A_25 : vector<2048x128xf32>
    %get3A_27 = arith.constant 0 : index
    %get3A_28 = arith.constant 0 : index
    %get3A_29 = vector.load %arg6[%get3A_27, %get3A_28] : memref<1x128xf32, #tpu.memory_space<vmem>>, vector<1x128xf32>
    %get3A_30 = arith.constant 0 : index
    %get3A_31 = arith.constant 0 : index
    %get3A_32 = vector.load %arg7[%get3A_30, %get3A_31] : memref<1x128xf32, #tpu.memory_space<vmem>>, vector<1x128xf32>
    %reduce_sum3A = arith.constant dense<0.000000e+00> : vector<2048xf32>
    %reduce_sum3A_33 = vector.multi_reduction <add>, %add3A_26, %reduce_sum3A [1] : vector<2048x128xf32> to vector<2048xf32>
    %broadcast_in_dim3A = vector.shape_cast %reduce_sum3A_33 : vector<2048xf32> to vector<2048x1xf32>
    %div3A_34 = arith.constant 1.280000e+02 : f32
    %div3A_35 = vector.broadcast %div3A_34 : f32 to vector<2048x1xf32>
    %div3A_36 = arith.divf %broadcast_in_dim3A, %div3A_35 : vector<2048x1xf32>
    %jit3A = arith.constant 0 : i32
    %reduce_sum3A_37 = arith.constant dense<0.000000e+00> : vector<2048xf32>
    %reduce_sum3A_38 = vector.multi_reduction <add>, %add3A_26, %reduce_sum3A_37 [1] : vector<2048x128xf32> to vector<2048xf32>
    %broadcast_in_dim3A_39 = vector.shape_cast %reduce_sum3A_38 : vector<2048xf32> to vector<2048x1xf32>
    %div3A_40 = arith.constant 1.280000e+02 : f32
    %div3A_41 = vector.broadcast %div3A_40 : f32 to vector<2048x1xf32>
    %div3A_42 = arith.divf %broadcast_in_dim3A_39, %div3A_41 : vector<2048x1xf32>
    %sub3A = vector.broadcast %div3A_42 : vector<2048x1xf32> to vector<2048x128xf32>
    %sub3A_43 = arith.subf %add3A_26, %sub3A : vector<2048x128xf32>
    %square3A = arith.mulf %sub3A_43, %sub3A_43 : vector<2048x128xf32>
    %convert_element_type3A = arith.sitofp %jit3A : i32 to f32
    %sub3A_44 = arith.constant 1.280000e+02 : f32
    %sub3A_45 = arith.subf %sub3A_44, %convert_element_type3A : f32
    %reduce_sum3A_46 = arith.constant dense<0.000000e+00> : vector<2048xf32>
    %reduce_sum3A_47 = vector.multi_reduction <add>, %square3A, %reduce_sum3A_46 [1] : vector<2048x128xf32> to vector<2048xf32>
    %broadcast_in_dim3A_48 = vector.shape_cast %reduce_sum3A_47 : vector<2048xf32> to vector<2048x1xf32>
    %div3A_49 = vector.broadcast %sub3A_45 : f32 to vector<2048x1xf32>
    %div3A_50 = arith.divf %broadcast_in_dim3A_48, %div3A_49 : vector<2048x1xf32>
    %gt3A = arith.constant 0.000000e+00 : f32
    %gt3A_51 = arith.cmpf ogt, %sub3A_45, %gt3A : f32
    %jit3A_52 = arith.constant 0x7FC00000 : f32
    %broadcast_in_dim3A_53 = vector.broadcast %jit3A_52 : f32 to vector<2048x1xf32>
    %select_n3A = arith.select %gt3A_51, %div3A_50, %broadcast_in_dim3A_53 : vector<2048x1xf32>
    %sub3A_54 = vector.broadcast %div3A_36 : vector<2048x1xf32> to vector<2048x128xf32>
    %sub3A_55 = arith.subf %add3A_26, %sub3A_54 : vector<2048x128xf32>
    %add3A_56 = arith.constant 9.99999974E-6 : f32
    %add3A_57 = vector.broadcast %add3A_56 : f32 to vector<2048x1xf32>
    %add3A_58 = arith.addf %select_n3A, %add3A_57 : vector<2048x1xf32>
    %sqrt3A = math.sqrt %add3A_58 : vector<2048x1xf32>
    %div3A_59 = vector.broadcast %sqrt3A : vector<2048x1xf32> to vector<2048x128xf32>
    %div3A_60 = arith.divf %sub3A_55, %div3A_59 : vector<2048x128xf32>
    %mul3A_61 = vector.broadcast %get3A_29 : vector<1x128xf32> to vector<2048x128xf32>
    %mul3A_62 = arith.mulf %div3A_60, %mul3A_61 : vector<2048x128xf32>
    %add3A_63 = vector.broadcast %get3A_32 : vector<1x128xf32> to vector<2048x128xf32>
    %add3A_64 = arith.addf %mul3A_62, %add3A_63 : vector<2048x128xf32>
    %swap3A = arith.constant 0 : index
    %swap3A_65 = arith.constant 0 : index
    %swap3A_66 = vector.load %arg9[%swap3A, %swap3A_65] : memref<2048x128xf32, #tpu.memory_space<vmem>>, vector<2048x128xf32>
    tpu.vector_store %arg9[%swap3A, %swap3A_65], %add3A_64 {strides = array<i32>} : memref<2048x128xf32, #tpu.memory_space<vmem>>, vector<2048x128xf32>,
    %get3A_67 = arith.constant 0 : index
    %get3A_68 = arith.constant 0 : index
    %get3A_69 = vector.load %arg8[%get3A_67, %get3A_68] : memref<128x128xf32, #tpu.memory_space<vmem>>, vector<128x128xf32>
    %dot_general3A_70 = arith.constant dense<0.000000e+00> : vector<2048x128xf32>
    %dot_general3A_71 = tpu.matmul %add3A_64, %get3A_69, %dot_general3A_70 {dimension_numbers = #tpu.dot_dimension_numbers<[1], [0], [0], [1], [0, 0, 1, 1], [], []>, transpose_lhs_hint = false} : vector<2048x128xf32>, vector<128x128xf32>, vector<2048x128xf32> -> vector<2048x128xf32>
    %swap3A_72 = arith.constant 0 : index
    %swap3A_73 = arith.constant 0 : index
    %swap3A_74 = vector.load %arg10[%swap3A_72, %swap3A_73] : memref<2048x128xf32, #tpu.memory_space<vmem>>, vector<2048x128xf32>
    tpu.vector_store %arg10[%swap3A_72, %swap3A_73], %dot_general3A_71 {strides = array<i32>} : memref<2048x128xf32, #tpu.memory_space<vmem>>, vector<2048x128xf32>,
    return
  }
  func.func @transform_0(%arg0: i32) -> (i32, i32) {
    %c0_i32 = arith.constant 0 : i32
    %c0_i32_0 = arith.constant 0 : i32
    return %c0_i32, %arg0 : i32, i32
  }
  func.func @transform_1(%arg0: i32) -> (i32, i32) {
    %c0_i32 = arith.constant 0 : i32
    %c0_i32_0 = arith.constant 0 : i32
    %c0_i32_1 = arith.constant 0 : i32
    return %c0_i32, %c0_i32_0 : i32, i32
  }
  func.func @transform_2(%arg0: i32) -> (i32, i32) {
    %c0_i32 = arith.constant 0 : i32
    %c0_i32_0 = arith.constant 0 : i32
    %c0_i32_1 = arith.constant 0 : i32
    return %c0_i32, %c0_i32_0 : i32, i32
  }
  func.func @transform_3(%arg0: i32) -> (i32, i32) {
    %c0_i32 = arith.constant 0 : i32
    %c0_i32_0 = arith.constant 0 : i32
    %c0_i32_1 = arith.constant 0 : i32
    return %c0_i32, %c0_i32_0 : i32, i32
  }
  func.func @transform_4(%arg0: i32) -> (i32, i32) {
    %c0_i32 = arith.constant 0 : i32
    %c0_i32_0 = arith.constant 0 : i32
    %c0_i32_1 = arith.constant 0 : i32
    return %c0_i32, %c0_i32_0 : i32, i32
  }
  func.func @transform_5(%arg0: i32) -> (i32, i32) {
    %c0_i32 = arith.constant 0 : i32
    %c0_i32_0 = arith.constant 0 : i32
    %c0_i32_1 = arith.constant 0 : i32
    return %c0_i32, %c0_i32_0 : i32, i32
  }
  func.func @transform_6(%arg0: i32) -> (i32, i32) {
    %c0_i32 = arith.constant 0 : i32
    %c0_i32_0 = arith.constant 0 : i32
    %c0_i32_1 = arith.constant 0 : i32
    return %c0_i32, %c0_i32_0 : i32, i32
  }
  func.func @transform_7(%arg0: i32) -> (i32, i32) {
    %c0_i32 = arith.constant 0 : i32
    %c0_i32_0 = arith.constant 0 : i32
    %c0_i32_1 = arith.constant 0 : i32
    return %c0_i32, %c0_i32_0 : i32, i32
  }
  func.func @transform_8(%arg0: i32) -> (i32, i32) {
    %c0_i32 = arith.constant 0 : i32
    %c0_i32_0 = arith.constant 0 : i32
    return %arg0, %c0_i32 : i32, i32
  }
  func.func @transform_9(%arg0: i32) -> (i32, i32) {
    %c0_i32 = arith.constant 0 : i32
    %c0_i32_0 = arith.constant 0 : i32
    return %arg0, %c0_i32 : i32, i32
  }
}

module attributes {stable_mosaic.version = 14 : i64} {
  func.func @_grid_embed_body(%arg0: i32, %arg1: memref<3x2048xf32, #tpu.memory_space<vmem>>, %arg2: memref<3x128xf32, #tpu.memory_space<vmem>>, %arg3: memref<1x128xf32, #tpu.memory_space<vmem>>, %arg4: memref<128x128xf32, #tpu.memory_space<vmem>>, %arg5: memref<1x128xf32, #tpu.memory_space<vmem>>, %arg6: memref<1x128xf32, #tpu.memory_space<vmem>>, %arg7: memref<1x128xf32, #tpu.memory_space<vmem>>, %arg8: memref<128x128xf32, #tpu.memory_space<vmem>>, %arg9: memref<2048x128xf32, #tpu.memory_space<vmem>>, %arg10: memref<2048x128xf32, #tpu.memory_space<vmem>>) attributes {dimension_semantics = [#tpu.dimension_semantics<arbitrary>], iteration_bounds = array<i64: 49>, scalar_prefetch = 0 : i64, scratch_operands = 0 : i64, tpu.core_type = #tpu.core_type<tc>, window_params = [{transform_indices = @transform_0, window_bounds = array<i64: 3, 2048>}, {pipeline_mode = #tpu.pipeline_mode<synchronous>, transform_indices = @transform_1, window_bounds = array<i64: 3, 128>}, {pipeline_mode = #tpu.pipeline_mode<synchronous>, transform_indices = @transform_2, window_bounds = array<i64: 1, 128>}, {pipeline_mode = #tpu.pipeline_mode<synchronous>, transform_indices = @transform_3, window_bounds = array<i64: 128, 128>}, {pipeline_mode = #tpu.pipeline_mode<synchronous>, transform_indices = @transform_4, window_bounds = array<i64: 1, 128>}, {pipeline_mode = #tpu.pipeline_mode<synchronous>, transform_indices = @transform_5, window_bounds = array<i64: 1, 128>}, {pipeline_mode = #tpu.pipeline_mode<synchronous>, transform_indices = @transform_6, window_bounds = array<i64: 1, 128>}, {pipeline_mode = #tpu.pipeline_mode<synchronous>, transform_indices = @transform_7, window_bounds = array<i64: 128, 128>}, {transform_indices = @transform_8, window_bounds = array<i64: 2048, 128>}, {transform_indices = @transform_9, window_bounds = array<i64: 2048, 128>}]} {
    %get3A = arith.constant 0 : index
    %get3A_0 = arith.constant 0 : index
    %get3A_1 = vector.load %arg1[%get3A, %get3A_0] : memref<3x2048xf32, #tpu.memory_space<vmem>>, vector<3x2048xf32>
    %get3A_2 = arith.constant 0 : index
    %get3A_3 = arith.constant 0 : index
    %get3A_4 = vector.load %arg2[%get3A_2, %get3A_3] : memref<3x128xf32, #tpu.memory_space<vmem>>, vector<3x128xf32>
    %dot_general3A = arith.constant dense<0.000000e+00> : vector<2048x128xf32>
    %dot_general3A_5 = tpu.matmul %get3A_1, %get3A_4, %dot_general3A {dimension_numbers = #tpu.dot_dimension_numbers<[0], [0], [1], [1], [0, 1, 1, 1], [], []>, transpose_lhs_hint = false} : vector<3x2048xf32>, vector<3x128xf32>, vector<2048x128xf32> -> vector<2048x128xf32>
    %get3A_6 = arith.constant 0 : index
    %get3A_7 = arith.constant 0 : index
    %get3A_8 = vector.load %arg3[%get3A_6, %get3A_7] : memref<1x128xf32, #tpu.memory_space<vmem>>, vector<1x128xf32>
    %add3A = vector.broadcast %get3A_8 : vector<1x128xf32> to vector<2048x128xf32>
    %add3A_9 = arith.addf %dot_general3A_5, %add3A : vector<2048x128xf32>
    %neg3A = arith.constant 0.000000e+00 : f32
    %neg3A_10 = vector.broadcast %neg3A : f32 to vector<2048x128xf32>
    %neg3A_11 = arith.subf %neg3A_10, %add3A_9 : vector<2048x128xf32>
    %exp3A = math.exp %neg3A_11 : vector<2048x128xf32>
    %add3A_12 = arith.constant 1.000000e+00 : f32
    %add3A_13 = vector.broadcast %add3A_12 : f32 to vector<2048x128xf32>
    %add3A_14 = arith.addf %add3A_13, %exp3A : vector<2048x128xf32>
    %div3A = arith.constant 1.000000e+00 : f32
    %div3A_15 = vector.broadcast %div3A : f32 to vector<2048x128xf32>
    %div3A_16 = arith.divf %div3A_15, %add3A_14 : vector<2048x128xf32>
    %mul3A = arith.mulf %add3A_9, %div3A_16 : vector<2048x128xf32>
    %get3A_17 = arith.constant 0 : index
    %get3A_18 = arith.constant 0 : index
    %get3A_19 = vector.load %arg4[%get3A_17, %get3A_18] : memref<128x128xf32, #tpu.memory_space<vmem>>, vector<128x128xf32>
    %dot_general3A_20 = arith.constant dense<0.000000e+00> : vector<2048x128xf32>
    %dot_general3A_21 = tpu.matmul %mul3A, %get3A_19, %dot_general3A_20 {dimension_numbers = #tpu.dot_dimension_numbers<[1], [0], [0], [1], [0, 0, 1, 1], [], []>, transpose_lhs_hint = false} : vector<2048x128xf32>, vector<128x128xf32>, vector<2048x128xf32> -> vector<2048x128xf32>
    %get3A_22 = arith.constant 0 : index
    %get3A_23 = arith.constant 0 : index
    %get3A_24 = vector.load %arg5[%get3A_22, %get3A_23] : memref<1x128xf32, #tpu.memory_space<vmem>>, vector<1x128xf32>
    %add3A_25 = vector.broadcast %get3A_24 : vector<1x128xf32> to vector<2048x128xf32>
    %add3A_26 = arith.addf %dot_general3A_21, %add3A_25 : vector<2048x128xf32>
    %get3A_27 = arith.constant 0 : index
    %get3A_28 = arith.constant 0 : index
    %get3A_29 = vector.load %arg6[%get3A_27, %get3A_28] : memref<1x128xf32, #tpu.memory_space<vmem>>, vector<1x128xf32>
    %get3A_30 = arith.constant 0 : index
    %get3A_31 = arith.constant 0 : index
    %get3A_32 = vector.load %arg7[%get3A_30, %get3A_31] : memref<1x128xf32, #tpu.memory_space<vmem>>, vector<1x128xf32>
    %reduce_sum3A = arith.constant dense<0.000000e+00> : vector<2048xf32>
    %reduce_sum3A_33 = vector.multi_reduction <add>, %add3A_26, %reduce_sum3A [1] : vector<2048x128xf32> to vector<2048xf32>
    %broadcast_in_dim3A = vector.shape_cast %reduce_sum3A_33 : vector<2048xf32> to vector<2048x1xf32>
    %div3A_34 = arith.constant 1.280000e+02 : f32
    %div3A_35 = vector.broadcast %div3A_34 : f32 to vector<2048x1xf32>
    %div3A_36 = arith.divf %broadcast_in_dim3A, %div3A_35 : vector<2048x1xf32>
    %jit3A = arith.constant 0 : i32
    %reduce_sum3A_37 = arith.constant dense<0.000000e+00> : vector<2048xf32>
    %reduce_sum3A_38 = vector.multi_reduction <add>, %add3A_26, %reduce_sum3A_37 [1] : vector<2048x128xf32> to vector<2048xf32>
    %broadcast_in_dim3A_39 = vector.shape_cast %reduce_sum3A_38 : vector<2048xf32> to vector<2048x1xf32>
    %div3A_40 = arith.constant 1.280000e+02 : f32
    %div3A_41 = vector.broadcast %div3A_40 : f32 to vector<2048x1xf32>
    %div3A_42 = arith.divf %broadcast_in_dim3A_39, %div3A_41 : vector<2048x1xf32>
    %sub3A = vector.broadcast %div3A_42 : vector<2048x1xf32> to vector<2048x128xf32>
    %sub3A_43 = arith.subf %add3A_26, %sub3A : vector<2048x128xf32>
    %square3A = arith.mulf %sub3A_43, %sub3A_43 : vector<2048x128xf32>
    %convert_element_type3A = arith.sitofp %jit3A : i32 to f32
    %sub3A_44 = arith.constant 1.280000e+02 : f32
    %sub3A_45 = arith.subf %sub3A_44, %convert_element_type3A : f32
    %reduce_sum3A_46 = arith.constant dense<0.000000e+00> : vector<2048xf32>
    %reduce_sum3A_47 = vector.multi_reduction <add>, %square3A, %reduce_sum3A_46 [1] : vector<2048x128xf32> to vector<2048xf32>
    %broadcast_in_dim3A_48 = vector.shape_cast %reduce_sum3A_47 : vector<2048xf32> to vector<2048x1xf32>
    %div3A_49 = vector.broadcast %sub3A_45 : f32 to vector<2048x1xf32>
    %div3A_50 = arith.divf %broadcast_in_dim3A_48, %div3A_49 : vector<2048x1xf32>
    %gt3A = arith.constant 0.000000e+00 : f32
    %gt3A_51 = arith.cmpf ogt, %sub3A_45, %gt3A : f32
    %jit3A_52 = arith.constant 0x7FC00000 : f32
    %broadcast_in_dim3A_53 = vector.broadcast %jit3A_52 : f32 to vector<2048x1xf32>
    %select_n3A = arith.select %gt3A_51, %div3A_50, %broadcast_in_dim3A_53 : vector<2048x1xf32>
    %sub3A_54 = vector.broadcast %div3A_36 : vector<2048x1xf32> to vector<2048x128xf32>
    %sub3A_55 = arith.subf %add3A_26, %sub3A_54 : vector<2048x128xf32>
    %add3A_56 = arith.constant 9.99999974E-6 : f32
    %add3A_57 = vector.broadcast %add3A_56 : f32 to vector<2048x1xf32>
    %add3A_58 = arith.addf %select_n3A, %add3A_57 : vector<2048x1xf32>
    %sqrt3A = math.sqrt %add3A_58 : vector<2048x1xf32>
    %div3A_59 = vector.broadcast %sqrt3A : vector<2048x1xf32> to vector<2048x128xf32>
    %div3A_60 = arith.divf %sub3A_55, %div3A_59 : vector<2048x128xf32>
    %mul3A_61 = vector.broadcast %get3A_29 : vector<1x128xf32> to vector<2048x128xf32>
    %mul3A_62 = arith.mulf %div3A_60, %mul3A_61 : vector<2048x128xf32>
    %add3A_63 = vector.broadcast %get3A_32 : vector<1x128xf32> to vector<2048x128xf32>
    %add3A_64 = arith.addf %mul3A_62, %add3A_63 : vector<2048x128xf32>
    %swap3A = arith.constant 0 : index
    %swap3A_65 = arith.constant 0 : index
    %swap3A_66 = vector.load %arg9[%swap3A, %swap3A_65] : memref<2048x128xf32, #tpu.memory_space<vmem>>, vector<2048x128xf32>
    tpu.vector_store %arg9[%swap3A, %swap3A_65], %add3A_64 {strides = array<i32>} : memref<2048x128xf32, #tpu.memory_space<vmem>>, vector<2048x128xf32>,
    %get3A_67 = arith.constant 0 : index
    %get3A_68 = arith.constant 0 : index
    %get3A_69 = vector.load %arg8[%get3A_67, %get3A_68] : memref<128x128xf32, #tpu.memory_space<vmem>>, vector<128x128xf32>
    %dot_general3A_70 = arith.constant dense<0.000000e+00> : vector<2048x128xf32>
    %dot_general3A_71 = tpu.matmul %add3A_64, %get3A_69, %dot_general3A_70 {dimension_numbers = #tpu.dot_dimension_numbers<[1], [0], [0], [1], [0, 0, 1, 1], [], []>, transpose_lhs_hint = false} : vector<2048x128xf32>, vector<128x128xf32>, vector<2048x128xf32> -> vector<2048x128xf32>
    %swap3A_72 = arith.constant 0 : index
    %swap3A_73 = arith.constant 0 : index
    %swap3A_74 = vector.load %arg10[%swap3A_72, %swap3A_73] : memref<2048x128xf32, #tpu.memory_space<vmem>>, vector<2048x128xf32>
    tpu.vector_store %arg10[%swap3A_72, %swap3A_73], %dot_general3A_71 {strides = array<i32>} : memref<2048x128xf32, #tpu.memory_space<vmem>>, vector<2048x128xf32>,
    return
  }
  func.func @transform_0(%arg0: i32) -> (i32, i32) {
    %c0_i32 = arith.constant 0 : i32
    %c0_i32_0 = arith.constant 0 : i32
    return %c0_i32, %arg0 : i32, i32
  }
  func.func @transform_1(%arg0: i32) -> (i32, i32) {
    %c0_i32 = arith.constant 0 : i32
    %c0_i32_0 = arith.constant 0 : i32
    %c0_i32_1 = arith.constant 0 : i32
    return %c0_i32, %c0_i32_0 : i32, i32
  }
  func.func @transform_2(%arg0: i32) -> (i32, i32) {
    %c0_i32 = arith.constant 0 : i32
    %c0_i32_0 = arith.constant 0 : i32
    %c0_i32_1 = arith.constant 0 : i32
    return %c0_i32, %c0_i32_0 : i32, i32
  }
  func.func @transform_3(%arg0: i32) -> (i32, i32) {
    %c0_i32 = arith.constant 0 : i32
    %c0_i32_0 = arith.constant 0 : i32
    %c0_i32_1 = arith.constant 0 : i32
    return %c0_i32, %c0_i32_0 : i32, i32
  }
  func.func @transform_4(%arg0: i32) -> (i32, i32) {
    %c0_i32 = arith.constant 0 : i32
    %c0_i32_0 = arith.constant 0 : i32
    %c0_i32_1 = arith.constant 0 : i32
    return %c0_i32, %c0_i32_0 : i32, i32
  }
  func.func @transform_5(%arg0: i32) -> (i32, i32) {
    %c0_i32 = arith.constant 0 : i32
    %c0_i32_0 = arith.constant 0 : i32
    %c0_i32_1 = arith.constant 0 : i32
    return %c0_i32, %c0_i32_0 : i32, i32
  }
  func.func @transform_6(%arg0: i32) -> (i32, i32) {
    %c0_i32 = arith.constant 0 : i32
    %c0_i32_0 = arith.constant 0 : i32
    %c0_i32_1 = arith.constant 0 : i32
    return %c0_i32, %c0_i32_0 : i32, i32
  }
  func.func @transform_7(%arg0: i32) -> (i32, i32) {
    %c0_i32 = arith.constant 0 : i32
    %c0_i32_0 = arith.constant 0 : i32
    %c0_i32_1 = arith.constant 0 : i32
    return %c0_i32, %c0_i32_0 : i32, i32
  }
  func.func @transform_8(%arg0: i32) -> (i32, i32) {
    %c0_i32 = arith.constant 0 : i32
    %c0_i32_0 = arith.constant 0 : i32
    return %arg0, %c0_i32 : i32, i32
  }
  func.func @transform_9(%arg0: i32) -> (i32, i32) {
    %c0_i32 = arith.constant 0 : i32
    %c0_i32_0 = arith.constant 0 : i32
    return %arg0, %c0_i32 : i32, i32
  }
}

module attributes {stable_mosaic.version = 14 : i64} {
  func.func @_edge_fused_body(%arg0: i32, %arg1: memref<4x3200xf32, #tpu.memory_space<vmem>>, %arg2: memref<3200x128xf32, #tpu.memory_space<vmem>>, %arg3: memref<3200x128xf32, #tpu.memory_space<vmem>>, %arg4: memref<4x128xf32, #tpu.memory_space<vmem>>, %arg5: memref<1x128xf32, #tpu.memory_space<vmem>>, %arg6: memref<128x128xf32, #tpu.memory_space<vmem>>, %arg7: memref<1x128xf32, #tpu.memory_space<vmem>>, %arg8: memref<1x128xf32, #tpu.memory_space<vmem>>, %arg9: memref<1x128xf32, #tpu.memory_space<vmem>>, %arg10: memref<128x128xf32, #tpu.memory_space<vmem>>, %arg11: memref<1x128xf32, #tpu.memory_space<vmem>>, %arg12: memref<128x128xf32, #tpu.memory_space<vmem>>, %arg13: memref<1x128xf32, #tpu.memory_space<vmem>>, %arg14: memref<1x128xf32, #tpu.memory_space<vmem>>, %arg15: memref<1x128xf32, #tpu.memory_space<vmem>>, %arg16: memref<3200x128xf32, #tpu.memory_space<vmem>>, %arg17: memref<3200x128xf32, #tpu.memory_space<vmem>>) attributes {dimension_semantics = [#tpu.dimension_semantics<arbitrary>], iteration_bounds = array<i64: 50>, scalar_prefetch = 0 : i64, scratch_operands = 0 : i64, tpu.core_type = #tpu.core_type<tc>, window_params = [{transform_indices = @transform_0, window_bounds = array<i64: 4, 3200>}, {transform_indices = @transform_1, window_bounds = array<i64: 3200, 128>}, {transform_indices = @transform_2, window_bounds = array<i64: 3200, 128>}, {pipeline_mode = #tpu.pipeline_mode<synchronous>, transform_indices = @transform_3, window_bounds = array<i64: 4, 128>}, {pipeline_mode = #tpu.pipeline_mode<synchronous>, transform_indices = @transform_4, window_bounds = array<i64: 1, 128>}, {pipeline_mode = #tpu.pipeline_mode<synchronous>, transform_indices = @transform_5, window_bounds = array<i64: 128, 128>}, {pipeline_mode = #tpu.pipeline_mode<synchronous>, transform_indices = @transform_6, window_bounds = array<i64: 1, 128>}, {pipeline_mode = #tpu.pipeline_mode<synchronous>, transform_indices = @transform_7, window_bounds = array<i64: 1, 128>}, {pipeline_mode = #tpu.pipeline_mode<synchronous>, transform_indices = @transform_8, window_bounds = array<i64: 1, 128>}, {pipeline_mode = #tpu.pipeline_mode<synchronous>, transform_indices = @transform_9, window_bounds = array<i64: 128, 128>}, {pipeline_mode = #tpu.pipeline_mode<synchronous>, transform_indices = @transform_10, window_bounds = array<i64: 1, 128>}, {pipeline_mode = #tpu.pipeline_mode<synchronous>, transform_indices = @transform_11, window_bounds = array<i64: 128, 128>}, {pipeline_mode = #tpu.pipeline_mode<synchronous>, transform_indices = @transform_12, window_bounds = array<i64: 1, 128>}, {pipeline_mode = #tpu.pipeline_mode<synchronous>, transform_indices = @transform_13, window_bounds = array<i64: 1, 128>}, {pipeline_mode = #tpu.pipeline_mode<synchronous>, transform_indices = @transform_14, window_bounds = array<i64: 1, 128>}, {transform_indices = @transform_15, window_bounds = array<i64: 3200, 128>}, {transform_indices = @transform_16, window_bounds = array<i64: 3200, 128>}]} {
    %get3A = arith.constant 0 : index
    %get3A_0 = arith.constant 0 : index
    %get3A_1 = vector.load %arg1[%get3A, %get3A_0] : memref<4x3200xf32, #tpu.memory_space<vmem>>, vector<4x3200xf32>
    %get3A_2 = arith.constant 0 : index
    %get3A_3 = arith.constant 0 : index
    %get3A_4 = vector.load %arg4[%get3A_2, %get3A_3] : memref<4x128xf32, #tpu.memory_space<vmem>>, vector<4x128xf32>
    %dot_general3A = arith.constant dense<0.000000e+00> : vector<3200x128xf32>
    %dot_general3A_5 = tpu.matmul %get3A_1, %get3A_4, %dot_general3A {dimension_numbers = #tpu.dot_dimension_numbers<[0], [0], [1], [1], [0, 1, 1, 1], [], []>, transpose_lhs_hint = false} : vector<4x3200xf32>, vector<4x128xf32>, vector<3200x128xf32> -> vector<3200x128xf32>
    %get3A_6 = arith.constant 0 : index
    %get3A_7 = arith.constant 0 : index
    %get3A_8 = vector.load %arg5[%get3A_6, %get3A_7] : memref<1x128xf32, #tpu.memory_space<vmem>>, vector<1x128xf32>
    %add3A = vector.broadcast %get3A_8 : vector<1x128xf32> to vector<3200x128xf32>
    %add3A_9 = arith.addf %dot_general3A_5, %add3A : vector<3200x128xf32>
    %neg3A = arith.constant 0.000000e+00 : f32
    %neg3A_10 = vector.broadcast %neg3A : f32 to vector<3200x128xf32>
    %neg3A_11 = arith.subf %neg3A_10, %add3A_9 : vector<3200x128xf32>
    %exp3A = math.exp %neg3A_11 : vector<3200x128xf32>
    %add3A_12 = arith.constant 1.000000e+00 : f32
    %add3A_13 = vector.broadcast %add3A_12 : f32 to vector<3200x128xf32>
    %add3A_14 = arith.addf %add3A_13, %exp3A : vector<3200x128xf32>
    %div3A = arith.constant 1.000000e+00 : f32
    %div3A_15 = vector.broadcast %div3A : f32 to vector<3200x128xf32>
    %div3A_16 = arith.divf %div3A_15, %add3A_14 : vector<3200x128xf32>
    %mul3A = arith.mulf %add3A_9, %div3A_16 : vector<3200x128xf32>
    %get3A_17 = arith.constant 0 : index
    %get3A_18 = arith.constant 0 : index
    %get3A_19 = vector.load %arg6[%get3A_17, %get3A_18] : memref<128x128xf32, #tpu.memory_space<vmem>>, vector<128x128xf32>
    %dot_general3A_20 = arith.constant dense<0.000000e+00> : vector<3200x128xf32>
    %dot_general3A_21 = tpu.matmul %mul3A, %get3A_19, %dot_general3A_20 {dimension_numbers = #tpu.dot_dimension_numbers<[1], [0], [0], [1], [0, 0, 1, 1], [], []>, transpose_lhs_hint = false} : vector<3200x128xf32>, vector<128x128xf32>, vector<3200x128xf32> -> vector<3200x128xf32>
    %get3A_22 = arith.constant 0 : index
    %get3A_23 = arith.constant 0 : index
    %get3A_24 = vector.load %arg7[%get3A_22, %get3A_23] : memref<1x128xf32, #tpu.memory_space<vmem>>, vector<1x128xf32>
    %add3A_25 = vector.broadcast %get3A_24 : vector<1x128xf32> to vector<3200x128xf32>
    %add3A_26 = arith.addf %dot_general3A_21, %add3A_25 : vector<3200x128xf32>
    %get3A_27 = arith.constant 0 : index
    %get3A_28 = arith.constant 0 : index
    %get3A_29 = vector.load %arg8[%get3A_27, %get3A_28] : memref<1x128xf32, #tpu.memory_space<vmem>>, vector<1x128xf32>
    %get3A_30 = arith.constant 0 : index
    %get3A_31 = arith.constant 0 : index
    %get3A_32 = vector.load %arg9[%get3A_30, %get3A_31] : memref<1x128xf32, #tpu.memory_space<vmem>>, vector<1x128xf32>
    %reduce_sum3A = arith.constant dense<0.000000e+00> : vector<3200xf32>
    %reduce_sum3A_33 = vector.multi_reduction <add>, %add3A_26, %reduce_sum3A [1] : vector<3200x128xf32> to vector<3200xf32>
    %broadcast_in_dim3A = vector.shape_cast %reduce_sum3A_33 : vector<3200xf32> to vector<3200x1xf32>
    %div3A_34 = arith.constant 1.280000e+02 : f32
    %div3A_35 = vector.broadcast %div3A_34 : f32 to vector<3200x1xf32>
    %div3A_36 = arith.divf %broadcast_in_dim3A, %div3A_35 : vector<3200x1xf32>
    %jit3A = arith.constant 0 : i32
    %reduce_sum3A_37 = arith.constant dense<0.000000e+00> : vector<3200xf32>
    %reduce_sum3A_38 = vector.multi_reduction <add>, %add3A_26, %reduce_sum3A_37 [1] : vector<3200x128xf32> to vector<3200xf32>
    %broadcast_in_dim3A_39 = vector.shape_cast %reduce_sum3A_38 : vector<3200xf32> to vector<3200x1xf32>
    %div3A_40 = arith.constant 1.280000e+02 : f32
    %div3A_41 = vector.broadcast %div3A_40 : f32 to vector<3200x1xf32>
    %div3A_42 = arith.divf %broadcast_in_dim3A_39, %div3A_41 : vector<3200x1xf32>
    %sub3A = vector.broadcast %div3A_42 : vector<3200x1xf32> to vector<3200x128xf32>
    %sub3A_43 = arith.subf %add3A_26, %sub3A : vector<3200x128xf32>
    %square3A = arith.mulf %sub3A_43, %sub3A_43 : vector<3200x128xf32>
    %convert_element_type3A = arith.sitofp %jit3A : i32 to f32
    %sub3A_44 = arith.constant 1.280000e+02 : f32
    %sub3A_45 = arith.subf %sub3A_44, %convert_element_type3A : f32
    %reduce_sum3A_46 = arith.constant dense<0.000000e+00> : vector<3200xf32>
    %reduce_sum3A_47 = vector.multi_reduction <add>, %square3A, %reduce_sum3A_46 [1] : vector<3200x128xf32> to vector<3200xf32>
    %broadcast_in_dim3A_48 = vector.shape_cast %reduce_sum3A_47 : vector<3200xf32> to vector<3200x1xf32>
    %div3A_49 = vector.broadcast %sub3A_45 : f32 to vector<3200x1xf32>
    %div3A_50 = arith.divf %broadcast_in_dim3A_48, %div3A_49 : vector<3200x1xf32>
    %gt3A = arith.constant 0.000000e+00 : f32
    %gt3A_51 = arith.cmpf ogt, %sub3A_45, %gt3A : f32
    %jit3A_52 = arith.constant 0x7FC00000 : f32
    %broadcast_in_dim3A_53 = vector.broadcast %jit3A_52 : f32 to vector<3200x1xf32>
    %select_n3A = arith.select %gt3A_51, %div3A_50, %broadcast_in_dim3A_53 : vector<3200x1xf32>
    %sub3A_54 = vector.broadcast %div3A_36 : vector<3200x1xf32> to vector<3200x128xf32>
    %sub3A_55 = arith.subf %add3A_26, %sub3A_54 : vector<3200x128xf32>
    %add3A_56 = arith.constant 9.99999974E-6 : f32
    %add3A_57 = vector.broadcast %add3A_56 : f32 to vector<3200x1xf32>
    %add3A_58 = arith.addf %select_n3A, %add3A_57 : vector<3200x1xf32>
    %sqrt3A = math.sqrt %add3A_58 : vector<3200x1xf32>
    %div3A_59 = vector.broadcast %sqrt3A : vector<3200x1xf32> to vector<3200x128xf32>
    %div3A_60 = arith.divf %sub3A_55, %div3A_59 : vector<3200x128xf32>
    %mul3A_61 = vector.broadcast %get3A_29 : vector<1x128xf32> to vector<3200x128xf32>
    %mul3A_62 = arith.mulf %div3A_60, %mul3A_61 : vector<3200x128xf32>
    %add3A_63 = vector.broadcast %get3A_32 : vector<1x128xf32> to vector<3200x128xf32>
    %add3A_64 = arith.addf %mul3A_62, %add3A_63 : vector<3200x128xf32>
    %get3A_65 = arith.constant 0 : index
    %get3A_66 = arith.constant 0 : index
    %get3A_67 = vector.load %arg10[%get3A_65, %get3A_66] : memref<128x128xf32, #tpu.memory_space<vmem>>, vector<128x128xf32>
    %dot_general3A_68 = arith.constant dense<0.000000e+00> : vector<3200x128xf32>
    %dot_general3A_69 = tpu.matmul %add3A_64, %get3A_67, %dot_general3A_68 {dimension_numbers = #tpu.dot_dimension_numbers<[1], [0], [0], [1], [0, 0, 1, 1], [], []>, transpose_lhs_hint = false} : vector<3200x128xf32>, vector<128x128xf32>, vector<3200x128xf32> -> vector<3200x128xf32>
    %get3A_70 = arith.constant 0 : index
    %get3A_71 = arith.constant 0 : index
    %get3A_72 = vector.load %arg11[%get3A_70, %get3A_71] : memref<1x128xf32, #tpu.memory_space<vmem>>, vector<1x128xf32>
    %add3A_73 = vector.broadcast %get3A_72 : vector<1x128xf32> to vector<3200x128xf32>
    %add3A_74 = arith.addf %dot_general3A_69, %add3A_73 : vector<3200x128xf32>
    %get3A_75 = arith.constant 0 : index
    %get3A_76 = arith.constant 0 : index
    %get3A_77 = vector.load %arg2[%get3A_75, %get3A_76] : memref<3200x128xf32, #tpu.memory_space<vmem>>, vector<3200x128xf32>
    %get3A_78 = arith.constant 0 : index
    %get3A_79 = arith.constant 0 : index
    %get3A_80 = vector.load %arg3[%get3A_78, %get3A_79] : memref<3200x128xf32, #tpu.memory_space<vmem>>, vector<3200x128xf32>
    %add3A_81 = arith.addf %get3A_77, %get3A_80 : vector<3200x128xf32>
    %add3A_82 = arith.addf %add3A_81, %add3A_74 : vector<3200x128xf32>
    %neg3A_83 = arith.constant 0.000000e+00 : f32
    %neg3A_84 = vector.broadcast %neg3A_83 : f32 to vector<3200x128xf32>
    %neg3A_85 = arith.subf %neg3A_84, %add3A_82 : vector<3200x128xf32>
    %exp3A_86 = math.exp %neg3A_85 : vector<3200x128xf32>
    %add3A_87 = arith.constant 1.000000e+00 : f32
    %add3A_88 = vector.broadcast %add3A_87 : f32 to vector<3200x128xf32>
    %add3A_89 = arith.addf %add3A_88, %exp3A_86 : vector<3200x128xf32>
    %div3A_90 = arith.constant 1.000000e+00 : f32
    %div3A_91 = vector.broadcast %div3A_90 : f32 to vector<3200x128xf32>
    %div3A_92 = arith.divf %div3A_91, %add3A_89 : vector<3200x128xf32>
    %mul3A_93 = arith.mulf %add3A_82, %div3A_92 : vector<3200x128xf32>
    %get3A_94 = arith.constant 0 : index
    %get3A_95 = arith.constant 0 : index
    %get3A_96 = vector.load %arg12[%get3A_94, %get3A_95] : memref<128x128xf32, #tpu.memory_space<vmem>>, vector<128x128xf32>
    %dot_general3A_97 = arith.constant dense<0.000000e+00> : vector<3200x128xf32>
    %dot_general3A_98 = tpu.matmul %mul3A_93, %get3A_96, %dot_general3A_97 {dimension_numbers = #tpu.dot_dimension_numbers<[1], [0], [0], [1], [0, 0, 1, 1], [], []>, transpose_lhs_hint = false} : vector<3200x128xf32>, vector<128x128xf32>, vector<3200x128xf32> -> vector<3200x128xf32>
    %get3A_99 = arith.constant 0 : index
    %get3A_100 = arith.constant 0 : index
    %get3A_101 = vector.load %arg13[%get3A_99, %get3A_100] : memref<1x128xf32, #tpu.memory_space<vmem>>, vector<1x128xf32>
    %add3A_102 = vector.broadcast %get3A_101 : vector<1x128xf32> to vector<3200x128xf32>
    %add3A_103 = arith.addf %dot_general3A_98, %add3A_102 : vector<3200x128xf32>
    %get3A_104 = arith.constant 0 : index
    %get3A_105 = arith.constant 0 : index
    %get3A_106 = vector.load %arg14[%get3A_104, %get3A_105] : memref<1x128xf32, #tpu.memory_space<vmem>>, vector<1x128xf32>
    %get3A_107 = arith.constant 0 : index
    %get3A_108 = arith.constant 0 : index
    %get3A_109 = vector.load %arg15[%get3A_107, %get3A_108] : memref<1x128xf32, #tpu.memory_space<vmem>>, vector<1x128xf32>
    %reduce_sum3A_110 = arith.constant dense<0.000000e+00> : vector<3200xf32>
    %reduce_sum3A_111 = vector.multi_reduction <add>, %add3A_103, %reduce_sum3A_110 [1] : vector<3200x128xf32> to vector<3200xf32>
    %broadcast_in_dim3A_112 = vector.shape_cast %reduce_sum3A_111 : vector<3200xf32> to vector<3200x1xf32>
    %div3A_113 = arith.constant 1.280000e+02 : f32
    %div3A_114 = vector.broadcast %div3A_113 : f32 to vector<3200x1xf32>
    %div3A_115 = arith.divf %broadcast_in_dim3A_112, %div3A_114 : vector<3200x1xf32>
    %jit3A_116 = arith.constant 0 : i32
    %reduce_sum3A_117 = arith.constant dense<0.000000e+00> : vector<3200xf32>
    %reduce_sum3A_118 = vector.multi_reduction <add>, %add3A_103, %reduce_sum3A_117 [1] : vector<3200x128xf32> to vector<3200xf32>
    %broadcast_in_dim3A_119 = vector.shape_cast %reduce_sum3A_118 : vector<3200xf32> to vector<3200x1xf32>
    %div3A_120 = arith.constant 1.280000e+02 : f32
    %div3A_121 = vector.broadcast %div3A_120 : f32 to vector<3200x1xf32>
    %div3A_122 = arith.divf %broadcast_in_dim3A_119, %div3A_121 : vector<3200x1xf32>
    %sub3A_123 = vector.broadcast %div3A_122 : vector<3200x1xf32> to vector<3200x128xf32>
    %sub3A_124 = arith.subf %add3A_103, %sub3A_123 : vector<3200x128xf32>
    %square3A_125 = arith.mulf %sub3A_124, %sub3A_124 : vector<3200x128xf32>
    %convert_element_type3A_126 = arith.sitofp %jit3A_116 : i32 to f32
    %sub3A_127 = arith.constant 1.280000e+02 : f32
    %sub3A_128 = arith.subf %sub3A_127, %convert_element_type3A_126 : f32
    %reduce_sum3A_129 = arith.constant dense<0.000000e+00> : vector<3200xf32>
    %reduce_sum3A_130 = vector.multi_reduction <add>, %square3A_125, %reduce_sum3A_129 [1] : vector<3200x128xf32> to vector<3200xf32>
    %broadcast_in_dim3A_131 = vector.shape_cast %reduce_sum3A_130 : vector<3200xf32> to vector<3200x1xf32>
    %div3A_132 = vector.broadcast %sub3A_128 : f32 to vector<3200x1xf32>
    %div3A_133 = arith.divf %broadcast_in_dim3A_131, %div3A_132 : vector<3200x1xf32>
    %gt3A_134 = arith.constant 0.000000e+00 : f32
    %gt3A_135 = arith.cmpf ogt, %sub3A_128, %gt3A_134 : f32
    %jit3A_136 = arith.constant 0x7FC00000 : f32
    %broadcast_in_dim3A_137 = vector.broadcast %jit3A_136 : f32 to vector<3200x1xf32>
    %select_n3A_138 = arith.select %gt3A_135, %div3A_133, %broadcast_in_dim3A_137 : vector<3200x1xf32>
    %sub3A_139 = vector.broadcast %div3A_115 : vector<3200x1xf32> to vector<3200x128xf32>
    %sub3A_140 = arith.subf %add3A_103, %sub3A_139 : vector<3200x128xf32>
    %add3A_141 = arith.constant 9.99999974E-6 : f32
    %add3A_142 = vector.broadcast %add3A_141 : f32 to vector<3200x1xf32>
    %add3A_143 = arith.addf %select_n3A_138, %add3A_142 : vector<3200x1xf32>
    %sqrt3A_144 = math.sqrt %add3A_143 : vector<3200x1xf32>
    %div3A_145 = vector.broadcast %sqrt3A_144 : vector<3200x1xf32> to vector<3200x128xf32>
    %div3A_146 = arith.divf %sub3A_140, %div3A_145 : vector<3200x128xf32>
    %mul3A_147 = vector.broadcast %get3A_106 : vector<1x128xf32> to vector<3200x128xf32>
    %mul3A_148 = arith.mulf %div3A_146, %mul3A_147 : vector<3200x128xf32>
    %add3A_149 = vector.broadcast %get3A_109 : vector<1x128xf32> to vector<3200x128xf32>
    %add3A_150 = arith.addf %mul3A_148, %add3A_149 : vector<3200x128xf32>
    %swap3A = arith.constant 0 : index
    %swap3A_151 = arith.constant 0 : index
    %swap3A_152 = vector.load %arg16[%swap3A, %swap3A_151] : memref<3200x128xf32, #tpu.memory_space<vmem>>, vector<3200x128xf32>
    tpu.vector_store %arg16[%swap3A, %swap3A_151], %add3A_150 {strides = array<i32>} : memref<3200x128xf32, #tpu.memory_space<vmem>>, vector<3200x128xf32>,
    %add3A_153 = arith.addf %add3A_64, %add3A_150 : vector<3200x128xf32>
    %swap3A_154 = arith.constant 0 : index
    %swap3A_155 = arith.constant 0 : index
    %swap3A_156 = vector.load %arg17[%swap3A_154, %swap3A_155] : memref<3200x128xf32, #tpu.memory_space<vmem>>, vector<3200x128xf32>
    tpu.vector_store %arg17[%swap3A_154, %swap3A_155], %add3A_153 {strides = array<i32>} : memref<3200x128xf32, #tpu.memory_space<vmem>>, vector<3200x128xf32>,
    return
  }
  func.func @transform_0(%arg0: i32) -> (i32, i32) {
    %c0_i32 = arith.constant 0 : i32
    %c0_i32_0 = arith.constant 0 : i32
    return %c0_i32, %arg0 : i32, i32
  }
  func.func @transform_1(%arg0: i32) -> (i32, i32) {
    %c0_i32 = arith.constant 0 : i32
    %c0_i32_0 = arith.constant 0 : i32
    return %arg0, %c0_i32 : i32, i32
  }
  func.func @transform_2(%arg0: i32) -> (i32, i32) {
    %c0_i32 = arith.constant 0 : i32
    %c0_i32_0 = arith.constant 0 : i32
    return %arg0, %c0_i32 : i32, i32
  }
  func.func @transform_3(%arg0: i32) -> (i32, i32) {
    %c0_i32 = arith.constant 0 : i32
    %c0_i32_0 = arith.constant 0 : i32
    %c0_i32_1 = arith.constant 0 : i32
    return %c0_i32, %c0_i32_0 : i32, i32
  }
  func.func @transform_4(%arg0: i32) -> (i32, i32) {
    %c0_i32 = arith.constant 0 : i32
    %c0_i32_0 = arith.constant 0 : i32
    %c0_i32_1 = arith.constant 0 : i32
    return %c0_i32, %c0_i32_0 : i32, i32
  }
  func.func @transform_5(%arg0: i32) -> (i32, i32) {
    %c0_i32 = arith.constant 0 : i32
    %c0_i32_0 = arith.constant 0 : i32
    %c0_i32_1 = arith.constant 0 : i32
    return %c0_i32, %c0_i32_0 : i32, i32
  }
  func.func @transform_6(%arg0: i32) -> (i32, i32) {
    %c0_i32 = arith.constant 0 : i32
    %c0_i32_0 = arith.constant 0 : i32
    %c0_i32_1 = arith.constant 0 : i32
    return %c0_i32, %c0_i32_0 : i32, i32
  }
  func.func @transform_7(%arg0: i32) -> (i32, i32) {
    %c0_i32 = arith.constant 0 : i32
    %c0_i32_0 = arith.constant 0 : i32
    %c0_i32_1 = arith.constant 0 : i32
    return %c0_i32, %c0_i32_0 : i32, i32
  }
  func.func @transform_8(%arg0: i32) -> (i32, i32) {
    %c0_i32 = arith.constant 0 : i32
    %c0_i32_0 = arith.constant 0 : i32
    %c0_i32_1 = arith.constant 0 : i32
    return %c0_i32, %c0_i32_0 : i32, i32
  }
  func.func @transform_9(%arg0: i32) -> (i32, i32) {
    %c0_i32 = arith.constant 0 : i32
    %c0_i32_0 = arith.constant 0 : i32
    %c0_i32_1 = arith.constant 0 : i32
    return %c0_i32, %c0_i32_0 : i32, i32
  }
  func.func @transform_10(%arg0: i32) -> (i32, i32) {
    %c0_i32 = arith.constant 0 : i32
    %c0_i32_0 = arith.constant 0 : i32
    %c0_i32_1 = arith.constant 0 : i32
    return %c0_i32, %c0_i32_0 : i32, i32
  }
  func.func @transform_11(%arg0: i32) -> (i32, i32) {
    %c0_i32 = arith.constant 0 : i32
    %c0_i32_0 = arith.constant 0 : i32
    %c0_i32_1 = arith.constant 0 : i32
    return %c0_i32, %c0_i32_0 : i32, i32
  }
  func.func @transform_12(%arg0: i32) -> (i32, i32) {
    %c0_i32 = arith.constant 0 : i32
    %c0_i32_0 = arith.constant 0 : i32
    %c0_i32_1 = arith.constant 0 : i32
    return %c0_i32, %c0_i32_0 : i32, i32
  }
  func.func @transform_13(%arg0: i32) -> (i32, i32) {
    %c0_i32 = arith.constant 0 : i32
    %c0_i32_0 = arith.constant 0 : i32
    %c0_i32_1 = arith.constant 0 : i32
    return %c0_i32, %c0_i32_0 : i32, i32
  }
  func.func @transform_14(%arg0: i32) -> (i32, i32) {
    %c0_i32 = arith.constant 0 : i32
    %c0_i32_0 = arith.constant 0 : i32
    %c0_i32_1 = arith.constant 0 : i32
    return %c0_i32, %c0_i32_0 : i32, i32
  }
  func.func @transform_15(%arg0: i32) -> (i32, i32) {
    %c0_i32 = arith.constant 0 : i32
    %c0_i32_0 = arith.constant 0 : i32
    return %arg0, %c0_i32 : i32, i32
  }
  func.func @transform_16(%arg0: i32) -> (i32, i32) {
    %c0_i32 = arith.constant 0 : i32
    %c0_i32_0 = arith.constant 0 : i32
    return %arg0, %c0_i32 : i32, i32
  }
}

module attributes {stable_mosaic.version = 14 : i64} {
  func.func @_edge_fused_body_b(%arg0: i32, %arg1: memref<4x3200xf32, #tpu.memory_space<vmem>>, %arg2: memref<3200x128xf32, #tpu.memory_space<vmem>>, %arg3: memref<3200x128xf32, #tpu.memory_space<vmem>>, %arg4: memref<4x128xf32, #tpu.memory_space<vmem>>, %arg5: memref<1x128xf32, #tpu.memory_space<vmem>>, %arg6: memref<128x128xf32, #tpu.memory_space<vmem>>, %arg7: memref<1x128xf32, #tpu.memory_space<vmem>>, %arg8: memref<1x128xf32, #tpu.memory_space<vmem>>, %arg9: memref<1x128xf32, #tpu.memory_space<vmem>>, %arg10: memref<128x128xf32, #tpu.memory_space<vmem>>, %arg11: memref<1x128xf32, #tpu.memory_space<vmem>>, %arg12: memref<128x128xf32, #tpu.memory_space<vmem>>, %arg13: memref<1x128xf32, #tpu.memory_space<vmem>>, %arg14: memref<1x128xf32, #tpu.memory_space<vmem>>, %arg15: memref<1x128xf32, #tpu.memory_space<vmem>>, %arg16: memref<320000x128xf32, #tpu.memory_space<any>>, %arg17: memref<3200x128xf32, #tpu.memory_space<vmem>>, %arg18: memref<3200x128xf32, #tpu.memory_space<vmem>>) attributes {dimension_semantics = [#tpu.dimension_semantics<arbitrary>], iteration_bounds = array<i64: 50>, scalar_prefetch = 0 : i64, scratch_operands = 0 : i64, tpu.core_type = #tpu.core_type<tc>, window_params = [{transform_indices = @transform_0, window_bounds = array<i64: 4, 3200>}, {transform_indices = @transform_1, window_bounds = array<i64: 3200, 128>}, {transform_indices = @transform_2, window_bounds = array<i64: 3200, 128>}, {pipeline_mode = #tpu.pipeline_mode<synchronous>, transform_indices = @transform_3, window_bounds = array<i64: 4, 128>}, {pipeline_mode = #tpu.pipeline_mode<synchronous>, transform_indices = @transform_4, window_bounds = array<i64: 1, 128>}, {pipeline_mode = #tpu.pipeline_mode<synchronous>, transform_indices = @transform_5, window_bounds = array<i64: 128, 128>}, {pipeline_mode = #tpu.pipeline_mode<synchronous>, transform_indices = @transform_6, window_bounds = array<i64: 1, 128>}, {pipeline_mode = #tpu.pipeline_mode<synchronous>, transform_indices = @transform_7, window_bounds = array<i64: 1, 128>}, {pipeline_mode = #tpu.pipeline_mode<synchronous>, transform_indices = @transform_8, window_bounds = array<i64: 1, 128>}, {pipeline_mode = #tpu.pipeline_mode<synchronous>, transform_indices = @transform_9, window_bounds = array<i64: 128, 128>}, {pipeline_mode = #tpu.pipeline_mode<synchronous>, transform_indices = @transform_10, window_bounds = array<i64: 1, 128>}, {pipeline_mode = #tpu.pipeline_mode<synchronous>, transform_indices = @transform_11, window_bounds = array<i64: 128, 128>}, {pipeline_mode = #tpu.pipeline_mode<synchronous>, transform_indices = @transform_12, window_bounds = array<i64: 1, 128>}, {pipeline_mode = #tpu.pipeline_mode<synchronous>, transform_indices = @transform_13, window_bounds = array<i64: 1, 128>}, {pipeline_mode = #tpu.pipeline_mode<synchronous>, transform_indices = @transform_14, window_bounds = array<i64: 1, 128>}, {}, {transform_indices = @transform_16, window_bounds = array<i64: 3200, 128>}, {transform_indices = @transform_17, window_bounds = array<i64: 3200, 128>}]} {
    %get3A = arith.constant 0 : index
    %get3A_0 = arith.constant 0 : index
    %get3A_1 = vector.load %arg1[%get3A, %get3A_0] : memref<4x3200xf32, #tpu.memory_space<vmem>>, vector<4x3200xf32>
    %get3A_2 = arith.constant 0 : index
    %get3A_3 = arith.constant 0 : index
    %get3A_4 = vector.load %arg4[%get3A_2, %get3A_3] : memref<4x128xf32, #tpu.memory_space<vmem>>, vector<4x128xf32>
    %dot_general3A = arith.constant dense<0.000000e+00> : vector<3200x128xf32>
    %dot_general3A_5 = tpu.matmul %get3A_1, %get3A_4, %dot_general3A {dimension_numbers = #tpu.dot_dimension_numbers<[0], [0], [1], [1], [0, 1, 1, 1], [], []>, transpose_lhs_hint = false} : vector<4x3200xf32>, vector<4x128xf32>, vector<3200x128xf32> -> vector<3200x128xf32>
    %get3A_6 = arith.constant 0 : index
    %get3A_7 = arith.constant 0 : index
    %get3A_8 = vector.load %arg5[%get3A_6, %get3A_7] : memref<1x128xf32, #tpu.memory_space<vmem>>, vector<1x128xf32>
    %add3A = vector.broadcast %get3A_8 : vector<1x128xf32> to vector<3200x128xf32>
    %add3A_9 = arith.addf %dot_general3A_5, %add3A : vector<3200x128xf32>
    %neg3A = arith.constant 0.000000e+00 : f32
    %neg3A_10 = vector.broadcast %neg3A : f32 to vector<3200x128xf32>
    %neg3A_11 = arith.subf %neg3A_10, %add3A_9 : vector<3200x128xf32>
    %exp3A = math.exp %neg3A_11 : vector<3200x128xf32>
    %add3A_12 = arith.constant 1.000000e+00 : f32
    %add3A_13 = vector.broadcast %add3A_12 : f32 to vector<3200x128xf32>
    %add3A_14 = arith.addf %add3A_13, %exp3A : vector<3200x128xf32>
    %div3A = arith.constant 1.000000e+00 : f32
    %div3A_15 = vector.broadcast %div3A : f32 to vector<3200x128xf32>
    %div3A_16 = arith.divf %div3A_15, %add3A_14 : vector<3200x128xf32>
    %mul3A = arith.mulf %add3A_9, %div3A_16 : vector<3200x128xf32>
    %get3A_17 = arith.constant 0 : index
    %get3A_18 = arith.constant 0 : index
    %get3A_19 = vector.load %arg6[%get3A_17, %get3A_18] : memref<128x128xf32, #tpu.memory_space<vmem>>, vector<128x128xf32>
    %dot_general3A_20 = arith.constant dense<0.000000e+00> : vector<3200x128xf32>
    %dot_general3A_21 = tpu.matmul %mul3A, %get3A_19, %dot_general3A_20 {dimension_numbers = #tpu.dot_dimension_numbers<[1], [0], [0], [1], [0, 0, 1, 1], [], []>, transpose_lhs_hint = false} : vector<3200x128xf32>, vector<128x128xf32>, vector<3200x128xf32> -> vector<3200x128xf32>
    %get3A_22 = arith.constant 0 : index
    %get3A_23 = arith.constant 0 : index
    %get3A_24 = vector.load %arg7[%get3A_22, %get3A_23] : memref<1x128xf32, #tpu.memory_space<vmem>>, vector<1x128xf32>
    %add3A_25 = vector.broadcast %get3A_24 : vector<1x128xf32> to vector<3200x128xf32>
    %add3A_26 = arith.addf %dot_general3A_21, %add3A_25 : vector<3200x128xf32>
    %get3A_27 = arith.constant 0 : index
    %get3A_28 = arith.constant 0 : index
    %get3A_29 = vector.load %arg8[%get3A_27, %get3A_28] : memref<1x128xf32, #tpu.memory_space<vmem>>, vector<1x128xf32>
    %get3A_30 = arith.constant 0 : index
    %get3A_31 = arith.constant 0 : index
    %get3A_32 = vector.load %arg9[%get3A_30, %get3A_31] : memref<1x128xf32, #tpu.memory_space<vmem>>, vector<1x128xf32>
    %reduce_sum3A = arith.constant dense<0.000000e+00> : vector<3200xf32>
    %reduce_sum3A_33 = vector.multi_reduction <add>, %add3A_26, %reduce_sum3A [1] : vector<3200x128xf32> to vector<3200xf32>
    %broadcast_in_dim3A = vector.shape_cast %reduce_sum3A_33 : vector<3200xf32> to vector<3200x1xf32>
    %div3A_34 = arith.constant 1.280000e+02 : f32
    %div3A_35 = vector.broadcast %div3A_34 : f32 to vector<3200x1xf32>
    %div3A_36 = arith.divf %broadcast_in_dim3A, %div3A_35 : vector<3200x1xf32>
    %jit3A = arith.constant 0 : i32
    %reduce_sum3A_37 = arith.constant dense<0.000000e+00> : vector<3200xf32>
    %reduce_sum3A_38 = vector.multi_reduction <add>, %add3A_26, %reduce_sum3A_37 [1] : vector<3200x128xf32> to vector<3200xf32>
    %broadcast_in_dim3A_39 = vector.shape_cast %reduce_sum3A_38 : vector<3200xf32> to vector<3200x1xf32>
    %div3A_40 = arith.constant 1.280000e+02 : f32
    %div3A_41 = vector.broadcast %div3A_40 : f32 to vector<3200x1xf32>
    %div3A_42 = arith.divf %broadcast_in_dim3A_39, %div3A_41 : vector<3200x1xf32>
    %sub3A = vector.broadcast %div3A_42 : vector<3200x1xf32> to vector<3200x128xf32>
    %sub3A_43 = arith.subf %add3A_26, %sub3A : vector<3200x128xf32>
    %square3A = arith.mulf %sub3A_43, %sub3A_43 : vector<3200x128xf32>
    %convert_element_type3A = arith.sitofp %jit3A : i32 to f32
    %sub3A_44 = arith.constant 1.280000e+02 : f32
    %sub3A_45 = arith.subf %sub3A_44, %convert_element_type3A : f32
    %reduce_sum3A_46 = arith.constant dense<0.000000e+00> : vector<3200xf32>
    %reduce_sum3A_47 = vector.multi_reduction <add>, %square3A, %reduce_sum3A_46 [1] : vector<3200x128xf32> to vector<3200xf32>
    %broadcast_in_dim3A_48 = vector.shape_cast %reduce_sum3A_47 : vector<3200xf32> to vector<3200x1xf32>
    %div3A_49 = vector.broadcast %sub3A_45 : f32 to vector<3200x1xf32>
    %div3A_50 = arith.divf %broadcast_in_dim3A_48, %div3A_49 : vector<3200x1xf32>
    %gt3A = arith.constant 0.000000e+00 : f32
    %gt3A_51 = arith.cmpf ogt, %sub3A_45, %gt3A : f32
    %jit3A_52 = arith.constant 0x7FC00000 : f32
    %broadcast_in_dim3A_53 = vector.broadcast %jit3A_52 : f32 to vector<3200x1xf32>
    %select_n3A = arith.select %gt3A_51, %div3A_50, %broadcast_in_dim3A_53 : vector<3200x1xf32>
    %sub3A_54 = vector.broadcast %div3A_36 : vector<3200x1xf32> to vector<3200x128xf32>
    %sub3A_55 = arith.subf %add3A_26, %sub3A_54 : vector<3200x128xf32>
    %add3A_56 = arith.constant 9.99999974E-6 : f32
    %add3A_57 = vector.broadcast %add3A_56 : f32 to vector<3200x1xf32>
    %add3A_58 = arith.addf %select_n3A, %add3A_57 : vector<3200x1xf32>
    %sqrt3A = math.sqrt %add3A_58 : vector<3200x1xf32>
    %div3A_59 = vector.broadcast %sqrt3A : vector<3200x1xf32> to vector<3200x128xf32>
    %div3A_60 = arith.divf %sub3A_55, %div3A_59 : vector<3200x128xf32>
    %mul3A_61 = vector.broadcast %get3A_29 : vector<1x128xf32> to vector<3200x128xf32>
    %mul3A_62 = arith.mulf %div3A_60, %mul3A_61 : vector<3200x128xf32>
    %add3A_63 = vector.broadcast %get3A_32 : vector<1x128xf32> to vector<3200x128xf32>
    %add3A_64 = arith.addf %mul3A_62, %add3A_63 : vector<3200x128xf32>
    %get3A_65 = arith.constant 0 : index
    %get3A_66 = arith.constant 0 : index
    %get3A_67 = vector.load %arg10[%get3A_65, %get3A_66] : memref<128x128xf32, #tpu.memory_space<vmem>>, vector<128x128xf32>
    %dot_general3A_68 = arith.constant dense<0.000000e+00> : vector<3200x128xf32>
    %dot_general3A_69 = tpu.matmul %add3A_64, %get3A_67, %dot_general3A_68 {dimension_numbers = #tpu.dot_dimension_numbers<[1], [0], [0], [1], [0, 0, 1, 1], [], []>, transpose_lhs_hint = false} : vector<3200x128xf32>, vector<128x128xf32>, vector<3200x128xf32> -> vector<3200x128xf32>
    %get3A_70 = arith.constant 0 : index
    %get3A_71 = arith.constant 0 : index
    %get3A_72 = vector.load %arg11[%get3A_70, %get3A_71] : memref<1x128xf32, #tpu.memory_space<vmem>>, vector<1x128xf32>
    %add3A_73 = vector.broadcast %get3A_72 : vector<1x128xf32> to vector<3200x128xf32>
    %add3A_74 = arith.addf %dot_general3A_69, %add3A_73 : vector<3200x128xf32>
    %get3A_75 = arith.constant 0 : index
    %get3A_76 = arith.constant 0 : index
    %get3A_77 = vector.load %arg2[%get3A_75, %get3A_76] : memref<3200x128xf32, #tpu.memory_space<vmem>>, vector<3200x128xf32>
    %get3A_78 = arith.constant 0 : index
    %get3A_79 = arith.constant 0 : index
    %get3A_80 = vector.load %arg3[%get3A_78, %get3A_79] : memref<3200x128xf32, #tpu.memory_space<vmem>>, vector<3200x128xf32>
    %add3A_81 = arith.addf %get3A_77, %get3A_80 : vector<3200x128xf32>
    %add3A_82 = arith.addf %add3A_81, %add3A_74 : vector<3200x128xf32>
    %neg3A_83 = arith.constant 0.000000e+00 : f32
    %neg3A_84 = vector.broadcast %neg3A_83 : f32 to vector<3200x128xf32>
    %neg3A_85 = arith.subf %neg3A_84, %add3A_82 : vector<3200x128xf32>
    %exp3A_86 = math.exp %neg3A_85 : vector<3200x128xf32>
    %add3A_87 = arith.constant 1.000000e+00 : f32
    %add3A_88 = vector.broadcast %add3A_87 : f32 to vector<3200x128xf32>
    %add3A_89 = arith.addf %add3A_88, %exp3A_86 : vector<3200x128xf32>
    %div3A_90 = arith.constant 1.000000e+00 : f32
    %div3A_91 = vector.broadcast %div3A_90 : f32 to vector<3200x128xf32>
    %div3A_92 = arith.divf %div3A_91, %add3A_89 : vector<3200x128xf32>
    %mul3A_93 = arith.mulf %add3A_82, %div3A_92 : vector<3200x128xf32>
    %get3A_94 = arith.constant 0 : index
    %get3A_95 = arith.constant 0 : index
    %get3A_96 = vector.load %arg12[%get3A_94, %get3A_95] : memref<128x128xf32, #tpu.memory_space<vmem>>, vector<128x128xf32>
    %dot_general3A_97 = arith.constant dense<0.000000e+00> : vector<3200x128xf32>
    %dot_general3A_98 = tpu.matmul %mul3A_93, %get3A_96, %dot_general3A_97 {dimension_numbers = #tpu.dot_dimension_numbers<[1], [0], [0], [1], [0, 0, 1, 1], [], []>, transpose_lhs_hint = false} : vector<3200x128xf32>, vector<128x128xf32>, vector<3200x128xf32> -> vector<3200x128xf32>
    %get3A_99 = arith.constant 0 : index
    %get3A_100 = arith.constant 0 : index
    %get3A_101 = vector.load %arg13[%get3A_99, %get3A_100] : memref<1x128xf32, #tpu.memory_space<vmem>>, vector<1x128xf32>
    %add3A_102 = vector.broadcast %get3A_101 : vector<1x128xf32> to vector<3200x128xf32>
    %add3A_103 = arith.addf %dot_general3A_98, %add3A_102 : vector<3200x128xf32>
    %get3A_104 = arith.constant 0 : index
    %get3A_105 = arith.constant 0 : index
    %get3A_106 = vector.load %arg14[%get3A_104, %get3A_105] : memref<1x128xf32, #tpu.memory_space<vmem>>, vector<1x128xf32>
    %get3A_107 = arith.constant 0 : index
    %get3A_108 = arith.constant 0 : index
    %get3A_109 = vector.load %arg15[%get3A_107, %get3A_108] : memref<1x128xf32, #tpu.memory_space<vmem>>, vector<1x128xf32>
    %reduce_sum3A_110 = arith.constant dense<0.000000e+00> : vector<3200xf32>
    %reduce_sum3A_111 = vector.multi_reduction <add>, %add3A_103, %reduce_sum3A_110 [1] : vector<3200x128xf32> to vector<3200xf32>
    %broadcast_in_dim3A_112 = vector.shape_cast %reduce_sum3A_111 : vector<3200xf32> to vector<3200x1xf32>
    %div3A_113 = arith.constant 1.280000e+02 : f32
    %div3A_114 = vector.broadcast %div3A_113 : f32 to vector<3200x1xf32>
    %div3A_115 = arith.divf %broadcast_in_dim3A_112, %div3A_114 : vector<3200x1xf32>
    %jit3A_116 = arith.constant 0 : i32
    %reduce_sum3A_117 = arith.constant dense<0.000000e+00> : vector<3200xf32>
    %reduce_sum3A_118 = vector.multi_reduction <add>, %add3A_103, %reduce_sum3A_117 [1] : vector<3200x128xf32> to vector<3200xf32>
    %broadcast_in_dim3A_119 = vector.shape_cast %reduce_sum3A_118 : vector<3200xf32> to vector<3200x1xf32>
    %div3A_120 = arith.constant 1.280000e+02 : f32
    %div3A_121 = vector.broadcast %div3A_120 : f32 to vector<3200x1xf32>
    %div3A_122 = arith.divf %broadcast_in_dim3A_119, %div3A_121 : vector<3200x1xf32>
    %sub3A_123 = vector.broadcast %div3A_122 : vector<3200x1xf32> to vector<3200x128xf32>
    %sub3A_124 = arith.subf %add3A_103, %sub3A_123 : vector<3200x128xf32>
    %square3A_125 = arith.mulf %sub3A_124, %sub3A_124 : vector<3200x128xf32>
    %convert_element_type3A_126 = arith.sitofp %jit3A_116 : i32 to f32
    %sub3A_127 = arith.constant 1.280000e+02 : f32
    %sub3A_128 = arith.subf %sub3A_127, %convert_element_type3A_126 : f32
    %reduce_sum3A_129 = arith.constant dense<0.000000e+00> : vector<3200xf32>
    %reduce_sum3A_130 = vector.multi_reduction <add>, %square3A_125, %reduce_sum3A_129 [1] : vector<3200x128xf32> to vector<3200xf32>
    %broadcast_in_dim3A_131 = vector.shape_cast %reduce_sum3A_130 : vector<3200xf32> to vector<3200x1xf32>
    %div3A_132 = vector.broadcast %sub3A_128 : f32 to vector<3200x1xf32>
    %div3A_133 = arith.divf %broadcast_in_dim3A_131, %div3A_132 : vector<3200x1xf32>
    %gt3A_134 = arith.constant 0.000000e+00 : f32
    %gt3A_135 = arith.cmpf ogt, %sub3A_128, %gt3A_134 : f32
    %jit3A_136 = arith.constant 0x7FC00000 : f32
    %broadcast_in_dim3A_137 = vector.broadcast %jit3A_136 : f32 to vector<3200x1xf32>
    %select_n3A_138 = arith.select %gt3A_135, %div3A_133, %broadcast_in_dim3A_137 : vector<3200x1xf32>
    %sub3A_139 = vector.broadcast %div3A_115 : vector<3200x1xf32> to vector<3200x128xf32>
    %sub3A_140 = arith.subf %add3A_103, %sub3A_139 : vector<3200x128xf32>
    %add3A_141 = arith.constant 9.99999974E-6 : f32
    %add3A_142 = vector.broadcast %add3A_141 : f32 to vector<3200x1xf32>
    %add3A_143 = arith.addf %select_n3A_138, %add3A_142 : vector<3200x1xf32>
    %sqrt3A_144 = math.sqrt %add3A_143 : vector<3200x1xf32>
    %div3A_145 = vector.broadcast %sqrt3A_144 : vector<3200x1xf32> to vector<3200x128xf32>
    %div3A_146 = arith.divf %sub3A_140, %div3A_145 : vector<3200x128xf32>
    %mul3A_147 = vector.broadcast %get3A_106 : vector<1x128xf32> to vector<3200x128xf32>
    %mul3A_148 = arith.mulf %div3A_146, %mul3A_147 : vector<3200x128xf32>
    %add3A_149 = vector.broadcast %get3A_109 : vector<1x128xf32> to vector<3200x128xf32>
    %add3A_150 = arith.addf %mul3A_148, %add3A_149 : vector<3200x128xf32>
    %swap3A = arith.constant 0 : index
    %swap3A_151 = arith.constant 0 : index
    %swap3A_152 = vector.load %arg17[%swap3A, %swap3A_151] : memref<3200x128xf32, #tpu.memory_space<vmem>>, vector<3200x128xf32>
    tpu.vector_store %arg17[%swap3A, %swap3A_151], %add3A_150 {strides = array<i32>} : memref<3200x128xf32, #tpu.memory_space<vmem>>, vector<3200x128xf32>,
    %add3A_153 = arith.addf %add3A_64, %add3A_150 : vector<3200x128xf32>
    %swap3A_154 = arith.constant 0 : index
    %swap3A_155 = arith.constant 0 : index
    %swap3A_156 = vector.load %arg18[%swap3A_154, %swap3A_155] : memref<3200x128xf32, #tpu.memory_space<vmem>>, vector<3200x128xf32>
    tpu.vector_store %arg18[%swap3A_154, %swap3A_155], %add3A_153 {strides = array<i32>} : memref<3200x128xf32, #tpu.memory_space<vmem>>, vector<3200x128xf32>,
    return
  }
  func.func @transform_0(%arg0: i32) -> (i32, i32) {
    %add3A = arith.constant 50 : i32
    %add3A_0 = arith.addi %arg0, %add3A : i32
    %c0_i32 = arith.constant 0 : i32
    %c0_i32_1 = arith.constant 0 : i32
    return %c0_i32, %add3A_0 : i32, i32
  }
  func.func @transform_1(%arg0: i32) -> (i32, i32) {
    %c0_i32 = arith.constant 0 : i32
    %c0_i32_0 = arith.constant 0 : i32
    return %arg0, %c0_i32 : i32, i32
  }
  func.func @transform_2(%arg0: i32) -> (i32, i32) {
    %c0_i32 = arith.constant 0 : i32
    %c0_i32_0 = arith.constant 0 : i32
    return %arg0, %c0_i32 : i32, i32
  }
  func.func @transform_3(%arg0: i32) -> (i32, i32) {
    %c0_i32 = arith.constant 0 : i32
    %c0_i32_0 = arith.constant 0 : i32
    %c0_i32_1 = arith.constant 0 : i32
    return %c0_i32, %c0_i32_0 : i32, i32
  }
  func.func @transform_4(%arg0: i32) -> (i32, i32) {
    %c0_i32 = arith.constant 0 : i32
    %c0_i32_0 = arith.constant 0 : i32
    %c0_i32_1 = arith.constant 0 : i32
    return %c0_i32, %c0_i32_0 : i32, i32
  }
  func.func @transform_5(%arg0: i32) -> (i32, i32) {
    %c0_i32 = arith.constant 0 : i32
    %c0_i32_0 = arith.constant 0 : i32
    %c0_i32_1 = arith.constant 0 : i32
    return %c0_i32, %c0_i32_0 : i32, i32
  }
  func.func @transform_6(%arg0: i32) -> (i32, i32) {
    %c0_i32 = arith.constant 0 : i32
    %c0_i32_0 = arith.constant 0 : i32
    %c0_i32_1 = arith.constant 0 : i32
    return %c0_i32, %c0_i32_0 : i32, i32
  }
  func.func @transform_7(%arg0: i32) -> (i32, i32) {
    %c0_i32 = arith.constant 0 : i32
    %c0_i32_0 = arith.constant 0 : i32
    %c0_i32_1 = arith.constant 0 : i32
    return %c0_i32, %c0_i32_0 : i32, i32
  }
  func.func @transform_8(%arg0: i32) -> (i32, i32) {
    %c0_i32 = arith.constant 0 : i32
    %c0_i32_0 = arith.constant 0 : i32
    %c0_i32_1 = arith.constant 0 : i32
    return %c0_i32, %c0_i32_0 : i32, i32
  }
  func.func @transform_9(%arg0: i32) -> (i32, i32) {
    %c0_i32 = arith.constant 0 : i32
    %c0_i32_0 = arith.constant 0 : i32
    %c0_i32_1 = arith.constant 0 : i32
    return %c0_i32, %c0_i32_0 : i32, i32
  }
  func.func @transform_10(%arg0: i32) -> (i32, i32) {
    %c0_i32 = arith.constant 0 : i32
    %c0_i32_0 = arith.constant 0 : i32
    %c0_i32_1 = arith.constant 0 : i32
    return %c0_i32, %c0_i32_0 : i32, i32
  }
  func.func @transform_11(%arg0: i32) -> (i32, i32) {
    %c0_i32 = arith.constant 0 : i32
    %c0_i32_0 = arith.constant 0 : i32
    %c0_i32_1 = arith.constant 0 : i32
    return %c0_i32, %c0_i32_0 : i32, i32
  }
  func.func @transform_12(%arg0: i32) -> (i32, i32) {
    %c0_i32 = arith.constant 0 : i32
    %c0_i32_0 = arith.constant 0 : i32
    %c0_i32_1 = arith.constant 0 : i32
    return %c0_i32, %c0_i32_0 : i32, i32
  }
  func.func @transform_13(%arg0: i32) -> (i32, i32) {
    %c0_i32 = arith.constant 0 : i32
    %c0_i32_0 = arith.constant 0 : i32
    %c0_i32_1 = arith.constant 0 : i32
    return %c0_i32, %c0_i32_0 : i32, i32
  }
  func.func @transform_14(%arg0: i32) -> (i32, i32) {
    %c0_i32 = arith.constant 0 : i32
    %c0_i32_0 = arith.constant 0 : i32
    %c0_i32_1 = arith.constant 0 : i32
    return %c0_i32, %c0_i32_0 : i32, i32
  }
  func.func @transform_16(%arg0: i32) -> (i32, i32) {
    %c0_i32 = arith.constant 0 : i32
    %c0_i32_0 = arith.constant 0 : i32
    return %arg0, %c0_i32 : i32, i32
  }
  func.func @transform_17(%arg0: i32) -> (i32, i32) {
    %add3A = arith.constant 50 : i32
    %add3A_0 = arith.addi %arg0, %add3A : i32
    %c0_i32 = arith.constant 0 : i32
    %c0_i32_1 = arith.constant 0 : i32
    return %add3A_0, %c0_i32 : i32, i32
  }
}

module attributes {stable_mosaic.version = 14 : i64} {
  func.func @_grid_node_body(%arg0: i32, %arg1: memref<2048x128xf32, #tpu.memory_space<vmem>>, %arg2: memref<128x128xf32, #tpu.memory_space<vmem>>, %arg3: memref<1x128xf32, #tpu.memory_space<vmem>>, %arg4: memref<128x128xf32, #tpu.memory_space<vmem>>, %arg5: memref<1x128xf32, #tpu.memory_space<vmem>>, %arg6: memref<1x128xf32, #tpu.memory_space<vmem>>, %arg7: memref<1x128xf32, #tpu.memory_space<vmem>>, %arg8: memref<2048x128xf32, #tpu.memory_space<vmem>>) attributes {dimension_semantics = [#tpu.dimension_semantics<arbitrary>], iteration_bounds = array<i64: 49>, scalar_prefetch = 0 : i64, scratch_operands = 0 : i64, tpu.core_type = #tpu.core_type<tc>, window_params = [{transform_indices = @transform_0, window_bounds = array<i64: 2048, 128>}, {pipeline_mode = #tpu.pipeline_mode<synchronous>, transform_indices = @transform_1, window_bounds = array<i64: 128, 128>}, {pipeline_mode = #tpu.pipeline_mode<synchronous>, transform_indices = @transform_2, window_bounds = array<i64: 1, 128>}, {pipeline_mode = #tpu.pipeline_mode<synchronous>, transform_indices = @transform_3, window_bounds = array<i64: 128, 128>}, {pipeline_mode = #tpu.pipeline_mode<synchronous>, transform_indices = @transform_4, window_bounds = array<i64: 1, 128>}, {pipeline_mode = #tpu.pipeline_mode<synchronous>, transform_indices = @transform_5, window_bounds = array<i64: 1, 128>}, {pipeline_mode = #tpu.pipeline_mode<synchronous>, transform_indices = @transform_6, window_bounds = array<i64: 1, 128>}, {transform_indices = @transform_7, window_bounds = array<i64: 2048, 128>}]} {
    %get3A = arith.constant 0 : index
    %get3A_0 = arith.constant 0 : index
    %get3A_1 = vector.load %arg1[%get3A, %get3A_0] : memref<2048x128xf32, #tpu.memory_space<vmem>>, vector<2048x128xf32>
    %get3A_2 = arith.constant 0 : index
    %get3A_3 = arith.constant 0 : index
    %get3A_4 = vector.load %arg2[%get3A_2, %get3A_3] : memref<128x128xf32, #tpu.memory_space<vmem>>, vector<128x128xf32>
    %dot_general3A = arith.constant dense<0.000000e+00> : vector<2048x128xf32>
    %dot_general3A_5 = tpu.matmul %get3A_1, %get3A_4, %dot_general3A {dimension_numbers = #tpu.dot_dimension_numbers<[1], [0], [0], [1], [0, 0, 1, 1], [], []>, transpose_lhs_hint = false} : vector<2048x128xf32>, vector<128x128xf32>, vector<2048x128xf32> -> vector<2048x128xf32>
    %get3A_6 = arith.constant 0 : index
    %get3A_7 = arith.constant 0 : index
    %get3A_8 = vector.load %arg3[%get3A_6, %get3A_7] : memref<1x128xf32, #tpu.memory_space<vmem>>, vector<1x128xf32>
    %add3A = vector.broadcast %get3A_8 : vector<1x128xf32> to vector<2048x128xf32>
    %add3A_9 = arith.addf %dot_general3A_5, %add3A : vector<2048x128xf32>
    %neg3A = arith.constant 0.000000e+00 : f32
    %neg3A_10 = vector.broadcast %neg3A : f32 to vector<2048x128xf32>
    %neg3A_11 = arith.subf %neg3A_10, %add3A_9 : vector<2048x128xf32>
    %exp3A = math.exp %neg3A_11 : vector<2048x128xf32>
    %add3A_12 = arith.constant 1.000000e+00 : f32
    %add3A_13 = vector.broadcast %add3A_12 : f32 to vector<2048x128xf32>
    %add3A_14 = arith.addf %add3A_13, %exp3A : vector<2048x128xf32>
    %div3A = arith.constant 1.000000e+00 : f32
    %div3A_15 = vector.broadcast %div3A : f32 to vector<2048x128xf32>
    %div3A_16 = arith.divf %div3A_15, %add3A_14 : vector<2048x128xf32>
    %mul3A = arith.mulf %add3A_9, %div3A_16 : vector<2048x128xf32>
    %get3A_17 = arith.constant 0 : index
    %get3A_18 = arith.constant 0 : index
    %get3A_19 = vector.load %arg4[%get3A_17, %get3A_18] : memref<128x128xf32, #tpu.memory_space<vmem>>, vector<128x128xf32>
    %dot_general3A_20 = arith.constant dense<0.000000e+00> : vector<2048x128xf32>
    %dot_general3A_21 = tpu.matmul %mul3A, %get3A_19, %dot_general3A_20 {dimension_numbers = #tpu.dot_dimension_numbers<[1], [0], [0], [1], [0, 0, 1, 1], [], []>, transpose_lhs_hint = false} : vector<2048x128xf32>, vector<128x128xf32>, vector<2048x128xf32> -> vector<2048x128xf32>
    %get3A_22 = arith.constant 0 : index
    %get3A_23 = arith.constant 0 : index
    %get3A_24 = vector.load %arg5[%get3A_22, %get3A_23] : memref<1x128xf32, #tpu.memory_space<vmem>>, vector<1x128xf32>
    %add3A_25 = vector.broadcast %get3A_24 : vector<1x128xf32> to vector<2048x128xf32>
    %add3A_26 = arith.addf %dot_general3A_21, %add3A_25 : vector<2048x128xf32>
    %get3A_27 = arith.constant 0 : index
    %get3A_28 = arith.constant 0 : index
    %get3A_29 = vector.load %arg6[%get3A_27, %get3A_28] : memref<1x128xf32, #tpu.memory_space<vmem>>, vector<1x128xf32>
    %get3A_30 = arith.constant 0 : index
    %get3A_31 = arith.constant 0 : index
    %get3A_32 = vector.load %arg7[%get3A_30, %get3A_31] : memref<1x128xf32, #tpu.memory_space<vmem>>, vector<1x128xf32>
    %reduce_sum3A = arith.constant dense<0.000000e+00> : vector<2048xf32>
    %reduce_sum3A_33 = vector.multi_reduction <add>, %add3A_26, %reduce_sum3A [1] : vector<2048x128xf32> to vector<2048xf32>
    %broadcast_in_dim3A = vector.shape_cast %reduce_sum3A_33 : vector<2048xf32> to vector<2048x1xf32>
    %div3A_34 = arith.constant 1.280000e+02 : f32
    %div3A_35 = vector.broadcast %div3A_34 : f32 to vector<2048x1xf32>
    %div3A_36 = arith.divf %broadcast_in_dim3A, %div3A_35 : vector<2048x1xf32>
    %jit3A = arith.constant 0 : i32
    %reduce_sum3A_37 = arith.constant dense<0.000000e+00> : vector<2048xf32>
    %reduce_sum3A_38 = vector.multi_reduction <add>, %add3A_26, %reduce_sum3A_37 [1] : vector<2048x128xf32> to vector<2048xf32>
    %broadcast_in_dim3A_39 = vector.shape_cast %reduce_sum3A_38 : vector<2048xf32> to vector<2048x1xf32>
    %div3A_40 = arith.constant 1.280000e+02 : f32
    %div3A_41 = vector.broadcast %div3A_40 : f32 to vector<2048x1xf32>
    %div3A_42 = arith.divf %broadcast_in_dim3A_39, %div3A_41 : vector<2048x1xf32>
    %sub3A = vector.broadcast %div3A_42 : vector<2048x1xf32> to vector<2048x128xf32>
    %sub3A_43 = arith.subf %add3A_26, %sub3A : vector<2048x128xf32>
    %square3A = arith.mulf %sub3A_43, %sub3A_43 : vector<2048x128xf32>
    %convert_element_type3A = arith.sitofp %jit3A : i32 to f32
    %sub3A_44 = arith.constant 1.280000e+02 : f32
    %sub3A_45 = arith.subf %sub3A_44, %convert_element_type3A : f32
    %reduce_sum3A_46 = arith.constant dense<0.000000e+00> : vector<2048xf32>
    %reduce_sum3A_47 = vector.multi_reduction <add>, %square3A, %reduce_sum3A_46 [1] : vector<2048x128xf32> to vector<2048xf32>
    %broadcast_in_dim3A_48 = vector.shape_cast %reduce_sum3A_47 : vector<2048xf32> to vector<2048x1xf32>
    %div3A_49 = vector.broadcast %sub3A_45 : f32 to vector<2048x1xf32>
    %div3A_50 = arith.divf %broadcast_in_dim3A_48, %div3A_49 : vector<2048x1xf32>
    %gt3A = arith.constant 0.000000e+00 : f32
    %gt3A_51 = arith.cmpf ogt, %sub3A_45, %gt3A : f32
    %jit3A_52 = arith.constant 0x7FC00000 : f32
    %broadcast_in_dim3A_53 = vector.broadcast %jit3A_52 : f32 to vector<2048x1xf32>
    %select_n3A = arith.select %gt3A_51, %div3A_50, %broadcast_in_dim3A_53 : vector<2048x1xf32>
    %sub3A_54 = vector.broadcast %div3A_36 : vector<2048x1xf32> to vector<2048x128xf32>
    %sub3A_55 = arith.subf %add3A_26, %sub3A_54 : vector<2048x128xf32>
    %add3A_56 = arith.constant 9.99999974E-6 : f32
    %add3A_57 = vector.broadcast %add3A_56 : f32 to vector<2048x1xf32>
    %add3A_58 = arith.addf %select_n3A, %add3A_57 : vector<2048x1xf32>
    %sqrt3A = math.sqrt %add3A_58 : vector<2048x1xf32>
    %div3A_59 = vector.broadcast %sqrt3A : vector<2048x1xf32> to vector<2048x128xf32>
    %div3A_60 = arith.divf %sub3A_55, %div3A_59 : vector<2048x128xf32>
    %mul3A_61 = vector.broadcast %get3A_29 : vector<1x128xf32> to vector<2048x128xf32>
    %mul3A_62 = arith.mulf %div3A_60, %mul3A_61 : vector<2048x128xf32>
    %add3A_63 = vector.broadcast %get3A_32 : vector<1x128xf32> to vector<2048x128xf32>
    %add3A_64 = arith.addf %mul3A_62, %add3A_63 : vector<2048x128xf32>
    %add3A_65 = arith.addf %get3A_1, %add3A_64 : vector<2048x128xf32>
    %swap3A = arith.constant 0 : index
    %swap3A_66 = arith.constant 0 : index
    %swap3A_67 = vector.load %arg8[%swap3A, %swap3A_66] : memref<2048x128xf32, #tpu.memory_space<vmem>>, vector<2048x128xf32>
    tpu.vector_store %arg8[%swap3A, %swap3A_66], %add3A_65 {strides = array<i32>} : memref<2048x128xf32, #tpu.memory_space<vmem>>, vector<2048x128xf32>,
    return
  }
  func.func @transform_0(%arg0: i32) -> (i32, i32) {
    %c0_i32 = arith.constant 0 : i32
    %c0_i32_0 = arith.constant 0 : i32
    return %arg0, %c0_i32 : i32, i32
  }
  func.func @transform_1(%arg0: i32) -> (i32, i32) {
    %c0_i32 = arith.constant 0 : i32
    %c0_i32_0 = arith.constant 0 : i32
    %c0_i32_1 = arith.constant 0 : i32
    return %c0_i32, %c0_i32_0 : i32, i32
  }
  func.func @transform_2(%arg0: i32) -> (i32, i32) {
    %c0_i32 = arith.constant 0 : i32
    %c0_i32_0 = arith.constant 0 : i32
    %c0_i32_1 = arith.constant 0 : i32
    return %c0_i32, %c0_i32_0 : i32, i32
  }
  func.func @transform_3(%arg0: i32) -> (i32, i32) {
    %c0_i32 = arith.constant 0 : i32
    %c0_i32_0 = arith.constant 0 : i32
    %c0_i32_1 = arith.constant 0 : i32
    return %c0_i32, %c0_i32_0 : i32, i32
  }
  func.func @transform_4(%arg0: i32) -> (i32, i32) {
    %c0_i32 = arith.constant 0 : i32
    %c0_i32_0 = arith.constant 0 : i32
    %c0_i32_1 = arith.constant 0 : i32
    return %c0_i32, %c0_i32_0 : i32, i32
  }
  func.func @transform_5(%arg0: i32) -> (i32, i32) {
    %c0_i32 = arith.constant 0 : i32
    %c0_i32_0 = arith.constant 0 : i32
    %c0_i32_1 = arith.constant 0 : i32
    return %c0_i32, %c0_i32_0 : i32, i32
  }
  func.func @transform_6(%arg0: i32) -> (i32, i32) {
    %c0_i32 = arith.constant 0 : i32
    %c0_i32_0 = arith.constant 0 : i32
    %c0_i32_1 = arith.constant 0 : i32
    return %c0_i32, %c0_i32_0 : i32, i32
  }
  func.func @transform_7(%arg0: i32) -> (i32, i32) {
    %c0_i32 = arith.constant 0 : i32
    %c0_i32_0 = arith.constant 0 : i32
    return %arg0, %c0_i32 : i32, i32
  }
}

module attributes {stable_mosaic.version = 14 : i64} {
  func.func @_mesh_upd_body(%arg0: i32, %arg1: memref<2000x128xf32, #tpu.memory_space<vmem>>, %arg2: memref<2x2000x128xf32, #tpu.memory_space<vmem>>, %arg3: memref<2x2000x128xf32, #tpu.memory_space<vmem>>, %arg4: memref<128x128xf32, #tpu.memory_space<vmem>>, %arg5: memref<128x128xf32, #tpu.memory_space<vmem>>, %arg6: memref<1x128xf32, #tpu.memory_space<vmem>>, %arg7: memref<128x128xf32, #tpu.memory_space<vmem>>, %arg8: memref<1x128xf32, #tpu.memory_space<vmem>>, %arg9: memref<1x128xf32, #tpu.memory_space<vmem>>, %arg10: memref<1x128xf32, #tpu.memory_space<vmem>>, %arg11: memref<2000x128xf32, #tpu.memory_space<vmem>>) attributes {dimension_semantics = [#tpu.dimension_semantics<arbitrary>], iteration_bounds = array<i64: 5>, scalar_prefetch = 0 : i64, scratch_operands = 0 : i64, tpu.core_type = #tpu.core_type<tc>, window_params = [{transform_indices = @transform_0, window_bounds = array<i64: 2000, 128>}, {transform_indices = @transform_1, window_bounds = array<i64: 2, 2000, 128>}, {transform_indices = @transform_2, window_bounds = array<i64: 2, 2000, 128>}, {pipeline_mode = #tpu.pipeline_mode<synchronous>, transform_indices = @transform_3, window_bounds = array<i64: 128, 128>}, {pipeline_mode = #tpu.pipeline_mode<synchronous>, transform_indices = @transform_4, window_bounds = array<i64: 128, 128>}, {pipeline_mode = #tpu.pipeline_mode<synchronous>, transform_indices = @transform_5, window_bounds = array<i64: 1, 128>}, {pipeline_mode = #tpu.pipeline_mode<synchronous>, transform_indices = @transform_6, window_bounds = array<i64: 128, 128>}, {pipeline_mode = #tpu.pipeline_mode<synchronous>, transform_indices = @transform_7, window_bounds = array<i64: 1, 128>}, {pipeline_mode = #tpu.pipeline_mode<synchronous>, transform_indices = @transform_8, window_bounds = array<i64: 1, 128>}, {pipeline_mode = #tpu.pipeline_mode<synchronous>, transform_indices = @transform_9, window_bounds = array<i64: 1, 128>}, {transform_indices = @transform_10, window_bounds = array<i64: 2000, 128>}]} {
    %get3A = arith.constant 0 : index
    %get3A_0 = arith.constant 0 : index
    %get3A_1 = arith.constant 0 : index
    %get3A_2 = vector.load %arg2[%get3A, %get3A_0, %get3A_1] : memref<2x2000x128xf32, #tpu.memory_space<vmem>>, vector<1x2000x128xf32>
    %get3A_3 = vector.shape_cast %get3A_2 : vector<1x2000x128xf32> to vector<2000x128xf32>
    %get3A_4 = arith.constant 1 : index
    %get3A_5 = arith.constant 0 : index
    %get3A_6 = arith.constant 0 : index
    %get3A_7 = vector.load %arg2[%get3A_4, %get3A_5, %get3A_6] : memref<2x2000x128xf32, #tpu.memory_space<vmem>>, vector<1x2000x128xf32>
    %get3A_8 = vector.shape_cast %get3A_7 : vector<1x2000x128xf32> to vector<2000x128xf32>
    %add3A = arith.addf %get3A_3, %get3A_8 : vector<2000x128xf32>
    %get3A_9 = arith.constant 0 : index
    %get3A_10 = arith.constant 0 : index
    %get3A_11 = arith.constant 0 : index
    %get3A_12 = vector.load %arg3[%get3A_9, %get3A_10, %get3A_11] : memref<2x2000x128xf32, #tpu.memory_space<vmem>>, vector<1x2000x128xf32>
    %get3A_13 = vector.shape_cast %get3A_12 : vector<1x2000x128xf32> to vector<2000x128xf32>
    %get3A_14 = arith.constant 1 : index
    %get3A_15 = arith.constant 0 : index
    %get3A_16 = arith.constant 0 : index
    %get3A_17 = vector.load %arg3[%get3A_14, %get3A_15, %get3A_16] : memref<2x2000x128xf32, #tpu.memory_space<vmem>>, vector<1x2000x128xf32>
    %get3A_18 = vector.shape_cast %get3A_17 : vector<1x2000x128xf32> to vector<2000x128xf32>
    %add3A_19 = arith.addf %get3A_13, %get3A_18 : vector<2000x128xf32>
    %add3A_20 = arith.addf %add3A, %add3A_19 : vector<2000x128xf32>
    %get3A_21 = arith.constant 0 : index
    %get3A_22 = arith.constant 0 : index
    %get3A_23 = vector.load %arg1[%get3A_21, %get3A_22] : memref<2000x128xf32, #tpu.memory_space<vmem>>, vector<2000x128xf32>
    %get3A_24 = arith.constant 0 : index
    %get3A_25 = arith.constant 0 : index
    %get3A_26 = vector.load %arg4[%get3A_24, %get3A_25] : memref<128x128xf32, #tpu.memory_space<vmem>>, vector<128x128xf32>
    %dot_general3A = arith.constant dense<0.000000e+00> : vector<2000x128xf32>
    %dot_general3A_27 = tpu.matmul %get3A_23, %get3A_26, %dot_general3A {dimension_numbers = #tpu.dot_dimension_numbers<[1], [0], [0], [1], [0, 0, 1, 1], [], []>, transpose_lhs_hint = false} : vector<2000x128xf32>, vector<128x128xf32>, vector<2000x128xf32> -> vector<2000x128xf32>
    %get3A_28 = arith.constant 0 : index
    %get3A_29 = arith.constant 0 : index
    %get3A_30 = vector.load %arg5[%get3A_28, %get3A_29] : memref<128x128xf32, #tpu.memory_space<vmem>>, vector<128x128xf32>
    %dot_general3A_31 = arith.constant dense<0.000000e+00> : vector<2000x128xf32>
    %dot_general3A_32 = tpu.matmul %add3A_20, %get3A_30, %dot_general3A_31 {dimension_numbers = #tpu.dot_dimension_numbers<[1], [0], [0], [1], [0, 0, 1, 1], [], []>, transpose_lhs_hint = false} : vector<2000x128xf32>, vector<128x128xf32>, vector<2000x128xf32> -> vector<2000x128xf32>
    %add3A_33 = arith.addf %dot_general3A_27, %dot_general3A_32 : vector<2000x128xf32>
    %get3A_34 = arith.constant 0 : index
    %get3A_35 = arith.constant 0 : index
    %get3A_36 = vector.load %arg6[%get3A_34, %get3A_35] : memref<1x128xf32, #tpu.memory_space<vmem>>, vector<1x128xf32>
    %add3A_37 = vector.broadcast %get3A_36 : vector<1x128xf32> to vector<2000x128xf32>
    %add3A_38 = arith.addf %add3A_33, %add3A_37 : vector<2000x128xf32>
    %neg3A = arith.constant 0.000000e+00 : f32
    %neg3A_39 = vector.broadcast %neg3A : f32 to vector<2000x128xf32>
    %neg3A_40 = arith.subf %neg3A_39, %add3A_38 : vector<2000x128xf32>
    %exp3A = math.exp %neg3A_40 : vector<2000x128xf32>
    %add3A_41 = arith.constant 1.000000e+00 : f32
    %add3A_42 = vector.broadcast %add3A_41 : f32 to vector<2000x128xf32>
    %add3A_43 = arith.addf %add3A_42, %exp3A : vector<2000x128xf32>
    %div3A = arith.constant 1.000000e+00 : f32
    %div3A_44 = vector.broadcast %div3A : f32 to vector<2000x128xf32>
    %div3A_45 = arith.divf %div3A_44, %add3A_43 : vector<2000x128xf32>
    %mul3A = arith.mulf %add3A_38, %div3A_45 : vector<2000x128xf32>
    %get3A_46 = arith.constant 0 : index
    %get3A_47 = arith.constant 0 : index
    %get3A_48 = vector.load %arg7[%get3A_46, %get3A_47] : memref<128x128xf32, #tpu.memory_space<vmem>>, vector<128x128xf32>
    %dot_general3A_49 = arith.constant dense<0.000000e+00> : vector<2000x128xf32>
    %dot_general3A_50 = tpu.matmul %mul3A, %get3A_48, %dot_general3A_49 {dimension_numbers = #tpu.dot_dimension_numbers<[1], [0], [0], [1], [0, 0, 1, 1], [], []>, transpose_lhs_hint = false} : vector<2000x128xf32>, vector<128x128xf32>, vector<2000x128xf32> -> vector<2000x128xf32>
    %get3A_51 = arith.constant 0 : index
    %get3A_52 = arith.constant 0 : index
    %get3A_53 = vector.load %arg8[%get3A_51, %get3A_52] : memref<1x128xf32, #tpu.memory_space<vmem>>, vector<1x128xf32>
    %add3A_54 = vector.broadcast %get3A_53 : vector<1x128xf32> to vector<2000x128xf32>
    %add3A_55 = arith.addf %dot_general3A_50, %add3A_54 : vector<2000x128xf32>
    %get3A_56 = arith.constant 0 : index
    %get3A_57 = arith.constant 0 : index
    %get3A_58 = vector.load %arg9[%get3A_56, %get3A_57] : memref<1x128xf32, #tpu.memory_space<vmem>>, vector<1x128xf32>
    %get3A_59 = arith.constant 0 : index
    %get3A_60 = arith.constant 0 : index
    %get3A_61 = vector.load %arg10[%get3A_59, %get3A_60] : memref<1x128xf32, #tpu.memory_space<vmem>>, vector<1x128xf32>
    %reduce_sum3A = arith.constant dense<0.000000e+00> : vector<2000xf32>
    %reduce_sum3A_62 = vector.multi_reduction <add>, %add3A_55, %reduce_sum3A [1] : vector<2000x128xf32> to vector<2000xf32>
    %broadcast_in_dim3A = vector.shape_cast %reduce_sum3A_62 : vector<2000xf32> to vector<2000x1xf32>
    %div3A_63 = arith.constant 1.280000e+02 : f32
    %div3A_64 = vector.broadcast %div3A_63 : f32 to vector<2000x1xf32>
    %div3A_65 = arith.divf %broadcast_in_dim3A, %div3A_64 : vector<2000x1xf32>
    %jit3A = arith.constant 0 : i32
    %reduce_sum3A_66 = arith.constant dense<0.000000e+00> : vector<2000xf32>
    %reduce_sum3A_67 = vector.multi_reduction <add>, %add3A_55, %reduce_sum3A_66 [1] : vector<2000x128xf32> to vector<2000xf32>
    %broadcast_in_dim3A_68 = vector.shape_cast %reduce_sum3A_67 : vector<2000xf32> to vector<2000x1xf32>
    %div3A_69 = arith.constant 1.280000e+02 : f32
    %div3A_70 = vector.broadcast %div3A_69 : f32 to vector<2000x1xf32>
    %div3A_71 = arith.divf %broadcast_in_dim3A_68, %div3A_70 : vector<2000x1xf32>
    %sub3A = vector.broadcast %div3A_71 : vector<2000x1xf32> to vector<2000x128xf32>
    %sub3A_72 = arith.subf %add3A_55, %sub3A : vector<2000x128xf32>
    %square3A = arith.mulf %sub3A_72, %sub3A_72 : vector<2000x128xf32>
    %convert_element_type3A = arith.sitofp %jit3A : i32 to f32
    %sub3A_73 = arith.constant 1.280000e+02 : f32
    %sub3A_74 = arith.subf %sub3A_73, %convert_element_type3A : f32
    %reduce_sum3A_75 = arith.constant dense<0.000000e+00> : vector<2000xf32>
    %reduce_sum3A_76 = vector.multi_reduction <add>, %square3A, %reduce_sum3A_75 [1] : vector<2000x128xf32> to vector<2000xf32>
    %broadcast_in_dim3A_77 = vector.shape_cast %reduce_sum3A_76 : vector<2000xf32> to vector<2000x1xf32>
    %div3A_78 = vector.broadcast %sub3A_74 : f32 to vector<2000x1xf32>
    %div3A_79 = arith.divf %broadcast_in_dim3A_77, %div3A_78 : vector<2000x1xf32>
    %gt3A = arith.constant 0.000000e+00 : f32
    %gt3A_80 = arith.cmpf ogt, %sub3A_74, %gt3A : f32
    %jit3A_81 = arith.constant 0x7FC00000 : f32
    %broadcast_in_dim3A_82 = vector.broadcast %jit3A_81 : f32 to vector<2000x1xf32>
    %select_n3A = arith.select %gt3A_80, %div3A_79, %broadcast_in_dim3A_82 : vector<2000x1xf32>
    %sub3A_83 = vector.broadcast %div3A_65 : vector<2000x1xf32> to vector<2000x128xf32>
    %sub3A_84 = arith.subf %add3A_55, %sub3A_83 : vector<2000x128xf32>
    %add3A_85 = arith.constant 9.99999974E-6 : f32
    %add3A_86 = vector.broadcast %add3A_85 : f32 to vector<2000x1xf32>
    %add3A_87 = arith.addf %select_n3A, %add3A_86 : vector<2000x1xf32>
    %sqrt3A = math.sqrt %add3A_87 : vector<2000x1xf32>
    %div3A_88 = vector.broadcast %sqrt3A : vector<2000x1xf32> to vector<2000x128xf32>
    %div3A_89 = arith.divf %sub3A_84, %div3A_88 : vector<2000x128xf32>
    %mul3A_90 = vector.broadcast %get3A_58 : vector<1x128xf32> to vector<2000x128xf32>
    %mul3A_91 = arith.mulf %div3A_89, %mul3A_90 : vector<2000x128xf32>
    %add3A_92 = vector.broadcast %get3A_61 : vector<1x128xf32> to vector<2000x128xf32>
    %add3A_93 = arith.addf %mul3A_91, %add3A_92 : vector<2000x128xf32>
    %add3A_94 = arith.addf %get3A_23, %add3A_93 : vector<2000x128xf32>
    %swap3A = arith.constant 0 : index
    %swap3A_95 = arith.constant 0 : index
    %swap3A_96 = vector.load %arg11[%swap3A, %swap3A_95] : memref<2000x128xf32, #tpu.memory_space<vmem>>, vector<2000x128xf32>
    tpu.vector_store %arg11[%swap3A, %swap3A_95], %add3A_94 {strides = array<i32>} : memref<2000x128xf32, #tpu.memory_space<vmem>>, vector<2000x128xf32>,
    return
  }
  func.func @transform_0(%arg0: i32) -> (i32, i32) {
    %c0_i32 = arith.constant 0 : i32
    %c0_i32_0 = arith.constant 0 : i32
    return %arg0, %c0_i32 : i32, i32
  }
  func.func @transform_1(%arg0: i32) -> (i32, i32, i32) {
    %c0_i32 = arith.constant 0 : i32
    %c0_i32_0 = arith.constant 0 : i32
    %c0_i32_1 = arith.constant 0 : i32
    return %c0_i32, %arg0, %c0_i32_0 : i32, i32, i32
  }
  func.func @transform_2(%arg0: i32) -> (i32, i32, i32) {
    %c0_i32 = arith.constant 0 : i32
    %c0_i32_0 = arith.constant 0 : i32
    %c0_i32_1 = arith.constant 0 : i32
    return %c0_i32, %arg0, %c0_i32_0 : i32, i32, i32
  }
  func.func @transform_3(%arg0: i32) -> (i32, i32) {
    %c0_i32 = arith.constant 0 : i32
    %c0_i32_0 = arith.constant 0 : i32
    %c0_i32_1 = arith.constant 0 : i32
    return %c0_i32, %c0_i32_0 : i32, i32
  }
  func.func @transform_4(%arg0: i32) -> (i32, i32) {
    %c0_i32 = arith.constant 0 : i32
    %c0_i32_0 = arith.constant 0 : i32
    %c0_i32_1 = arith.constant 0 : i32
    return %c0_i32, %c0_i32_0 : i32, i32
  }
  func.func @transform_5(%arg0: i32) -> (i32, i32) {
    %c0_i32 = arith.constant 0 : i32
    %c0_i32_0 = arith.constant 0 : i32
    %c0_i32_1 = arith.constant 0 : i32
    return %c0_i32, %c0_i32_0 : i32, i32
  }
  func.func @transform_6(%arg0: i32) -> (i32, i32) {
    %c0_i32 = arith.constant 0 : i32
    %c0_i32_0 = arith.constant 0 : i32
    %c0_i32_1 = arith.constant 0 : i32
    return %c0_i32, %c0_i32_0 : i32, i32
  }
  func.func @transform_7(%arg0: i32) -> (i32, i32) {
    %c0_i32 = arith.constant 0 : i32
    %c0_i32_0 = arith.constant 0 : i32
    %c0_i32_1 = arith.constant 0 : i32
    return %c0_i32, %c0_i32_0 : i32, i32
  }
  func.func @transform_8(%arg0: i32) -> (i32, i32) {
    %c0_i32 = arith.constant 0 : i32
    %c0_i32_0 = arith.constant 0 : i32
    %c0_i32_1 = arith.constant 0 : i32
    return %c0_i32, %c0_i32_0 : i32, i32
  }
  func.func @transform_9(%arg0: i32) -> (i32, i32) {
    %c0_i32 = arith.constant 0 : i32
    %c0_i32_0 = arith.constant 0 : i32
    %c0_i32_1 = arith.constant 0 : i32
    return %c0_i32, %c0_i32_0 : i32, i32
  }
  func.func @transform_10(%arg0: i32) -> (i32, i32) {
    %c0_i32 = arith.constant 0 : i32
    %c0_i32_0 = arith.constant 0 : i32
    return %arg0, %c0_i32 : i32, i32
  }
}

</mosaic_0001>

<sc_bundles>
// kernel: kernel.12.cloned.1.call-start
scs
__scs_entry_jumppad:
0x0: {  	(pc) =	sbr.rel $0x88, $3  }
0x1: {  	(tag) =	ssettag $0x0;
	lr =	simm.s32 $0x1  }
0x2: {  	[smem:$0x3F79] =	sst lr;
	_ =	strace $0xD0000000  }
0x3: {  	_ = 	snop  }
0x4: {  	_ = 	snop  }
0x5: {  	_ = 	snop  }
0x6: {  	_ = 	snop  }
0x7: {  	_ = 	snop  }
__scs_overlays_trampoline_lowered:
0x8: {  	[smem:$0x3F88] =	sst s0  }
0x9: {  	[smem:$0x3F89] =	sst s1  }
0xa: {  	[smem:$0x3F8A] =	sst s2  }
0xb: {  	[smem:$0x3F8B] =	sst s3  }
0xc: {  	[smem:$0x3F8C] =	sst s4  }
0xd: {  	[smem:$0x3F8D] =	sst s5  }
0xe: {  	[smem:$0x3F8E] =	sst s6  }
0xf: {  	[smem:$0x3F8F] =	sst s7  }
0x10: {  	[smem:$0x3F90] =	sst s8  }
0x11: {  	[smem:$0x3F91] =	sst s9;
	s0 =	simm.s32 @!p0 $0x0  }
0x12: {  	s1 =	sld [smem:$0x3F77];
	s0 =	simm.s32 @p0 $0x1  }
0x13: {  	[smem:$0x3F92] =	sst s0;
	s0 =	simm.s32 @!p1 $0x0  }
0x14: {  	s2 =	sld [smem:$0x3F76];
	s0 =	simm.s32 @p1 $0x1  }
0x15: {  	[smem:$0x3F93] =	sst s0;
	s0 =	simm.s32 @!p2 $0x0  }
0x16: {  	s3 =	sld [smem:$0x3FDB];
	s0 =	simm.s32 @p2 $0x1  }
0x17: {  	s4 =	simm.s32 $0x1BF5;
	[smem:$0x3F95] =	sst s0  }
0x18: {  	s0 =	sld [smem:$0x3F78];
	_ =	swait.ge [sflag:s4], $0x0  }
0x19: {  	s7 =	sld [smem:$0x3F79]  }
0x1a: {  	s8 =	sadd.s32 $0xFFFFE003, lr  }
0x1b: {  	s9 =	sadd.s32 $0xFFFFFEF7, lr;
	s5 =	simm.s32 $0xFFFFFFFF;
	p2 =	slt.u32 s8, $0xFFFFF086  }
0x1c: {  	p1 =	slt.u32 s9, $0xF7A;
	s5 =	simm.s32 @!p2 $0x0  }
0x1d: {  	s5 =	simm.s32 @p1 $0x1;
	p0 =	seq.s32 s7, s2  }
0x1e: {  	s7 =	smul.u32 @!p0 $0xF7A, s2;
	p2 =	seq.s32 @!p0 s5, $0x0  }
0x1f: {  	s9 =	smul.u32 $0xF7A, s1;
	s8 =	simm.s32 @!p0 $0x1BF5;
	p2 =	por !p2, p0  }
0x20: {  	[sflag:s8] =	ssyncset.s32 @!p0 $0xFFFFF086;
	s6 =	sadd.s32 @!p0 s3, s7;
	s7 =	simm.s32 @!p0 $0x108  }
0x21: {  	s3 =	sadd.s32 s3, s9;
	s6 =	sadd.s32 @!p0 $0x88, s6;
	s7 =	simm.s32 @p2 $0x1082  }
0x22: {  	[simem:s7], [sflag:s8] =	dma.local @!p0 [hbm:s6], $0xF7A  }
0x23: {  	s9 =	sor.u32 $0xD0000000, s2;
	s6 =	simm.s32 $0x108;
	_ =	swait.ge @!p0 [sflag:s8], $0x0  }
0x24: {  	s3 =	sadd.s32 $0x88, s3;
	s6 =	simm.s32 @!p1 $0x1082;
	[sflag:s4] =	ssyncset.s32 $0xFFFFF086  }
0x25: {  	[simem:s6], [sflag:s4] =	dma.local [hbm:s3], $0xF7A  }
0x26: {  	[smem:$0x3F79] =	sst s1;
	(tag) =	ssettag s2;
	_ =	strace s9  }
0x27: {  	s1 =	sld [smem:$0x3F89]  }
0x28: {  	s2 =	sld [smem:$0x3F8A]  }
0x29: {  	s4 =	sld [smem:$0x3F8C]  }
0x2a: {  	p0 =	seq.s32 s5, $0x0;
	s5 =	sld [smem:$0x3F8D]  }
0x2b: {  	s6 =	sld [smem:$0x3F8E]  }
0x2c: {  	s7 =	sld [smem:$0x3F8F]  }
0x2d: {  	s3 =	simm.s32 $0x108;
	s8 =	sld [smem:$0x3F90]  }
0x2e: {  	s3 =	simm.s32 @!p0 $0x1082;
	s9 =	sld [smem:$0x3F91]  }
0x2f: {  	lr =	sadd.s32 s0, s3;
	s0 =	sld [smem:$0x3F88]  }
0x30: {  	s3 =	sld [smem:$0x3F8B]  }
0x31: {  	[smem:$0x3F94] =	sst s10  }
0x32: {  	s10 =	sld [smem:$0x3F92];
	_ =	sdelay $0x3  }
0x33: {  	p0 =	seq.s32 s10, $0x1;
	s10 =	sld [smem:$0x3F94];
	_ =	sdelay $0x3  }
0x34: {  	[smem:$0x3F94] =	sst s10  }
0x35: {  	s10 =	sld [smem:$0x3F93];
	_ =	sdelay $0x3  }
0x36: {  	p1 =	seq.s32 s10, $0x1;
	s10 =	sld [smem:$0x3F94];
	_ =	sdelay $0x3  }
0x37: {  	[smem:$0x3F94] =	sst s10  }
0x38: {  	s10 =	sld [smem:$0x3F95]  }
0x39: {  	_ = 	snop;
	(pc) =	sbr.ind lr, $3  }
0x3a: {  	_ = 	snop  }
0x3b: {  	_ = 	snop  }
0x3c: {  	p2 =	seq.s32 s10, $0x1;
	s10 =	sld [smem:$0x3F94]  }
0x3d: {  	_ =	shalt  }
0x3e: {  	_ =	shalt  }
0x3f: {  	_ =	shalt  }
0x40: {  	_ =	shalt  }
0x41: {  	_ =	shalt  }
0x42: {  	_ =	shalt  }
0x43: {  	_ =	shalt  }
0x44: {  	_ =	shalt  }
0x45: {  	_ =	shalt  }
0x46: {  	_ =	shalt  }
0x47: {  	_ =	shalt  }
0x48: {  	_ =	shalt  }
0x49: {  	_ =	shalt  }
0x4a: {  	_ =	shalt  }
0x4b: {  	_ =	shalt  }
0x4c: {  	_ =	shalt  }
0x4d: {  	_ =	shalt  }
0x4e: {  	_ =	shalt  }
0x4f: {  	_ =	shalt  }
0x50: {  	_ =	shalt  }
0x51: {  	_ =	shalt  }
0x52: {  	_ =	shalt  }
0x53: {  	_ =	shalt  }
0x54: {  	_ =	shalt  }
0x55: {  	_ =	shalt  }
0x56: {  	_ =	shalt  }
0x57: {  	_ =	shalt  }
0x58: {  	_ =	shalt  }
0x59: {  	_ =	shalt  }
0x5a: {  	_ =	shalt  }
0x5b: {  	_ =	shalt  }
0x5c: {  	_ =	shalt  }
0x5d: {  	_ =	shalt  }
0x5e: {  	_ =	shalt  }
0x5f: {  	_ =	shalt  }
0x60: {  	_ =	shalt  }
0x61: {  	_ =	shalt  }
0x62: {  	_ =	shalt  }
0x63: {  	_ =	shalt  }
0x64: {  	_ =	shalt  }
0x65: {  	_ =	shalt  }
0x66: {  	_ =	shalt  }
0x67: {  	_ =	shalt  }
0x68: {  	_ =	shalt  }
0x69: {  	_ =	shalt  }
0x6a: {  	_ =	shalt  }
0x6b: {  	_ =	shalt  }
0x6c: {  	_ =	shalt  }
0x6d: {  	_ =	shalt  }
0x6e: {  	_ =	shalt  }
0x6f: {  	_ =	shalt  }
0x70: {  	_ =	shalt  }
0x71: {  	_ =	shalt  }
0x72: {  	_ =	shalt  }
0x73: {  	_ =	shalt  }
0x74: {  	_ =	shalt  }
0x75: {  	_ =	shalt  }
0x76: {  	_ =	shalt  }
0x77: {  	_ =	shalt  }
0x78: {  	_ =	shalt  }
0x79: {  	_ =	shalt  }
0x7a: {  	_ =	shalt  }
0x7b: {  	_ =	shalt  }
0x7c: {  	_ =	shalt  }
0x7d: {  	_ =	shalt  }
0x7e: {  	_ =	shalt  }
0x7f: {  	_ =	shalt  }
0x80: {  	_ =	shalt  }
0x81: {  	_ =	shalt  }
0x82: {  	_ =	shalt  }
0x83: {  	_ =	shalt  }
0x84: {  	_ =	shalt  }
0x85: {  	_ =	shalt  }
0x86: {  	_ =	shalt  }
0x87: {  	_ =	shalt  }
.Lfunc_end0:
.L_simem_size_0:
called_computation_lowered:
.L_overlay_start_0:
0x88: {  	s2 =	sld [smem:$0x3FD9]  }
0x89: {  	s3 =	sld [smem:$0x3FFE];
	_ =	sdelay $0x1  }
0x8a: {  	s1 =	srdreg.scid  }
0x8b: {  	s0 =	sand.u32 $0x1, s1  }
0x8c: {  	s14 =	sshll.u32 s0, $0xA;
	s2 =	sadd.s32 s3, s2  }
0x8d: {  	s2 =	sadd.s32 s2, s14  }
0x8e: {  	[smem:$0x3FA0] =	sst s2  }
0x8f: {  	_ = 	snop  }
0x90: {  	s2 =	sld [smem:$0x3FD0];
	_ =	sdelay $0x2  }
0x91: {  	s15 =	simm.s32 $0xB;
	s4 =	simm.s32 $0x10  }
0x92: {  	[smem:s4], [sflag:s15] =	dma.local [hbm:s2], $0x1  }
0x93: {  	_ =	swait.eq [sflag:s15], $0x1  }
0x94: {  	[sflag:s15] =	ssyncset.done $0x0  }
0x95: {  	s16 =	sld [smem:$0x10];
	[sflag:s15] =	ssyncadd.s32 $0xFFFFFFFF  }
0x96: {  	s17 =	sld [smem:$0x12];
	(tm) =	ssettm $0x1  }
0x97: {  	s18 =	sld [smem:$0x3FFB];
	_ =	sdelay $0x3  }
0x98: {  	_ =	strace s18  }
0x99: {  	s4 =	sld [smem:$0x3FFC];
	_ =	sdelay $0x3  }
0x9a: {  	_ =	strace s4  }
0x9b: {  	s4 =	sld [smem:$0x3FFD];
	_ =	sdelay $0x3  }
0x9c: {  	_ =	strace s4  }
0x9d: {  	_ =	strace $0x8FFFFFFF  }
0x9e: {  	s19 =	sld [smem:$0x3FDB];
	_ =	sdelay $0x1  }
0x9f: {  	s5 =	simm.s32 $_scs_section_size  }
0xa0: {  	s6 =	simm.s32 $_size__tile_overlayer_lowered;
	s7 =	simm.s32 $_tile_overlayer_lowered  }
0xa1: {  	s22 =	simm.s32 $0x1BFF;
	s21 =	sshll.u32 s7, $0x1;
	s4 =	sadd.s32 s5, s19  }
0xa2: {  	s8 =	simm.s32 $0x0;
	s20 =	sshll.u32 s6, $0x1;
	s6 =	sadd.s32 s21, s4  }
0xa3: {  	[timem:s8], [sflag:s22] =	dma.local [hbm:s6], s20  }
0xa4: {  	_ =	swait.ge [sflag:s22], s20  }
0xa5: {  	s5 =	ssub.s32 $0x0, s20;
	[sflag:s22] =	ssyncset.done $0x0  }
0xa6: {  	[sflag:s22] =	ssyncadd.s32 s5;
	_ =	sdelay $0x1  }
0xa7: {  	s23 =	simm.s32 $0x1B8B  }
0xa8: {  	_ =	swait.ge [sflag:s23], $0x1  }
0xa9: {  	[sflag:s23] =	ssyncset.done $0x0  }
0xaa: {  	s25 =	simm.s32 $0x1B8E;
	s24 =	sld [smem:$0x3FFE];
	[sflag:s23] =	ssyncadd.s32 $0xFFFFFFFF  }
0xab: {  	s26 =	simm.s32 $execute0_lowered;
	[smem:$0x3FD2] =	sst s25  }
0xac: {  	s6 =	sshll.u32 s26, $0x1;
	_ =	strace $0x80000046;
	[dreg:$0x1] =	wrdreg $0xFFFFFFFF  }
0xad: {  	s28 =	simm.s32 $_size_execute0_lowered;
	s4 =	sadd.s32 s4, s6;
	[dreg:$0x0] =	wrdreg $0x0  }
0xae: {  	s6 =	sshll.u32 s28, $0x1;
	[dreg:$0x2] =	wrdreg s4  }
0xaf: {  	[dreg:$0x3] =	wrdreg s6  }
0xb0: {  	[dreg:$0x4] =	wrdreg $0xC0  }
0xb1: {  	_ =	task [dreg:s8], $0x5FFFF  }
0xb2: {  	[dreg:$0x1] =	wrdreg $0xFFFFFFFF  }
0xb3: {  	[dreg:$0x0] =	wrdreg $0x60  }
0xb4: {  	[dreg:$0x2] =	wrdreg s16  }
0xb5: {  	[dreg:$0x3] =	wrdreg s24  }
0xb6: {  	[dreg:$0x4] =	wrdreg s17  }
0xb7: {  	[dreg:$0x5] =	wrdreg $0xA  }
0xb8: {  	_ =	task.clear_ibuf [dreg:s8], $0x6FFFF;
	_ =	strace $0x90000046  }
0xb9: {  	s29 =	simm.s32 $0xA;
	_ =	strace $0x80000048  }
0xba: {  	_ =	swait.ge [sflag:s29], $0x1  }
0xbb: {  	[sflag:s29] =	ssyncadd.s32 $0xFFFFFFFF  }
0xbc: {  	_ =	strace $0x90000048  }
0xbd: {  	_ =	sfence  }
0xbe: {  	s30 =	sld [smem:$0x0];
	_ =	sdelay $0x2  }
0xbf: {  	s31 =	sshll.u32 s1, $0xD;
	s1 =	sshrl.u32 s1, $0x2  }
0xc0: {  	s3 =	sand.u32 $0x4000, s31;
	s1 =	sadd.s32 s1, s30  }
0xc1: {  	s0 =	sor.u32 s3, s0;
	s1 =	sshll.u32 s1, $0x11  }
0xc2: {  	s0 =	sor.u32 s1, s0  }
0xc3: {  	s0 =	sadd.s32 $0x8F2B, s0  }
0xc4: {  	[sflag:s0] =	ssyncadd.remote.s32 $0x1  }
0xc5: {  	_ =	sfence.sel $0xFFFF  }
0xc6: {  	[dreg:$0x0] =	wrdreg $0xFFFFFFFF;
	(pc) =	sbr.abs _section_cstart, $3  }
0xc7: {  	[dreg:$0x1] =	wrdreg $0xFFFFFFFF  }
0xc8: {  	_ =	task.clear_ibuf [dreg:s8], $0x2FFFF;
	_ =	strace $0x9FFFFFFF  }
0xc9: {  	(tm) =	ssettm $0x7FFFFFFF  }
tec
execute0_lowered:
.L_overlay_start_1:
0x0: {  	(tag) =	ssettag $0x1  }
0x1: {  	s1 =	rddreg [dreg:$0x0]  }
0x2: {  	s5 =	rddreg [dreg:$0x1]  }
0x3: {  	s9 =	rddreg [dreg:$0x2]  }
0x4: {  	s0 =	rddreg [dreg:$0x3]  }
0x5: {  	s4 =	srdreg.scid;
	s2 =	stileid.u32  }
0x6: {  	s3 =	simm.s32 $0x0;
	s12 =	simm.s32 $0xC8;
	s13 =	simm.s32 $0x200  }
0x7: {  	s14 =	simm.s32 $0x6600;
	s15 =	simm.s32 $0x1;
	s7 =	smul.u32 $0x2710, s2  }
0x8: {  	s16 =	simm.s32 $0x2;
	s6 =	sand.u32 $0x1, s4;
	s10 =	smul.u32 $0x27100, s2  }
0x9: {  	s17 =	simm.s32 $0x0;
	[smem:$0x7FF] =	sst s3;
	s8 =	smul.u32 $0x1388, s6  }
0xa: {  	s4 =	sadd.s32 $0x192800, s5;
	s11 =	smul.u32 $0x13880, s6;
	s6 =	ssub.s32 $0x2, s6  }
0xb: {  	_ =	strace $0x80000047;
	s28 =	sadd.s32 s10, s5;
	s30 =	sshrl.u32 s6, $0x1  }
0xc: {  	s10 =	simm.s32 $0x3;
	s7 =	sadd.s32 s8, s7;
	s8 =	sadd.s32 s11, s28  }
0xd: {  	s6 =	ssub.s32 s6, s30;
	s11 =	simm.s32 $0x100;
	s29 =	sshrl.u32 s7, $0x3  }
0xe: {  	s6 =	smax.u32 s6, $0x1;
	s7 =	sadd.s32 $0x42AA00, s8;
	s31 =	sadd.s32 s29, s5  }
0xf: {  	s5 =	sadd.s32 $0x1B9A00, s8;
	s9 =	sadd.s32 s29, s9;
	s8 =	sadd.s32 $0x6E00, s31  }
.LBB2_1:
0x10: {  	s18 =	sadd.s32 $0x0, s9  }
0x11: {  	[tilespmem:s3], [sflag:$0x3] =	stream.linear.gather [hbm4b:s18+s3], $0xC8, $0x38;
	[tilespmem:$0xCA00] =	vst v63  }
0x12: {  	_ =	swait.ge [sflag:s10], $0xC8  }
0x13: {  	[sflag:s10] =	ssyncset.done $0x0  }
0x14: {  	s31 =	sadd.s32 $0x0, s8;
	[sflag:s10] =	ssyncadd.s32 $0xFFFFFF38  }
0x15: {  	[tilespmem:s11], [sflag:$0x3] =	stream.linear.gather [hbm4b:s31+s3], $0xC8, $0x38;
	[tilespmem:$0xCA00] =	vst v63  }
0x16: {  	_ =	swait.ge [sflag:s10], $0xC8  }
0x17: {  	[sflag:s10] =	ssyncset.done $0x0  }
0x18: {  	[sflag:s10] =	ssyncadd.s32 $0xFFFFFF38  }
0x19: {  	[tilespmem:s13], [sflag:$0x1] =	stream.indirect.gather [hbm4b:s1+s12], $0x80, s3, s12, $0xb8;
	[tilespmem:$0xCA00] =	vst v63  }
0x1a: {  	_ = 	snop  }
0x1b: {  	[tilespmem:s14], [sflag:$0x2] =	stream.indirect.gather [hbm4b:s4+s12], $0x80, s11, s12, $0xb8;
	[tilespmem:$0xCA00] =	vst v63  }
0x1c: {  	_ =	swait.ge [sflag:s15], $0x6400  }
0x1d: {  	[sflag:s15] =	ssyncset.done $0x0  }
0x1e: {  	[sflag:s15] =	ssyncadd.s32 $0xFFFF9C00  }
0x1f: {  	_ =	swait.ge [sflag:s16], $0x6400  }
0x20: {  	[sflag:s16] =	ssyncset.done $0x0  }
0x21: {  	[sflag:s16] =	ssyncadd.s32 $0xFFFF9C00  }
0x22: {  	[hbm4b:s5+s3] =	stream.linear.scatter [tilespmem:s13], [sflag:$0x3], $0x6400, $0x38;
	[tilespmem:$0xCA00] =	vst v63  }
0x23: {  	_ =	swait.ge [sflag:s10], $0x6400  }
0x24: {  	[sflag:s10] =	ssyncset.done $0x0  }
0x25: {  	[sflag:s10] =	ssyncadd.s32 $0xFFFF9C00  }
0x26: {  	[hbm4b:s7+s3] =	stream.linear.scatter [tilespmem:s14], [sflag:$0x3], $0x6400, $0x38;
	[tilespmem:$0xCA00] =	vst v63  }
0x27: {  	s20 =	simm.s32 $0x19;
	s21 =	simm.s32 $0x32;
	_ =	swait.ge [sflag:s10], $0x6400  }
0x28: {  	s19 =	sadd.s32 $0xC80, s5;
	s18 =	sadd.s32 $0xC80, s7;
	[sflag:s10] =	ssyncset.done $0x0  }
.LBB2_2:
0x29: {  	s22 =	sadd.s32 s20, s9  }
0x2a: {  	[sflag:s10] =	ssyncadd.s32 $0xFFFF9C00;
	s23 =	smov.u32 s21;
	s24 =	sadd.s32 $0x19, s21  }
0x2b: {  	[tilespmem:s3], [sflag:$0x3] =	stream.linear.gather [hbm4b:s22+s3], $0xC8, $0x38;
	[tilespmem:$0xCA00] =	vst v63  }
0x2c: {  	p0 =	sne.s32 s21, $0x258;
	_ =	swait.ge [sflag:s10], $0xC8  }
0x2d: {  	[sflag:s10] =	ssyncset.done $0x0  }
0x2e: {  	s21 =	sadd.s32 s20, s8;
	s20 =	smov.u32 s23;
	[sflag:s10] =	ssyncadd.s32 $0xFFFFFF38  }
0x2f: {  	[tilespmem:s11], [sflag:$0x3] =	stream.linear.gather [hbm4b:s21+s3], $0xC8, $0x38;
	[tilespmem:$0xCA00] =	vst v63  }
0x30: {  	_ =	swait.ge [sflag:s10], $0xC8  }
0x31: {  	[sflag:s10] =	ssyncset.done $0x0  }
0x32: {  	[sflag:s10] =	ssyncadd.s32 $0xFFFFFF38  }
0x33: {  	[tilespmem:s13], [sflag:$0x1] =	stream.indirect.gather [hbm4b:s1+s12], $0x80, s3, s12, $0xb8;
	[tilespmem:$0xCA00] =	vst v63  }
0x34: {  	_ = 	snop  }
0x35: {  	[tilespmem:s14], [sflag:$0x2] =	stream.indirect.gather [hbm4b:s4+s12], $0x80, s11, s12, $0xb8;
	[tilespmem:$0xCA00] =	vst v63  }
0x36: {  	_ =	swait.ge [sflag:s15], $0x6400  }
0x37: {  	[sflag:s15] =	ssyncset.done $0x0  }
0x38: {  	[sflag:s15] =	ssyncadd.s32 $0xFFFF9C00  }
0x39: {  	_ =	swait.ge [sflag:s16], $0x6400  }
0x3a: {  	[sflag:s16] =	ssyncset.done $0x0  }
0x3b: {  	[sflag:s16] =	ssyncadd.s32 $0xFFFF9C00  }
0x3c: {  	[hbm4b:s19+s3] =	stream.linear.scatter [tilespmem:s13], [sflag:$0x3], $0x6400, $0x38;
	[tilespmem:$0xCA00] =	vst v63  }
0x3d: {  	_ =	swait.ge [sflag:s10], $0x6400  }
.Ltmp0:
0x3e: {  	[sflag:s10] =	ssyncset.done $0x0;
	(pc) =	sbr.rel @p0 .LBB2_2-.Ltmp0, $4  }
0x3f: {  	[sflag:s10] =	ssyncadd.s32 $0xFFFF9C00  }
0x40: {  	[hbm4b:s18+s3] =	stream.linear.scatter [tilespmem:s14], [sflag:$0x3], $0x6400, $0x38;
	[tilespmem:$0xCA00] =	vst v63  }
0x41: {  	s21 =	smov.u32 s24;
	_ =	swait.ge [sflag:s10], $0x6400  }
0x42: {  	s19 =	sadd.s32 $0xC80, s19;
	s18 =	sadd.s32 $0xC80, s18;
	[sflag:s10] =	ssyncset.done $0x0  }
0x43: {  	s21 =	sadd.s32 s20, s9;
	[sflag:s10] =	ssyncadd.s32 $0xFFFF9C00  }
0x44: {  	[tilespmem:s3], [sflag:$0x3] =	stream.linear.gather [hbm4b:s21+s3], $0xC8, $0x38;
	[tilespmem:$0xCA00] =	vst v63  }
0x45: {  	_ =	swait.ge [sflag:s10], $0xC8  }
0x46: {  	[sflag:s10] =	ssyncset.done $0x0  }
0x47: {  	s31 =	sadd.s32 s20, s8;
	[sflag:s10] =	ssyncadd.s32 $0xFFFFFF38  }
0x48: {  	[tilespmem:s11], [sflag:$0x3] =	stream.linear.gather [hbm4b:s31+s3], $0xC8, $0x38;
	[tilespmem:$0xCA00] =	vst v63  }
0x49: {  	_ =	swait.ge [sflag:s10], $0xC8  }
0x4a: {  	[sflag:s10] =	ssyncset.done $0x0  }
0x4b: {  	[sflag:s10] =	ssyncadd.s32 $0xFFFFFF38  }
0x4c: {  	[tilespmem:s13], [sflag:$0x1] =	stream.indirect.gather [hbm4b:s1+s12], $0x80, s3, s12, $0xb8;
	[tilespmem:$0xCA00] =	vst v63  }
0x4d: {  	_ = 	snop  }
0x4e: {  	[tilespmem:s14], [sflag:$0x2] =	stream.indirect.gather [hbm4b:s4+s12], $0x80, s11, s12, $0xb8;
	[tilespmem:$0xCA00] =	vst v63  }
0x4f: {  	_ =	swait.ge [sflag:s15], $0x6400  }
0x50: {  	[sflag:s15] =	ssyncset.done $0x0  }
0x51: {  	[sflag:s15] =	ssyncadd.s32 $0xFFFF9C00  }
0x52: {  	_ =	swait.ge [sflag:s16], $0x6400  }
0x53: {  	[sflag:s16] =	ssyncset.done $0x0  }
0x54: {  	[sflag:s16] =	ssyncadd.s32 $0xFFFF9C00  }
0x55: {  	[hbm4b:s19+s3] =	stream.linear.scatter [tilespmem:s13], [sflag:$0x3], $0x6400, $0x38;
	[tilespmem:$0xCA00] =	vst v63  }
0x56: {  	s17 =	sadd.s32 $0x1, s17;
	_ =	swait.ge [sflag:s10], $0x6400  }
0x57: {  	p0 =	sne.s32 s17, s6;
	[sflag:s10] =	ssyncset.done $0x0  }
.Ltmp1:
0x58: {  	[sflag:s10] =	ssyncadd.s32 $0xFFFF9C00;
	(pc) =	sbr.rel @p0 .LBB2_1-.Ltmp1, $4  }
0x59: {  	[hbm4b:s18+s3] =	stream.linear.scatter [tilespmem:s14], [sflag:$0x3], $0x6400, $0x38;
	[tilespmem:$0xCA00] =	vst v63  }
0x5a: {  	_ =	swait.ge [sflag:s10], $0x6400  }
0x5b: {  	[sflag:s10] =	ssyncset.done $0x0  }
0x5c: {  	[sflag:s10] =	ssyncadd.s32 $0xFFFF9C00  }
0x5d: {  	_ =	sfence.sel $0x180000  }
0x5e: {  	[bflag:$0x0] =	sbarrier.arrive $0xFFFF  }
0x5f: {  	p0 =	sne.s32 s2, $0x0;
	_ =	strace $0x90000047  }
0x60: {  	s0 =	sadd.s32 @!p0 $0x100000, s0;
	[bflag:$0x2] =	sbarrier.arrive $0xFFFF  }
0x61: {  	[sflag:s0] =	ssyncadd.tile.s32 @!p0 $0x1;
	_ =	shalt  }
.Lfunc_end2:
_tile_overlayer_lowered:
.L_overlay_start_2:
0x62: {  	(tag) =	ssettag $0x2  }
0x63: {  	s0 =	rddreg [dreg:$0x0];
	s2 =	stileid.u32  }
0x64: {  	s1 =	rddreg [dreg:$0x1];
	p0 =	sne.s32 s2, $0x0  }
0x65: {  	s3 =	rddreg [dreg:$0x2];
	[bflag:$0x3] =	sbarrier.arrive $0xFFFF;
	s2 =	simm.s32 @!p0 $0x1C03  }
0x66: {  	[timem:s3], [sflag:s2] =	dma.local @!p0 [hbm:s0], s1  }
0x67: {  	s0 =	simm.s32 @!p0 $0x3  }
0x68: {  	_ =	swait.ge @!p0 [sflag:s0], s1  }
0x69: {  	s1 =	ssub.s32 @!p0 $0x0, s1;
	[sflag:s0] =	ssyncset.done @!p0 $0x0  }
0x6a: {  	[sflag:s0] =	ssyncadd.s32 @!p0 s1  }
0x6b: {  	[bflag:$0x3] =	sbarrier.arrive $0xFFFF  }
0x6c: {  	_ =	shalt  }

// kernel: kernel.15.cloned.1.call-start
scs
__scs_entry_jumppad:
0x0: {  	(pc) =	sbr.rel $0x88, $3  }
0x1: {  	(tag) =	ssettag $0x0;
	lr =	simm.s32 $0x1  }
0x2: {  	[smem:$0x3F79] =	sst lr;
	_ =	strace $0xD0000000  }
0x3: {  	_ = 	snop  }
0x4: {  	_ = 	snop  }
0x5: {  	_ = 	snop  }
0x6: {  	_ = 	snop  }
0x7: {  	_ = 	snop  }
__scs_overlays_trampoline_lowered:
0x8: {  	[smem:$0x3F88] =	sst s0  }
0x9: {  	[smem:$0x3F89] =	sst s1  }
0xa: {  	[smem:$0x3F8A] =	sst s2  }
0xb: {  	[smem:$0x3F8B] =	sst s3  }
0xc: {  	[smem:$0x3F8C] =	sst s4  }
0xd: {  	[smem:$0x3F8D] =	sst s5  }
0xe: {  	[smem:$0x3F8E] =	sst s6  }
0xf: {  	[smem:$0x3F8F] =	sst s7  }
0x10: {  	[smem:$0x3F90] =	sst s8  }
0x11: {  	[smem:$0x3F91] =	sst s9;
	s0 =	simm.s32 @!p0 $0x0  }
0x12: {  	s1 =	sld [smem:$0x3F77];
	s0 =	simm.s32 @p0 $0x1  }
0x13: {  	[smem:$0x3F92] =	sst s0;
	s0 =	simm.s32 @!p1 $0x0  }
0x14: {  	s2 =	sld [smem:$0x3F76];
	s0 =	simm.s32 @p1 $0x1  }
0x15: {  	[smem:$0x3F93] =	sst s0;
	s0 =	simm.s32 @!p2 $0x0  }
0x16: {  	s3 =	sld [smem:$0x3FDB];
	s0 =	simm.s32 @p2 $0x1  }
0x17: {  	s4 =	simm.s32 $0x1BF5;
	[smem:$0x3F95] =	sst s0  }
0x18: {  	s0 =	sld [smem:$0x3F78];
	_ =	swait.ge [sflag:s4], $0x0  }
0x19: {  	s7 =	sld [smem:$0x3F79]  }
0x1a: {  	s8 =	sadd.s32 $0xFFFFE003, lr  }
0x1b: {  	s9 =	sadd.s32 $0xFFFFFEF7, lr;
	s5 =	simm.s32 $0xFFFFFFFF;
	p2 =	slt.u32 s8, $0xFFFFF086  }
0x1c: {  	p1 =	slt.u32 s9, $0xF7A;
	s5 =	simm.s32 @!p2 $0x0  }
0x1d: {  	s5 =	simm.s32 @p1 $0x1;
	p0 =	seq.s32 s7, s2  }
0x1e: {  	s7 =	smul.u32 @!p0 $0xF7A, s2;
	p2 =	seq.s32 @!p0 s5, $0x0  }
0x1f: {  	s9 =	smul.u32 $0xF7A, s1;
	s8 =	simm.s32 @!p0 $0x1BF5;
	p2 =	por !p2, p0  }
0x20: {  	[sflag:s8] =	ssyncset.s32 @!p0 $0xFFFFF086;
	s6 =	sadd.s32 @!p0 s3, s7;
	s7 =	simm.s32 @!p0 $0x108  }
0x21: {  	s3 =	sadd.s32 s3, s9;
	s6 =	sadd.s32 @!p0 $0x88, s6;
	s7 =	simm.s32 @p2 $0x1082  }
0x22: {  	[simem:s7], [sflag:s8] =	dma.local @!p0 [hbm:s6], $0xF7A  }
0x23: {  	s9 =	sor.u32 $0xD0000000, s2;
	s6 =	simm.s32 $0x108;
	_ =	swait.ge @!p0 [sflag:s8], $0x0  }
0x24: {  	s3 =	sadd.s32 $0x88, s3;
	s6 =	simm.s32 @!p1 $0x1082;
	[sflag:s4] =	ssyncset.s32 $0xFFFFF086  }
0x25: {  	[simem:s6], [sflag:s4] =	dma.local [hbm:s3], $0xF7A  }
0x26: {  	[smem:$0x3F79] =	sst s1;
	(tag) =	ssettag s2;
	_ =	strace s9  }
0x27: {  	s1 =	sld [smem:$0x3F89]  }
0x28: {  	s2 =	sld [smem:$0x3F8A]  }
0x29: {  	s4 =	sld [smem:$0x3F8C]  }
0x2a: {  	p0 =	seq.s32 s5, $0x0;
	s5 =	sld [smem:$0x3F8D]  }
0x2b: {  	s6 =	sld [smem:$0x3F8E]  }
0x2c: {  	s7 =	sld [smem:$0x3F8F]  }
0x2d: {  	s3 =	simm.s32 $0x108;
	s8 =	sld [smem:$0x3F90]  }
0x2e: {  	s3 =	simm.s32 @!p0 $0x1082;
	s9 =	sld [smem:$0x3F91]  }
0x2f: {  	lr =	sadd.s32 s0, s3;
	s0 =	sld [smem:$0x3F88]  }
0x30: {  	s3 =	sld [smem:$0x3F8B]  }
0x31: {  	[smem:$0x3F94] =	sst s10  }
0x32: {  	s10 =	sld [smem:$0x3F92];
	_ =	sdelay $0x3  }
0x33: {  	p0 =	seq.s32 s10, $0x1;
	s10 =	sld [smem:$0x3F94];
	_ =	sdelay $0x3  }
0x34: {  	[smem:$0x3F94] =	sst s10  }
0x35: {  	s10 =	sld [smem:$0x3F93];
	_ =	sdelay $0x3  }
0x36: {  	p1 =	seq.s32 s10, $0x1;
	s10 =	sld [smem:$0x3F94];
	_ =	sdelay $0x3  }
0x37: {  	[smem:$0x3F94] =	sst s10  }
0x38: {  	s10 =	sld [smem:$0x3F95]  }
0x39: {  	_ = 	snop;
	(pc) =	sbr.ind lr, $3  }
0x3a: {  	_ = 	snop  }
0x3b: {  	_ = 	snop  }
0x3c: {  	p2 =	seq.s32 s10, $0x1;
	s10 =	sld [smem:$0x3F94]  }
0x3d: {  	_ =	shalt  }
0x3e: {  	_ =	shalt  }
0x3f: {  	_ =	shalt  }
0x40: {  	_ =	shalt  }
0x41: {  	_ =	shalt  }
0x42: {  	_ =	shalt  }
0x43: {  	_ =	shalt  }
0x44: {  	_ =	shalt  }
0x45: {  	_ =	shalt  }
0x46: {  	_ =	shalt  }
0x47: {  	_ =	shalt  }
0x48: {  	_ =	shalt  }
0x49: {  	_ =	shalt  }
0x4a: {  	_ =	shalt  }
0x4b: {  	_ =	shalt  }
0x4c: {  	_ =	shalt  }
0x4d: {  	_ =	shalt  }
0x4e: {  	_ =	shalt  }
0x4f: {  	_ =	shalt  }
0x50: {  	_ =	shalt  }
0x51: {  	_ =	shalt  }
0x52: {  	_ =	shalt  }
0x53: {  	_ =	shalt  }
0x54: {  	_ =	shalt  }
0x55: {  	_ =	shalt  }
0x56: {  	_ =	shalt  }
0x57: {  	_ =	shalt  }
0x58: {  	_ =	shalt  }
0x59: {  	_ =	shalt  }
0x5a: {  	_ =	shalt  }
0x5b: {  	_ =	shalt  }
0x5c: {  	_ =	shalt  }
0x5d: {  	_ =	shalt  }
0x5e: {  	_ =	shalt  }
0x5f: {  	_ =	shalt  }
0x60: {  	_ =	shalt  }
0x61: {  	_ =	shalt  }
0x62: {  	_ =	shalt  }
0x63: {  	_ =	shalt  }
0x64: {  	_ =	shalt  }
0x65: {  	_ =	shalt  }
0x66: {  	_ =	shalt  }
0x67: {  	_ =	shalt  }
0x68: {  	_ =	shalt  }
0x69: {  	_ =	shalt  }
0x6a: {  	_ =	shalt  }
0x6b: {  	_ =	shalt  }
0x6c: {  	_ =	shalt  }
0x6d: {  	_ =	shalt  }
0x6e: {  	_ =	shalt  }
0x6f: {  	_ =	shalt  }
0x70: {  	_ =	shalt  }
0x71: {  	_ =	shalt  }
0x72: {  	_ =	shalt  }
0x73: {  	_ =	shalt  }
0x74: {  	_ =	shalt  }
0x75: {  	_ =	shalt  }
0x76: {  	_ =	shalt  }
0x77: {  	_ =	shalt  }
0x78: {  	_ =	shalt  }
0x79: {  	_ =	shalt  }
0x7a: {  	_ =	shalt  }
0x7b: {  	_ =	shalt  }
0x7c: {  	_ =	shalt  }
0x7d: {  	_ =	shalt  }
0x7e: {  	_ =	shalt  }
0x7f: {  	_ =	shalt  }
0x80: {  	_ =	shalt  }
0x81: {  	_ =	shalt  }
0x82: {  	_ =	shalt  }
0x83: {  	_ =	shalt  }
0x84: {  	_ =	shalt  }
0x85: {  	_ =	shalt  }
0x86: {  	_ =	shalt  }
0x87: {  	_ =	shalt  }
.Lfunc_end0:
.L_simem_size_0:
called_computation.1_lowered:
.L_overlay_start_0:
0x88: {  	s2 =	sld [smem:$0x3FD9]  }
0x89: {  	s3 =	sld [smem:$0x3FFE];
	_ =	sdelay $0x1  }
0x8a: {  	s1 =	srdreg.scid  }
0x8b: {  	s0 =	sand.u32 $0x1, s1  }
0x8c: {  	s15 =	sshll.u32 s0, $0xA;
	s2 =	sadd.s32 s3, s2  }
0x8d: {  	s2 =	sadd.s32 s2, s15  }
0x8e: {  	[smem:$0x3FA0] =	sst s2  }
0x8f: {  	_ = 	snop  }
0x90: {  	s2 =	sld [smem:$0x3FD0];
	_ =	sdelay $0x2  }
0x91: {  	s16 =	simm.s32 $0xB;
	s4 =	simm.s32 $0x10  }
0x92: {  	[smem:s4], [sflag:s16] =	dma.local [hbm:s2], $0x1  }
0x93: {  	_ =	swait.eq [sflag:s16], $0x1  }
0x94: {  	[sflag:s16] =	ssyncset.done $0x0  }
0x95: {  	[sflag:s16] =	ssyncadd.s32 $0xFFFFFFFF  }
0x96: {  	s17 =	sld [smem:$0x10];
	(tm) =	ssettm $0x1  }
0x97: {  	s18 =	sld [smem:$0x3FFB];
	_ =	sdelay $0x3  }
0x98: {  	_ =	strace s18  }
0x99: {  	s2 =	sld [smem:$0x3FFC];
	_ =	sdelay $0x3  }
0x9a: {  	_ =	strace s2  }
0x9b: {  	s2 =	sld [smem:$0x3FFD];
	_ =	sdelay $0x3  }
0x9c: {  	_ =	strace s2  }
0x9d: {  	_ =	strace $0x8FFFFFFF  }
0x9e: {  	s19 =	sld [smem:$0x3FDB];
	_ =	sdelay $0x1  }
0x9f: {  	s20 =	simm.s32 $_scs_section_size  }
0xa0: {  	s5 =	simm.s32 $_size__tile_overlayer_lowered;
	s6 =	simm.s32 $_tile_overlayer_lowered  }
0xa1: {  	s7 =	simm.s32 $0x1BFF;
	s21 =	sshll.u32 s6, $0x1;
	s4 =	sadd.s32 s20, s19  }
0xa2: {  	s22 =	simm.s32 $0x0;
	s5 =	sshll.u32 s5, $0x1;
	s6 =	sadd.s32 s21, s4  }
0xa3: {  	[timem:s22], [sflag:s7] =	dma.local [hbm:s6], s5  }
0xa4: {  	_ =	swait.ge [sflag:s7], s5  }
0xa5: {  	s5 =	ssub.s32 $0x0, s5;
	[sflag:s7] =	ssyncset.done $0x0  }
0xa6: {  	[sflag:s7] =	ssyncadd.s32 s5;
	_ =	sdelay $0x1  }
0xa7: {  	s23 =	simm.s32 $0x1B8B  }
0xa8: {  	_ =	swait.ge [sflag:s23], $0x1  }
0xa9: {  	[sflag:s23] =	ssyncset.done $0x0  }
0xaa: {  	[sflag:s23] =	ssyncadd.s32 $0xFFFFFFFF  }
0xab: {  	s5 =	sld [smem:$0x0]  }
0xac: {  	s6 =	sand.u32 $0xFFFFFFFE, s1  }
0xad: {  	p0 =	sne.s32 s1, s6  }
0xae: {  	s6 =	sshll.u32 @p0 s6, $0xE  }
0xaf: {  	s6 =	sadd.s32 @p0 $0x11B8D, s6;
	s7 =	sshll.u32 @p0 s5, $0x11  }
0xb0: {  	s6 =	sor.u32 @p0 s7, s6  }
0xb1: {  	[sflag:s6] =	ssyncadd.remote.s32 @p0 $0x1;
	_ =	sdelay $0x1  }
0xb2: {  	s6 =	simm.s32 @p0 $0x1B8D  }
0xb3: {  	_ =	swait.eq @p0 [sflag:s6], $0x1  }
0xb4: {  	[sflag:s6] =	ssyncadd.s32 @p0 $0xFFFFFFFF  }
0xb5: {  	s7 =	sshll.u32 @!p0 s1, $0xE  }
0xb6: {  	s7 =	sor.u32 @!p0 $0x4000, s7;
	s6 =	simm.s32 @!p0 $0x1B8D  }
0xb7: {  	s5 =	sshll.u32 @!p0 s5, $0x11;
	s7 =	sadd.s32 @!p0 $0x11B8D, s7;
	_ =	swait.eq @!p0 [sflag:s6], $0x1  }
0xb8: {  	s5 =	sor.u32 @!p0 s5, s7;
	[sflag:s6] =	ssyncadd.s32 @!p0 $0xFFFFFFFF  }
0xb9: {  	s25 =	simm.s32 $0x1B8E;
	s24 =	sld [smem:$0x3FFE];
	[sflag:s5] =	ssyncadd.remote.s32 @!p0 $0x1  }
0xba: {  	s26 =	simm.s32 $execute0_lowered;
	[smem:$0x3FD2] =	sst s25  }
0xbb: {  	s6 =	sshll.u32 s26, $0x1;
	_ =	strace $0x80000049;
	[dreg:$0x1] =	wrdreg $0xFFFFFFFF  }
0xbc: {  	s28 =	simm.s32 $_size_execute0_lowered;
	s4 =	sadd.s32 s4, s6;
	[dreg:$0x0] =	wrdreg $0x0  }
0xbd: {  	s6 =	sshll.u32 s28, $0x1;
	[dreg:$0x2] =	wrdreg s4  }
0xbe: {  	[dreg:$0x3] =	wrdreg s6  }
0xbf: {  	[dreg:$0x4] =	wrdreg $0xC0  }
0xc0: {  	_ =	task [dreg:s22], $0x5FFFF  }
0xc1: {  	[dreg:$0x1] =	wrdreg $0xFFFFFFFF  }
0xc2: {  	[dreg:$0x0] =	wrdreg $0x60  }
0xc3: {  	[dreg:$0x2] =	wrdreg s17  }
0xc4: {  	[dreg:$0x3] =	wrdreg s24  }
0xc5: {  	[dreg:$0x4] =	wrdreg $0x9  }
0xc6: {  	_ =	task.clear_ibuf [dreg:s22], $0x5FFFF;
	_ =	strace $0x90000049  }
0xc7: {  	s29 =	simm.s32 $0x9;
	_ =	strace $0x8000004B  }
0xc8: {  	_ =	swait.ge [sflag:s29], $0x1  }
0xc9: {  	[sflag:s29] =	ssyncadd.s32 $0xFFFFFFFF  }
0xca: {  	_ =	strace $0x9000004B  }
0xcb: {  	_ =	sfence  }
0xcc: {  	s30 =	sld [smem:$0x0];
	_ =	sdelay $0x2  }
0xcd: {  	s31 =	sshll.u32 s1, $0xD;
	s1 =	sshrl.u32 s1, $0x2  }
0xce: {  	s4 =	sand.u32 $0x4000, s31;
	s1 =	sadd.s32 s1, s30  }
0xcf: {  	s0 =	sor.u32 s4, s0;
	s1 =	sshll.u32 s1, $0x11  }
0xd0: {  	s0 =	sor.u32 s1, s0  }
0xd1: {  	s0 =	sadd.s32 $0x8F2B, s0  }
0xd2: {  	[sflag:s0] =	ssyncadd.remote.s32 $0x1  }
0xd3: {  	_ =	sfence.sel $0xFFFF  }
0xd4: {  	[dreg:$0x0] =	wrdreg $0xFFFFFFFF;
	(pc) =	sbr.abs _section_cstart, $3  }
0xd5: {  	[dreg:$0x1] =	wrdreg $0xFFFFFFFF  }
0xd6: {  	_ =	task.clear_ibuf [dreg:s22], $0x2FFFF;
	_ =	strace $0x9FFFFFFF  }
0xd7: {  	(tm) =	ssettm $0x7FFFFFFF  }
tec
execute0_lowered:
.L_overlay_start_1:
0x0: {  	(tag) =	ssettag $0x1  }
0x1: {  	s2 =	rddreg [dreg:$0x0]  }
0x2: {  	s5 =	rddreg [dreg:$0x1]  }
0x3: {  	s0 =	rddreg [dreg:$0x2]  }
0x4: {  	s4 =	srdreg.scid;
	s1 =	stileid.u32  }
0x5: {  	s3 =	simm.s32 $0x0;
	s11 =	simm.s32 $0x100;
	s12 =	simm.s32 $0xC8  }
0x6: {  	s13 =	simm.s32 $0x200;
	s14 =	simm.s32 $0x6600;
	s7 =	smul.u32 $0x2710, s1  }
0x7: {  	s15 =	simm.s32 $0x1;
	s6 =	sand.u32 $0x1, s4;
	s9 =	smul.u32 $0x27100, s1  }
0x8: {  	s16 =	simm.s32 $0x2;
	s17 =	simm.s32 $0x0;
	s8 =	smul.u32 $0x1388, s6  }
0x9: {  	[smem:$0x7FF] =	sst s3;
	s4 =	sadd.s32 $0x192800, s5;
	s10 =	smul.u32 $0x13880, s6  }
0xa: {  	_ =	strace $0x8000004A;
	s6 =	ssub.s32 $0x2, s6;
	s29 =	sadd.s32 s9, s5  }
0xb: {  	s30 =	sshrl.u32 s6, $0x1;
	s7 =	sadd.s32 s8, s7;
	s8 =	sadd.s32 s10, s29  }
0xc: {  	s6 =	ssub.s32 s6, s30;
	s10 =	simm.s32 $0x3;
	s7 =	sshrl.u32 s7, $0x3  }
0xd: {  	s31 =	sadd.s32 s7, s5;
	s5 =	sadd.s32 $0x6A5A00, s8;
	s7 =	sadd.s32 $0x916A00, s8  }
0xe: {  	s6 =	smax.u32 s6, $0x1;
	s8 =	sadd.s32 $0x6A0A00, s31;
	s9 =	sadd.s32 $0x69BA00, s31  }
.LBB2_1:
0xf: {  	s18 =	sadd.s32 $0x0, s9  }
0x10: {  	[tilespmem:s3], [sflag:$0x3] =	stream.linear.gather [hbm4b:s18+s3], $0xC8, $0x38;
	[tilespmem:$0xCA00] =	vst v63  }
0x11: {  	_ =	swait.ge [sflag:s10], $0xC8  }
0x12: {  	[sflag:s10] =	ssyncset.done $0x0  }
0x13: {  	s31 =	sadd.s32 $0x0, s8;
	[sflag:s10] =	ssyncadd.s32 $0xFFFFFF38  }
0x14: {  	[tilespmem:s11], [sflag:$0x3] =	stream.linear.gather [hbm4b:s31+s3], $0xC8, $0x38;
	[tilespmem:$0xCA00] =	vst v63  }
0x15: {  	_ =	swait.ge [sflag:s10], $0xC8  }
0x16: {  	[sflag:s10] =	ssyncset.done $0x0  }
0x17: {  	[sflag:s10] =	ssyncadd.s32 $0xFFFFFF38  }
0x18: {  	[tilespmem:s13], [sflag:$0x1] =	stream.indirect.gather [hbm4b:s2+s12], $0x80, s3, s12, $0xb8;
	[tilespmem:$0xCA00] =	vst v63  }
0x19: {  	_ = 	snop  }
0x1a: {  	[tilespmem:s14], [sflag:$0x2] =	stream.indirect.gather [hbm4b:s4+s12], $0x80, s11, s12, $0xb8;
	[tilespmem:$0xCA00] =	vst v63  }
0x1b: {  	_ =	swait.ge [sflag:s15], $0x6400  }
0x1c: {  	[sflag:s15] =	ssyncset.done $0x0  }
0x1d: {  	[sflag:s15] =	ssyncadd.s32 $0xFFFF9C00  }
0x1e: {  	_ =	swait.ge [sflag:s16], $0x6400  }
0x1f: {  	[sflag:s16] =	ssyncset.done $0x0  }
0x20: {  	[sflag:s16] =	ssyncadd.s32 $0xFFFF9C00  }
0x21: {  	[hbm4b:s5+s3] =	stream.linear.scatter [tilespmem:s13], [sflag:$0x3], $0x6400, $0x38;
	[tilespmem:$0xCA00] =	vst v63  }
0x22: {  	_ =	swait.ge [sflag:s10], $0x6400  }
0x23: {  	[sflag:s10] =	ssyncset.done $0x0  }
0x24: {  	[sflag:s10] =	ssyncadd.s32 $0xFFFF9C00  }
0x25: {  	[hbm4b:s7+s3] =	stream.linear.scatter [tilespmem:s14], [sflag:$0x3], $0x6400, $0x38;
	[tilespmem:$0xCA00] =	vst v63  }
0x26: {  	s20 =	simm.s32 $0x19;
	s21 =	simm.s32 $0x32;
	_ =	swait.ge [sflag:s10], $0x6400  }
0x27: {  	s19 =	sadd.s32 $0xC80, s5;
	s18 =	sadd.s32 $0xC80, s7;
	[sflag:s10] =	ssyncset.done $0x0  }
.LBB2_2:
0x28: {  	s22 =	sadd.s32 s20, s9  }
0x29: {  	[sflag:s10] =	ssyncadd.s32 $0xFFFF9C00;
	s23 =	smov.u32 s21;
	s24 =	sadd.s32 $0x19, s21  }
0x2a: {  	[tilespmem:s3], [sflag:$0x3] =	stream.linear.gather [hbm4b:s22+s3], $0xC8, $0x38;
	[tilespmem:$0xCA00] =	vst v63  }
0x2b: {  	p0 =	sne.s32 s21, $0x258;
	_ =	swait.ge [sflag:s10], $0xC8  }
0x2c: {  	[sflag:s10] =	ssyncset.done $0x0  }
0x2d: {  	s21 =	sadd.s32 s20, s8;
	s20 =	smov.u32 s23;
	[sflag:s10] =	ssyncadd.s32 $0xFFFFFF38  }
0x2e: {  	[tilespmem:s11], [sflag:$0x3] =	stream.linear.gather [hbm4b:s21+s3], $0xC8, $0x38;
	[tilespmem:$0xCA00] =	vst v63  }
0x2f: {  	_ =	swait.ge [sflag:s10], $0xC8  }
0x30: {  	[sflag:s10] =	ssyncset.done $0x0  }
0x31: {  	[sflag:s10] =	ssyncadd.s32 $0xFFFFFF38  }
0x32: {  	[tilespmem:s13], [sflag:$0x1] =	stream.indirect.gather [hbm4b:s2+s12], $0x80, s3, s12, $0xb8;
	[tilespmem:$0xCA00] =	vst v63  }
0x33: {  	_ = 	snop  }
0x34: {  	[tilespmem:s14], [sflag:$0x2] =	stream.indirect.gather [hbm4b:s4+s12], $0x80, s11, s12, $0xb8;
	[tilespmem:$0xCA00] =	vst v63  }
0x35: {  	_ =	swait.ge [sflag:s15], $0x6400  }
0x36: {  	[sflag:s15] =	ssyncset.done $0x0  }
0x37: {  	[sflag:s15] =	ssyncadd.s32 $0xFFFF9C00  }
0x38: {  	_ =	swait.ge [sflag:s16], $0x6400  }
0x39: {  	[sflag:s16] =	ssyncset.done $0x0  }
0x3a: {  	[sflag:s16] =	ssyncadd.s32 $0xFFFF9C00  }
0x3b: {  	[hbm4b:s19+s3] =	stream.linear.scatter [tilespmem:s13], [sflag:$0x3], $0x6400, $0x38;
	[tilespmem:$0xCA00] =	vst v63  }
0x3c: {  	_ =	swait.ge [sflag:s10], $0x6400  }
.Ltmp0:
0x3d: {  	[sflag:s10] =	ssyncset.done $0x0;
	(pc) =	sbr.rel @p0 .LBB2_2-.Ltmp0, $4  }
0x3e: {  	[sflag:s10] =	ssyncadd.s32 $0xFFFF9C00  }
0x3f: {  	[hbm4b:s18+s3] =	stream.linear.scatter [tilespmem:s14], [sflag:$0x3], $0x6400, $0x38;
	[tilespmem:$0xCA00] =	vst v63  }
0x40: {  	s21 =	smov.u32 s24;
	_ =	swait.ge [sflag:s10], $0x6400  }
0x41: {  	s19 =	sadd.s32 $0xC80, s19;
	s18 =	sadd.s32 $0xC80, s18;
	[sflag:s10] =	ssyncset.done $0x0  }
0x42: {  	s21 =	sadd.s32 s20, s9;
	[sflag:s10] =	ssyncadd.s32 $0xFFFF9C00  }
0x43: {  	[tilespmem:s3], [sflag:$0x3] =	stream.linear.gather [hbm4b:s21+s3], $0xC8, $0x38;
	[tilespmem:$0xCA00] =	vst v63  }
0x44: {  	_ =	swait.ge [sflag:s10], $0xC8  }
0x45: {  	[sflag:s10] =	ssyncset.done $0x0  }
0x46: {  	s31 =	sadd.s32 s20, s8;
	[sflag:s10] =	ssyncadd.s32 $0xFFFFFF38  }
0x47: {  	[tilespmem:s11], [sflag:$0x3] =	stream.linear.gather [hbm4b:s31+s3], $0xC8, $0x38;
	[tilespmem:$0xCA00] =	vst v63  }
0x48: {  	_ =	swait.ge [sflag:s10], $0xC8  }
0x49: {  	[sflag:s10] =	ssyncset.done $0x0  }
0x4a: {  	[sflag:s10] =	ssyncadd.s32 $0xFFFFFF38  }
0x4b: {  	[tilespmem:s13], [sflag:$0x1] =	stream.indirect.gather [hbm4b:s2+s12], $0x80, s3, s12, $0xb8;
	[tilespmem:$0xCA00] =	vst v63  }
0x4c: {  	_ = 	snop  }
0x4d: {  	[tilespmem:s14], [sflag:$0x2] =	stream.indirect.gather [hbm4b:s4+s12], $0x80, s11, s12, $0xb8;
	[tilespmem:$0xCA00] =	vst v63  }
0x4e: {  	_ =	swait.ge [sflag:s15], $0x6400  }
0x4f: {  	[sflag:s15] =	ssyncset.done $0x0  }
0x50: {  	[sflag:s15] =	ssyncadd.s32 $0xFFFF9C00  }
0x51: {  	_ =	swait.ge [sflag:s16], $0x6400  }
0x52: {  	[sflag:s16] =	ssyncset.done $0x0  }
0x53: {  	[sflag:s16] =	ssyncadd.s32 $0xFFFF9C00  }
0x54: {  	[hbm4b:s19+s3] =	stream.linear.scatter [tilespmem:s13], [sflag:$0x3], $0x6400, $0x38;
	[tilespmem:$0xCA00] =	vst v63  }
0x55: {  	s17 =	sadd.s32 $0x1, s17;
	_ =	swait.ge [sflag:s10], $0x6400  }
0x56: {  	p0 =	sne.s32 s17, s6;
	[sflag:s10] =	ssyncset.done $0x0  }
.Ltmp1:
0x57: {  	[sflag:s10] =	ssyncadd.s32 $0xFFFF9C00;
	(pc) =	sbr.rel @p0 .LBB2_1-.Ltmp1, $4  }
0x58: {  	[hbm4b:s18+s3] =	stream.linear.scatter [tilespmem:s14], [sflag:$0x3], $0x6400, $0x38;
	[tilespmem:$0xCA00] =	vst v63  }
0x59: {  	_ =	swait.ge [sflag:s10], $0x6400  }
0x5a: {  	[sflag:s10] =	ssyncset.done $0x0  }
0x5b: {  	[sflag:s10] =	ssyncadd.s32 $0xFFFF9C00  }
0x5c: {  	_ =	sfence.sel $0x180000  }
0x5d: {  	[bflag:$0x0] =	sbarrier.arrive $0xFFFF  }
0x5e: {  	p0 =	sne.s32 s1, $0x0;
	_ =	strace $0x9000004A  }
0x5f: {  	s0 =	sadd.s32 @!p0 $0x100000, s0;
	[bflag:$0x2] =	sbarrier.arrive $0xFFFF  }
0x60: {  	[sflag:s0] =	ssyncadd.tile.s32 @!p0 $0x1;
	_ =	shalt  }
.Lfunc_end2:
_tile_overlayer_lowered:
.L_overlay_start_2:
0x61: {  	(tag) =	ssettag $0x2  }
0x62: {  	s0 =	rddreg [dreg:$0x0];
	s2 =	stileid.u32  }
0x63: {  	s1 =	rddreg [dreg:$0x1];
	p0 =	sne.s32 s2, $0x0  }
0x64: {  	s3 =	rddreg [dreg:$0x2];
	[bflag:$0x3] =	sbarrier.arrive $0xFFFF;
	s2 =	simm.s32 @!p0 $0x1C03  }
0x65: {  	[timem:s3], [sflag:s2] =	dma.local @!p0 [hbm:s0], s1  }
0x66: {  	s0 =	simm.s32 @!p0 $0x3  }
0x67: {  	_ =	swait.ge @!p0 [sflag:s0], s1  }
0x68: {  	s1 =	ssub.s32 @!p0 $0x0, s1;
	[sflag:s0] =	ssyncset.done @!p0 $0x0  }
0x69: {  	[sflag:s0] =	ssyncadd.s32 @!p0 s1  }
0x6a: {  	[bflag:$0x3] =	sbarrier.arrive $0xFFFF  }
0x6b: {  	_ =	shalt  }

// kernel: kernel.18.cloned.1.call-start
scs
__scs_entry_jumppad:
0x0: {  	(pc) =	sbr.rel $0x88, $3  }
0x1: {  	(tag) =	ssettag $0x0;
	lr =	simm.s32 $0x1  }
0x2: {  	[smem:$0x3F79] =	sst lr;
	_ =	strace $0xD0000000  }
0x3: {  	_ = 	snop  }
0x4: {  	_ = 	snop  }
0x5: {  	_ = 	snop  }
0x6: {  	_ = 	snop  }
0x7: {  	_ = 	snop  }
__scs_overlays_trampoline_lowered:
0x8: {  	[smem:$0x3F88] =	sst s0  }
0x9: {  	[smem:$0x3F89] =	sst s1  }
0xa: {  	[smem:$0x3F8A] =	sst s2  }
0xb: {  	[smem:$0x3F8B] =	sst s3  }
0xc: {  	[smem:$0x3F8C] =	sst s4  }
0xd: {  	[smem:$0x3F8D] =	sst s5  }
0xe: {  	[smem:$0x3F8E] =	sst s6  }
0xf: {  	[smem:$0x3F8F] =	sst s7  }
0x10: {  	[smem:$0x3F90] =	sst s8  }
0x11: {  	[smem:$0x3F91] =	sst s9;
	s0 =	simm.s32 @!p0 $0x0  }
0x12: {  	s1 =	sld [smem:$0x3F77];
	s0 =	simm.s32 @p0 $0x1  }
0x13: {  	[smem:$0x3F92] =	sst s0;
	s0 =	simm.s32 @!p1 $0x0  }
0x14: {  	s2 =	sld [smem:$0x3F76];
	s0 =	simm.s32 @p1 $0x1  }
0x15: {  	[smem:$0x3F93] =	sst s0;
	s0 =	simm.s32 @!p2 $0x0  }
0x16: {  	s3 =	sld [smem:$0x3FDB];
	s0 =	simm.s32 @p2 $0x1  }
0x17: {  	s4 =	simm.s32 $0x1BF5;
	[smem:$0x3F95] =	sst s0  }
0x18: {  	s0 =	sld [smem:$0x3F78];
	_ =	swait.ge [sflag:s4], $0x0  }
0x19: {  	s7 =	sld [smem:$0x3F79]  }
0x1a: {  	s8 =	sadd.s32 $0xFFFFE003, lr  }
0x1b: {  	s9 =	sadd.s32 $0xFFFFFEF7, lr;
	s5 =	simm.s32 $0xFFFFFFFF;
	p2 =	slt.u32 s8, $0xFFFFF086  }
0x1c: {  	p1 =	slt.u32 s9, $0xF7A;
	s5 =	simm.s32 @!p2 $0x0  }
0x1d: {  	s5 =	simm.s32 @p1 $0x1;
	p0 =	seq.s32 s7, s2  }
0x1e: {  	s7 =	smul.u32 @!p0 $0xF7A, s2;
	p2 =	seq.s32 @!p0 s5, $0x0  }
0x1f: {  	s9 =	smul.u32 $0xF7A, s1;
	s8 =	simm.s32 @!p0 $0x1BF5;
	p2 =	por !p2, p0  }
0x20: {  	[sflag:s8] =	ssyncset.s32 @!p0 $0xFFFFF086;
	s6 =	sadd.s32 @!p0 s3, s7;
	s7 =	simm.s32 @!p0 $0x108  }
0x21: {  	s3 =	sadd.s32 s3, s9;
	s6 =	sadd.s32 @!p0 $0x88, s6;
	s7 =	simm.s32 @p2 $0x1082  }
0x22: {  	[simem:s7], [sflag:s8] =	dma.local @!p0 [hbm:s6], $0xF7A  }
0x23: {  	s9 =	sor.u32 $0xD0000000, s2;
	s6 =	simm.s32 $0x108;
	_ =	swait.ge @!p0 [sflag:s8], $0x0  }
0x24: {  	s3 =	sadd.s32 $0x88, s3;
	s6 =	simm.s32 @!p1 $0x1082;
	[sflag:s4] =	ssyncset.s32 $0xFFFFF086  }
0x25: {  	[simem:s6], [sflag:s4] =	dma.local [hbm:s3], $0xF7A  }
0x26: {  	[smem:$0x3F79] =	sst s1;
	(tag) =	ssettag s2;
	_ =	strace s9  }
0x27: {  	s1 =	sld [smem:$0x3F89]  }
0x28: {  	s2 =	sld [smem:$0x3F8A]  }
0x29: {  	s4 =	sld [smem:$0x3F8C]  }
0x2a: {  	p0 =	seq.s32 s5, $0x0;
	s5 =	sld [smem:$0x3F8D]  }
0x2b: {  	s6 =	sld [smem:$0x3F8E]  }
0x2c: {  	s7 =	sld [smem:$0x3F8F]  }
0x2d: {  	s3 =	simm.s32 $0x108;
	s8 =	sld [smem:$0x3F90]  }
0x2e: {  	s3 =	simm.s32 @!p0 $0x1082;
	s9 =	sld [smem:$0x3F91]  }
0x2f: {  	lr =	sadd.s32 s0, s3;
	s0 =	sld [smem:$0x3F88]  }
0x30: {  	s3 =	sld [smem:$0x3F8B]  }
0x31: {  	[smem:$0x3F94] =	sst s10  }
0x32: {  	s10 =	sld [smem:$0x3F92];
	_ =	sdelay $0x3  }
0x33: {  	p0 =	seq.s32 s10, $0x1;
	s10 =	sld [smem:$0x3F94];
	_ =	sdelay $0x3  }
0x34: {  	[smem:$0x3F94] =	sst s10  }
0x35: {  	s10 =	sld [smem:$0x3F93];
	_ =	sdelay $0x3  }
0x36: {  	p1 =	seq.s32 s10, $0x1;
	s10 =	sld [smem:$0x3F94];
	_ =	sdelay $0x3  }
0x37: {  	[smem:$0x3F94] =	sst s10  }
0x38: {  	s10 =	sld [smem:$0x3F95]  }
0x39: {  	_ = 	snop;
	(pc) =	sbr.ind lr, $3  }
0x3a: {  	_ = 	snop  }
0x3b: {  	_ = 	snop  }
0x3c: {  	p2 =	seq.s32 s10, $0x1;
	s10 =	sld [smem:$0x3F94]  }
0x3d: {  	_ =	shalt  }
0x3e: {  	_ =	shalt  }
0x3f: {  	_ =	shalt  }
0x40: {  	_ =	shalt  }
0x41: {  	_ =	shalt  }
0x42: {  	_ =	shalt  }
0x43: {  	_ =	shalt  }
0x44: {  	_ =	shalt  }
0x45: {  	_ =	shalt  }
0x46: {  	_ =	shalt  }
0x47: {  	_ =	shalt  }
0x48: {  	_ =	shalt  }
0x49: {  	_ =	shalt  }
0x4a: {  	_ =	shalt  }
0x4b: {  	_ =	shalt  }
0x4c: {  	_ =	shalt  }
0x4d: {  	_ =	shalt  }
0x4e: {  	_ =	shalt  }
0x4f: {  	_ =	shalt  }
0x50: {  	_ =	shalt  }
0x51: {  	_ =	shalt  }
0x52: {  	_ =	shalt  }
0x53: {  	_ =	shalt  }
0x54: {  	_ =	shalt  }
0x55: {  	_ =	shalt  }
0x56: {  	_ =	shalt  }
0x57: {  	_ =	shalt  }
0x58: {  	_ =	shalt  }
0x59: {  	_ =	shalt  }
0x5a: {  	_ =	shalt  }
0x5b: {  	_ =	shalt  }
0x5c: {  	_ =	shalt  }
0x5d: {  	_ =	shalt  }
0x5e: {  	_ =	shalt  }
0x5f: {  	_ =	shalt  }
0x60: {  	_ =	shalt  }
0x61: {  	_ =	shalt  }
0x62: {  	_ =	shalt  }
0x63: {  	_ =	shalt  }
0x64: {  	_ =	shalt  }
0x65: {  	_ =	shalt  }
0x66: {  	_ =	shalt  }
0x67: {  	_ =	shalt  }
0x68: {  	_ =	shalt  }
0x69: {  	_ =	shalt  }
0x6a: {  	_ =	shalt  }
0x6b: {  	_ =	shalt  }
0x6c: {  	_ =	shalt  }
0x6d: {  	_ =	shalt  }
0x6e: {  	_ =	shalt  }
0x6f: {  	_ =	shalt  }
0x70: {  	_ =	shalt  }
0x71: {  	_ =	shalt  }
0x72: {  	_ =	shalt  }
0x73: {  	_ =	shalt  }
0x74: {  	_ =	shalt  }
0x75: {  	_ =	shalt  }
0x76: {  	_ =	shalt  }
0x77: {  	_ =	shalt  }
0x78: {  	_ =	shalt  }
0x79: {  	_ =	shalt  }
0x7a: {  	_ =	shalt  }
0x7b: {  	_ =	shalt  }
0x7c: {  	_ =	shalt  }
0x7d: {  	_ =	shalt  }
0x7e: {  	_ =	shalt  }
0x7f: {  	_ =	shalt  }
0x80: {  	_ =	shalt  }
0x81: {  	_ =	shalt  }
0x82: {  	_ =	shalt  }
0x83: {  	_ =	shalt  }
0x84: {  	_ =	shalt  }
0x85: {  	_ =	shalt  }
0x86: {  	_ =	shalt  }
0x87: {  	_ =	shalt  }
.Lfunc_end0:
.L_simem_size_0:
called_computation.2_lowered:
.L_overlay_start_0:
0x88: {  	s2 =	sld [smem:$0x3FD9]  }
0x89: {  	s3 =	sld [smem:$0x3FFE];
	_ =	sdelay $0x1  }
0x8a: {  	s1 =	srdreg.scid  }
0x8b: {  	s0 =	sand.u32 $0x1, s1  }
0x8c: {  	s17 =	sshll.u32 s0, $0xA;
	s2 =	sadd.s32 s3, s2  }
0x8d: {  	s2 =	sadd.s32 s2, s17  }
0x8e: {  	[smem:$0x3FA0] =	sst s2  }
0x8f: {  	_ = 	snop  }
0x90: {  	(tm) =	ssettm $0x1  }
0x91: {  	s18 =	sld [smem:$0x3FFB];
	_ =	sdelay $0x3  }
0x92: {  	_ =	strace s18  }
0x93: {  	s2 =	sld [smem:$0x3FFC];
	_ =	sdelay $0x3  }
0x94: {  	_ =	strace s2  }
0x95: {  	s2 =	sld [smem:$0x3FFD];
	_ =	sdelay $0x3  }
0x96: {  	_ =	strace s2  }
0x97: {  	_ =	strace $0x8FFFFFFF  }
0x98: {  	s19 =	sld [smem:$0x3FDB];
	_ =	sdelay $0x1  }
0x99: {  	s20 =	simm.s32 $_scs_section_size  }
0x9a: {  	s4 =	simm.s32 $_size__tile_overlayer_lowered;
	s5 =	simm.s32 $_tile_overlayer_lowered  }
0x9b: {  	s6 =	simm.s32 $0x1BFF;
	s21 =	sshll.u32 s5, $0x1;
	s3 =	sadd.s32 s20, s19  }
0x9c: {  	s22 =	simm.s32 $0x0;
	s4 =	sshll.u32 s4, $0x1;
	s5 =	sadd.s32 s21, s3  }
0x9d: {  	[timem:s22], [sflag:s6] =	dma.local [hbm:s5], s4  }
0x9e: {  	_ =	swait.ge [sflag:s6], s4  }
0x9f: {  	s4 =	ssub.s32 $0x0, s4;
	[sflag:s6] =	ssyncset.done $0x0  }
0xa0: {  	[sflag:s6] =	ssyncadd.s32 s4;
	_ =	sdelay $0x1  }
0xa1: {  	s23 =	simm.s32 $0x1B8B  }
0xa2: {  	_ =	swait.ge [sflag:s23], $0x1  }
0xa3: {  	[sflag:s23] =	ssyncset.done $0x0  }
0xa4: {  	[sflag:s23] =	ssyncadd.s32 $0xFFFFFFFF  }
0xa5: {  	s4 =	sld [smem:$0x0]  }
0xa6: {  	s5 =	sand.u32 $0xFFFFFFFE, s1  }
0xa7: {  	p0 =	sne.s32 s1, s5  }
0xa8: {  	s5 =	sshll.u32 @p0 s5, $0xE  }
0xa9: {  	s5 =	sadd.s32 @p0 $0x11B8D, s5;
	s6 =	sshll.u32 @p0 s4, $0x11  }
0xaa: {  	s5 =	sor.u32 @p0 s6, s5  }
0xab: {  	[sflag:s5] =	ssyncadd.remote.s32 @p0 $0x1;
	_ =	sdelay $0x1  }
0xac: {  	s5 =	simm.s32 @p0 $0x1B8D  }
0xad: {  	_ =	swait.eq @p0 [sflag:s5], $0x1  }
0xae: {  	[sflag:s5] =	ssyncadd.s32 @p0 $0xFFFFFFFF  }
0xaf: {  	s6 =	sshll.u32 @!p0 s1, $0xE  }
0xb0: {  	s6 =	sor.u32 @!p0 $0x4000, s6;
	s5 =	simm.s32 @!p0 $0x1B8D  }
0xb1: {  	s4 =	sshll.u32 @!p0 s4, $0x11;
	s6 =	sadd.s32 @!p0 $0x11B8D, s6;
	_ =	swait.eq @!p0 [sflag:s5], $0x1  }
0xb2: {  	s4 =	sor.u32 @!p0 s4, s6;
	[sflag:s5] =	ssyncadd.s32 @!p0 $0xFFFFFFFF  }
0xb3: {  	s25 =	simm.s32 $0x1B8E;
	s24 =	sld [smem:$0x3FFE];
	[sflag:s4] =	ssyncadd.remote.s32 @!p0 $0x1  }
0xb4: {  	s26 =	simm.s32 $execute0_lowered;
	[smem:$0x3FD2] =	sst s25  }
0xb5: {  	s5 =	sshll.u32 s26, $0x1;
	_ =	strace $0x8000004C;
	[dreg:$0x1] =	wrdreg $0xFFFFFFFF  }
0xb6: {  	s28 =	simm.s32 $_size_execute0_lowered;
	s3 =	sadd.s32 s3, s5;
	[dreg:$0x0] =	wrdreg $0x0  }
0xb7: {  	s5 =	sshll.u32 s28, $0x1;
	[dreg:$0x2] =	wrdreg s3  }
0xb8: {  	[dreg:$0x3] =	wrdreg s5  }
0xb9: {  	[dreg:$0x4] =	wrdreg $0xC0  }
0xba: {  	_ =	task [dreg:s22], $0x5FFFF  }
0xbb: {  	[dreg:$0x1] =	wrdreg $0xFFFFFFFF  }
0xbc: {  	[dreg:$0x0] =	wrdreg $0x60  }
0xbd: {  	[dreg:$0x2] =	wrdreg s24  }
0xbe: {  	[dreg:$0x3] =	wrdreg $0x65000  }
0xbf: {  	[dreg:$0x4] =	wrdreg $0xA  }
0xc0: {  	_ =	task.clear_ibuf [dreg:s22], $0x5FFFF;
	_ =	strace $0x9000004C  }
0xc1: {  	s29 =	simm.s32 $0xA;
	_ =	strace $0x8000004E  }
0xc2: {  	_ =	swait.ge [sflag:s29], $0x1  }
0xc3: {  	[sflag:s29] =	ssyncadd.s32 $0xFFFFFFFF  }
0xc4: {  	_ =	strace $0x9000004E  }
0xc5: {  	_ =	sfence  }
0xc6: {  	s30 =	sld [smem:$0x0];
	_ =	sdelay $0x2  }
0xc7: {  	s31 =	sshll.u32 s1, $0xD;
	s1 =	sshrl.u32 s1, $0x2  }
0xc8: {  	s4 =	sand.u32 $0x4000, s31;
	s1 =	sadd.s32 s1, s30  }
0xc9: {  	s0 =	sor.u32 s4, s0;
	s1 =	sshll.u32 s1, $0x11  }
0xca: {  	s0 =	sor.u32 s1, s0  }
0xcb: {  	s0 =	sadd.s32 $0x8F2B, s0  }
0xcc: {  	[sflag:s0] =	ssyncadd.remote.s32 $0x1  }
0xcd: {  	_ =	sfence.sel $0xFFFF  }
0xce: {  	[dreg:$0x0] =	wrdreg $0xFFFFFFFF;
	(pc) =	sbr.abs _section_cstart, $3  }
0xcf: {  	[dreg:$0x1] =	wrdreg $0xFFFFFFFF  }
0xd0: {  	_ =	task.clear_ibuf [dreg:s22], $0x2FFFF;
	_ =	strace $0x9FFFFFFF  }
0xd1: {  	(tm) =	ssettm $0x7FFFFFFF  }
tec
execute0_lowered:
.L_overlay_start_1:
0x0: {  	(tag) =	ssettag $0x1  }
0x1: {  	s0 =	stileid.u32;
	s1 =	srdreg.scid  }
0x2: {  	s5 =	rddreg [dreg:$0x0];
	s4 =	smul.u32 $0x2710, s0  }
0x3: {  	s2 =	rddreg [dreg:$0x1];
	s3 =	simm.s32 $0x0;
	s8 =	smul.u32 $0x27100, s0  }
0x4: {  	s13 =	simm.s32 $0xC8;
	s14 =	simm.s32 $0x0;
	s26 =	smul.u32 $0x2800, s0  }
0x5: {  	s6 =	sand.u32 $0x1, s1;
	s1 =	rddreg [dreg:$0x2];
	s11 =	smul.u32 $0x50000, s0  }
0x6: {  	[smem:$0x7FF] =	sst s3;
	s31 =	sshll.u32 s0, $0x6;
	s7 =	smul.u32 $0x1388, s6  }
0x7: {  	_ =	strace $0x8000004D;
	s9 =	smul.u32 $0x28000, s6;
	s28 =	ssub.s32 $0x2, s6  }
0x8: {  	s6 =	smul.u32 $0x13880, s6;
	s8 =	sadd.s32 s8, s5;
	s29 =	sshrl.u32 s28, $0x1  }
0x9: {  	s30 =	sshrl.u32 s11, $0x2;
	s11 =	simm.s32 $0x1;
	s4 =	sadd.s32 s7, s4  }
0xa: {  	s7 =	sadd.s32 s26, s9;
	s9 =	ssub.s32 s28, s29;
	s12 =	sadd.s32 s30, s2  }
0xb: {  	s8 =	sadd.s32 s6, s8;
	s4 =	sshrl.u32 s4, $0x3;
	s7 =	sadd.s32 s7, s5  }
0xc: {  	s8 =	sadd.s32 $0xB87A00, s8;
	s10 =	sadd.s32 s4, s5;
	s4 =	sadd.s32 $0x1B9A00, s5  }
0xd: {  	s5 =	sor.u32 $0x1C01, s31;
	s6 =	sadd.s32 $0x1BC200, s7;
	s7 =	smax.u32 s9, $0x1  }
0xe: {  	s9 =	sadd.s32 $0x6E00, s10;
	s10 =	sshrl.u32 s12, $0x3;
	s12 =	simm.s32 $0x100  }
.LBB2_1:
0xf: {  	[spmem:s10], [sflag:s5] =	dma.local [hbm:s4], $0x2800  }
0x10: {  	_ =	swait.ge [sflag:s11], $0x2800  }
0x11: {  	[sflag:s11] =	ssyncset.done $0x0  }
0x12: {  	[sflag:s11] =	ssyncadd.s32 $0xFFFFD800  }
0x13: {  	s15 =	sadd.s32 $0x0, s9;
	[bflag:$0x0] =	sbarrier.arrive $0xFFFF  }
0x14: {  	[tilespmem:s3], [sflag:$0x1] =	stream.linear.gather [hbm4b:s15+s3], $0xC8, $0x38;
	[tilespmem:$0x1A500] =	vst v63  }
0x15: {  	_ =	swait.ge [sflag:s11], $0xC8  }
0x16: {  	[sflag:s11] =	ssyncset.done $0x0  }
0x17: {  	[sflag:s11] =	ssyncadd.s32 $0xFFFFFF38  }
0x18: {  	[tilespmem:s12], [sflag:$0x1] =	stream.linear.gather [hbm4b:s8+s3], $0x6400, $0x38;
	[tilespmem:$0x1A500] =	vst v63  }
0x19: {  	_ =	swait.ge [sflag:s11], $0x6400  }
0x1a: {  	[sflag:s11] =	ssyncset.done $0x0  }
0x1b: {  	[sflag:s11] =	ssyncadd.s32 $0xFFFF9C00  }
0x1c: {  	[spmem:s2] =	stream.indirect.scatter.add.f32 [tilespmem:s12], [sflag:$0x1], $0x80, s3, s13, $0xb8;
	[tilespmem:$0x1A500] =	vst v63  }
0x1d: {  	s16 =	simm.s32 $0x19;
	_ =	swait.ge [sflag:s11], $0x6400  }
0x1e: {  	s17 =	simm.s32 $0x32;
	s15 =	sadd.s32 $0xC80, s8;
	[sflag:s11] =	ssyncset.done $0x0  }
.LBB2_2:
0x1f: {  	s18 =	sadd.s32 s16, s9  }
0x20: {  	[sflag:s11] =	ssyncadd.s32 $0xFFFF9C00;
	s16 =	smov.u32 s17;
	s19 =	sadd.s32 $0x19, s17  }
0x21: {  	[tilespmem:s3], [sflag:$0x1] =	stream.linear.gather [hbm4b:s18+s3], $0xC8, $0x38;
	[tilespmem:$0x1A500] =	vst v63  }
0x22: {  	p0 =	sne.s32 s17, $0x258;
	_ =	swait.ge [sflag:s11], $0xC8  }
0x23: {  	[sflag:s11] =	ssyncset.done $0x0  }
0x24: {  	[sflag:s11] =	ssyncadd.s32 $0xFFFFFF38  }
0x25: {  	[tilespmem:s12], [sflag:$0x1] =	stream.linear.gather [hbm4b:s15+s3], $0x6400, $0x38;
	[tilespmem:$0x1A500] =	vst v63  }
0x26: {  	_ =	swait.ge [sflag:s11], $0x6400  }
.Ltmp0:
0x27: {  	[sflag:s11] =	ssyncset.done $0x0;
	(pc) =	sbr.rel @p0 .LBB2_2-.Ltmp0, $4  }
0x28: {  	[sflag:s11] =	ssyncadd.s32 $0xFFFF9C00  }
0x29: {  	[spmem:s2] =	stream.indirect.scatter.add.f32 [tilespmem:s12], [sflag:$0x1], $0x80, s3, s13, $0xb8;
	[tilespmem:$0x1A500] =	vst v63  }
0x2a: {  	_ =	swait.ge [sflag:s11], $0x6400  }
0x2b: {  	s17 =	smov.u32 s19;
	s15 =	sadd.s32 $0xC80, s15;
	[sflag:s11] =	ssyncset.done $0x0  }
0x2c: {  	s16 =	sadd.s32 s16, s9;
	[sflag:s11] =	ssyncadd.s32 $0xFFFF9C00  }
0x2d: {  	[tilespmem:s3], [sflag:$0x1] =	stream.linear.gather [hbm4b:s16+s3], $0xC8, $0x38;
	[tilespmem:$0x1A500] =	vst v63  }
0x2e: {  	_ =	swait.ge [sflag:s11], $0xC8  }
0x2f: {  	[sflag:s11] =	ssyncset.done $0x0  }
0x30: {  	[sflag:s11] =	ssyncadd.s32 $0xFFFFFF38  }
0x31: {  	[tilespmem:s12], [sflag:$0x1] =	stream.linear.gather [hbm4b:s15+s3], $0x6400, $0x38;
	[tilespmem:$0x1A500] =	vst v63  }
0x32: {  	_ =	swait.ge [sflag:s11], $0x6400  }
0x33: {  	[sflag:s11] =	ssyncset.done $0x0  }
0x34: {  	[sflag:s11] =	ssyncadd.s32 $0xFFFF9C00  }
0x35: {  	[spmem:s2] =	stream.indirect.scatter.add.f32 [tilespmem:s12], [sflag:$0x1], $0x80, s3, s13, $0xb8;
	[tilespmem:$0x1A500] =	vst v63  }
0x36: {  	_ =	swait.ge [sflag:s11], $0x6400  }
0x37: {  	s14 =	sadd.s32 $0x1, s14;
	[sflag:s11] =	ssyncset.done $0x0  }
0x38: {  	p0 =	sne.s32 s14, s7;
	[sflag:s11] =	ssyncadd.s32 $0xFFFF9C00  }
.Ltmp1:
0x39: {  	[bflag:$0x0] =	sbarrier.arrive $0xFFFF;
	(pc) =	sbr.rel @p0 .LBB2_1-.Ltmp1, $4  }
0x3a: {  	[hbm:s6], [sflag:s5] =	dma.local [spmem:s10], $0x2800  }
0x3b: {  	_ =	swait.ge [sflag:s11], $0x2800  }
0x3c: {  	[sflag:s11] =	ssyncset.done $0x0  }
0x3d: {  	[sflag:s11] =	ssyncadd.s32 $0xFFFFD800  }
0x3e: {  	_ =	sfence.sel $0x180000  }
0x3f: {  	[bflag:$0x0] =	sbarrier.arrive $0xFFFF  }
0x40: {  	p0 =	sne.s32 s0, $0x0;
	_ =	strace $0x9000004D  }
0x41: {  	s0 =	sadd.s32 @!p0 $0x100000, s1;
	[bflag:$0x2] =	sbarrier.arrive $0xFFFF  }
0x42: {  	[sflag:s0] =	ssyncadd.tile.s32 @!p0 $0x1;
	_ =	shalt  }
.Lfunc_end2:
_tile_overlayer_lowered:
.L_overlay_start_2:
0x43: {  	(tag) =	ssettag $0x2  }
0x44: {  	s0 =	rddreg [dreg:$0x0];
	s2 =	stileid.u32  }
0x45: {  	s1 =	rddreg [dreg:$0x1];
	p0 =	sne.s32 s2, $0x0  }
0x46: {  	s3 =	rddreg [dreg:$0x2];
	[bflag:$0x3] =	sbarrier.arrive $0xFFFF;
	s2 =	simm.s32 @!p0 $0x1C01  }
0x47: {  	[timem:s3], [sflag:s2] =	dma.local @!p0 [hbm:s0], s1  }
0x48: {  	s0 =	simm.s32 @!p0 $0x1  }
0x49: {  	_ =	swait.ge @!p0 [sflag:s0], s1  }
0x4a: {  	s1 =	ssub.s32 @!p0 $0x0, s1;
	[sflag:s0] =	ssyncset.done @!p0 $0x0  }
0x4b: {  	[sflag:s0] =	ssyncadd.s32 @!p0 s1  }
0x4c: {  	[bflag:$0x3] =	sbarrier.arrive $0xFFFF  }
0x4d: {  	_ =	shalt  }

// kernel: kernel.21.cloned.1.call-start
scs
__scs_entry_jumppad:
0x0: {  	(pc) =	sbr.rel $0x88, $3  }
0x1: {  	(tag) =	ssettag $0x0;
	lr =	simm.s32 $0x1  }
0x2: {  	[smem:$0x3F79] =	sst lr;
	_ =	strace $0xD0000000  }
0x3: {  	_ = 	snop  }
0x4: {  	_ = 	snop  }
0x5: {  	_ = 	snop  }
0x6: {  	_ = 	snop  }
0x7: {  	_ = 	snop  }
__scs_overlays_trampoline_lowered:
0x8: {  	[smem:$0x3F88] =	sst s0  }
0x9: {  	[smem:$0x3F89] =	sst s1  }
0xa: {  	[smem:$0x3F8A] =	sst s2  }
0xb: {  	[smem:$0x3F8B] =	sst s3  }
0xc: {  	[smem:$0x3F8C] =	sst s4  }
0xd: {  	[smem:$0x3F8D] =	sst s5  }
0xe: {  	[smem:$0x3F8E] =	sst s6  }
0xf: {  	[smem:$0x3F8F] =	sst s7  }
0x10: {  	[smem:$0x3F90] =	sst s8  }
0x11: {  	[smem:$0x3F91] =	sst s9;
	s0 =	simm.s32 @!p0 $0x0  }
0x12: {  	s1 =	sld [smem:$0x3F77];
	s0 =	simm.s32 @p0 $0x1  }
0x13: {  	[smem:$0x3F92] =	sst s0;
	s0 =	simm.s32 @!p1 $0x0  }
0x14: {  	s2 =	sld [smem:$0x3F76];
	s0 =	simm.s32 @p1 $0x1  }
0x15: {  	[smem:$0x3F93] =	sst s0;
	s0 =	simm.s32 @!p2 $0x0  }
0x16: {  	s3 =	sld [smem:$0x3FDB];
	s0 =	simm.s32 @p2 $0x1  }
0x17: {  	s4 =	simm.s32 $0x1BF5;
	[smem:$0x3F95] =	sst s0  }
0x18: {  	s0 =	sld [smem:$0x3F78];
	_ =	swait.ge [sflag:s4], $0x0  }
0x19: {  	s7 =	sld [smem:$0x3F79]  }
0x1a: {  	s8 =	sadd.s32 $0xFFFFE003, lr  }
0x1b: {  	s9 =	sadd.s32 $0xFFFFFEF7, lr;
	s5 =	simm.s32 $0xFFFFFFFF;
	p2 =	slt.u32 s8, $0xFFFFF086  }
0x1c: {  	p1 =	slt.u32 s9, $0xF7A;
	s5 =	simm.s32 @!p2 $0x0  }
0x1d: {  	s5 =	simm.s32 @p1 $0x1;
	p0 =	seq.s32 s7, s2  }
0x1e: {  	s7 =	smul.u32 @!p0 $0xF7A, s2;
	p2 =	seq.s32 @!p0 s5, $0x0  }
0x1f: {  	s9 =	smul.u32 $0xF7A, s1;
	s8 =	simm.s32 @!p0 $0x1BF5;
	p2 =	por !p2, p0  }
0x20: {  	[sflag:s8] =	ssyncset.s32 @!p0 $0xFFFFF086;
	s6 =	sadd.s32 @!p0 s3, s7;
	s7 =	simm.s32 @!p0 $0x108  }
0x21: {  	s3 =	sadd.s32 s3, s9;
	s6 =	sadd.s32 @!p0 $0x88, s6;
	s7 =	simm.s32 @p2 $0x1082  }
0x22: {  	[simem:s7], [sflag:s8] =	dma.local @!p0 [hbm:s6], $0xF7A  }
0x23: {  	s9 =	sor.u32 $0xD0000000, s2;
	s6 =	simm.s32 $0x108;
	_ =	swait.ge @!p0 [sflag:s8], $0x0  }
0x24: {  	s3 =	sadd.s32 $0x88, s3;
	s6 =	simm.s32 @!p1 $0x1082;
	[sflag:s4] =	ssyncset.s32 $0xFFFFF086  }
0x25: {  	[simem:s6], [sflag:s4] =	dma.local [hbm:s3], $0xF7A  }
0x26: {  	[smem:$0x3F79] =	sst s1;
	(tag) =	ssettag s2;
	_ =	strace s9  }
0x27: {  	s1 =	sld [smem:$0x3F89]  }
0x28: {  	s2 =	sld [smem:$0x3F8A]  }
0x29: {  	s4 =	sld [smem:$0x3F8C]  }
0x2a: {  	p0 =	seq.s32 s5, $0x0;
	s5 =	sld [smem:$0x3F8D]  }
0x2b: {  	s6 =	sld [smem:$0x3F8E]  }
0x2c: {  	s7 =	sld [smem:$0x3F8F]  }
0x2d: {  	s3 =	simm.s32 $0x108;
	s8 =	sld [smem:$0x3F90]  }
0x2e: {  	s3 =	simm.s32 @!p0 $0x1082;
	s9 =	sld [smem:$0x3F91]  }
0x2f: {  	lr =	sadd.s32 s0, s3;
	s0 =	sld [smem:$0x3F88]  }
0x30: {  	s3 =	sld [smem:$0x3F8B]  }
0x31: {  	[smem:$0x3F94] =	sst s10  }
0x32: {  	s10 =	sld [smem:$0x3F92];
	_ =	sdelay $0x3  }
0x33: {  	p0 =	seq.s32 s10, $0x1;
	s10 =	sld [smem:$0x3F94];
	_ =	sdelay $0x3  }
0x34: {  	[smem:$0x3F94] =	sst s10  }
0x35: {  	s10 =	sld [smem:$0x3F93];
	_ =	sdelay $0x3  }
0x36: {  	p1 =	seq.s32 s10, $0x1;
	s10 =	sld [smem:$0x3F94];
	_ =	sdelay $0x3  }
0x37: {  	[smem:$0x3F94] =	sst s10  }
0x38: {  	s10 =	sld [smem:$0x3F95]  }
0x39: {  	_ = 	snop;
	(pc) =	sbr.ind lr, $3  }
0x3a: {  	_ = 	snop  }
0x3b: {  	_ = 	snop  }
0x3c: {  	p2 =	seq.s32 s10, $0x1;
	s10 =	sld [smem:$0x3F94]  }
0x3d: {  	_ =	shalt  }
0x3e: {  	_ =	shalt  }
0x3f: {  	_ =	shalt  }
0x40: {  	_ =	shalt  }
0x41: {  	_ =	shalt  }
0x42: {  	_ =	shalt  }
0x43: {  	_ =	shalt  }
0x44: {  	_ =	shalt  }
0x45: {  	_ =	shalt  }
0x46: {  	_ =	shalt  }
0x47: {  	_ =	shalt  }
0x48: {  	_ =	shalt  }
0x49: {  	_ =	shalt  }
0x4a: {  	_ =	shalt  }
0x4b: {  	_ =	shalt  }
0x4c: {  	_ =	shalt  }
0x4d: {  	_ =	shalt  }
0x4e: {  	_ =	shalt  }
0x4f: {  	_ =	shalt  }
0x50: {  	_ =	shalt  }
0x51: {  	_ =	shalt  }
0x52: {  	_ =	shalt  }
0x53: {  	_ =	shalt  }
0x54: {  	_ =	shalt  }
0x55: {  	_ =	shalt  }
0x56: {  	_ =	shalt  }
0x57: {  	_ =	shalt  }
0x58: {  	_ =	shalt  }
0x59: {  	_ =	shalt  }
0x5a: {  	_ =	shalt  }
0x5b: {  	_ =	shalt  }
0x5c: {  	_ =	shalt  }
0x5d: {  	_ =	shalt  }
0x5e: {  	_ =	shalt  }
0x5f: {  	_ =	shalt  }
0x60: {  	_ =	shalt  }
0x61: {  	_ =	shalt  }
0x62: {  	_ =	shalt  }
0x63: {  	_ =	shalt  }
0x64: {  	_ =	shalt  }
0x65: {  	_ =	shalt  }
0x66: {  	_ =	shalt  }
0x67: {  	_ =	shalt  }
0x68: {  	_ =	shalt  }
0x69: {  	_ =	shalt  }
0x6a: {  	_ =	shalt  }
0x6b: {  	_ =	shalt  }
0x6c: {  	_ =	shalt  }
0x6d: {  	_ =	shalt  }
0x6e: {  	_ =	shalt  }
0x6f: {  	_ =	shalt  }
0x70: {  	_ =	shalt  }
0x71: {  	_ =	shalt  }
0x72: {  	_ =	shalt  }
0x73: {  	_ =	shalt  }
0x74: {  	_ =	shalt  }
0x75: {  	_ =	shalt  }
0x76: {  	_ =	shalt  }
0x77: {  	_ =	shalt  }
0x78: {  	_ =	shalt  }
0x79: {  	_ =	shalt  }
0x7a: {  	_ =	shalt  }
0x7b: {  	_ =	shalt  }
0x7c: {  	_ =	shalt  }
0x7d: {  	_ =	shalt  }
0x7e: {  	_ =	shalt  }
0x7f: {  	_ =	shalt  }
0x80: {  	_ =	shalt  }
0x81: {  	_ =	shalt  }
0x82: {  	_ =	shalt  }
0x83: {  	_ =	shalt  }
0x84: {  	_ =	shalt  }
0x85: {  	_ =	shalt  }
0x86: {  	_ =	shalt  }
0x87: {  	_ =	shalt  }
.Lfunc_end0:
.L_simem_size_0:
called_computation.3_lowered:
.L_overlay_start_0:
0x88: {  	s2 =	sld [smem:$0x3FD9]  }
0x89: {  	s3 =	sld [smem:$0x3FFE];
	_ =	sdelay $0x1  }
0x8a: {  	s1 =	srdreg.scid  }
0x8b: {  	s0 =	sand.u32 $0x1, s1  }
0x8c: {  	s17 =	sshll.u32 s0, $0xA;
	s2 =	sadd.s32 s3, s2  }
0x8d: {  	s2 =	sadd.s32 s2, s17  }
0x8e: {  	[smem:$0x3FA0] =	sst s2  }
0x8f: {  	_ = 	snop  }
0x90: {  	(tm) =	ssettm $0x1  }
0x91: {  	s18 =	sld [smem:$0x3FFB];
	_ =	sdelay $0x3  }
0x92: {  	_ =	strace s18  }
0x93: {  	s2 =	sld [smem:$0x3FFC];
	_ =	sdelay $0x3  }
0x94: {  	_ =	strace s2  }
0x95: {  	s2 =	sld [smem:$0x3FFD];
	_ =	sdelay $0x3  }
0x96: {  	_ =	strace s2  }
0x97: {  	_ =	strace $0x8FFFFFFF  }
0x98: {  	s19 =	sld [smem:$0x3FDB];
	_ =	sdelay $0x1  }
0x99: {  	s20 =	simm.s32 $_scs_section_size  }
0x9a: {  	s4 =	simm.s32 $_size__tile_overlayer_lowered;
	s5 =	simm.s32 $_tile_overlayer_lowered  }
0x9b: {  	s6 =	simm.s32 $0x1BFF;
	s21 =	sshll.u32 s5, $0x1;
	s3 =	sadd.s32 s20, s19  }
0x9c: {  	s22 =	simm.s32 $0x0;
	s4 =	sshll.u32 s4, $0x1;
	s5 =	sadd.s32 s21, s3  }
0x9d: {  	[timem:s22], [sflag:s6] =	dma.local [hbm:s5], s4  }
0x9e: {  	_ =	swait.ge [sflag:s6], s4  }
0x9f: {  	s4 =	ssub.s32 $0x0, s4;
	[sflag:s6] =	ssyncset.done $0x0  }
0xa0: {  	[sflag:s6] =	ssyncadd.s32 s4;
	_ =	sdelay $0x1  }
0xa1: {  	s23 =	simm.s32 $0x1B8B  }
0xa2: {  	_ =	swait.ge [sflag:s23], $0x1  }
0xa3: {  	[sflag:s23] =	ssyncset.done $0x0  }
0xa4: {  	[sflag:s23] =	ssyncadd.s32 $0xFFFFFFFF  }
0xa5: {  	s4 =	sld [smem:$0x0]  }
0xa6: {  	s5 =	sand.u32 $0xFFFFFFFE, s1  }
0xa7: {  	p0 =	sne.s32 s1, s5  }
0xa8: {  	s5 =	sshll.u32 @p0 s5, $0xE  }
0xa9: {  	s5 =	sadd.s32 @p0 $0x11B8D, s5;
	s6 =	sshll.u32 @p0 s4, $0x11  }
0xaa: {  	s5 =	sor.u32 @p0 s6, s5  }
0xab: {  	[sflag:s5] =	ssyncadd.remote.s32 @p0 $0x1;
	_ =	sdelay $0x1  }
0xac: {  	s5 =	simm.s32 @p0 $0x1B8D  }
0xad: {  	_ =	swait.eq @p0 [sflag:s5], $0x1  }
0xae: {  	[sflag:s5] =	ssyncadd.s32 @p0 $0xFFFFFFFF  }
0xaf: {  	s6 =	sshll.u32 @!p0 s1, $0xE  }
0xb0: {  	s6 =	sor.u32 @!p0 $0x4000, s6;
	s5 =	simm.s32 @!p0 $0x1B8D  }
0xb1: {  	s4 =	sshll.u32 @!p0 s4, $0x11;
	s6 =	sadd.s32 @!p0 $0x11B8D, s6;
	_ =	swait.eq @!p0 [sflag:s5], $0x1  }
0xb2: {  	s4 =	sor.u32 @!p0 s4, s6;
	[sflag:s5] =	ssyncadd.s32 @!p0 $0xFFFFFFFF  }
0xb3: {  	s25 =	simm.s32 $0x1B8E;
	s24 =	sld [smem:$0x3FFE];
	[sflag:s4] =	ssyncadd.remote.s32 @!p0 $0x1  }
0xb4: {  	s26 =	simm.s32 $execute0_lowered;
	[smem:$0x3FD2] =	sst s25  }
0xb5: {  	s5 =	sshll.u32 s26, $0x1;
	_ =	strace $0x8000004F;
	[dreg:$0x1] =	wrdreg $0xFFFFFFFF  }
0xb6: {  	s28 =	simm.s32 $_size_execute0_lowered;
	s3 =	sadd.s32 s3, s5;
	[dreg:$0x0] =	wrdreg $0x0  }
0xb7: {  	s5 =	sshll.u32 s28, $0x1;
	[dreg:$0x2] =	wrdreg s3  }
0xb8: {  	[dreg:$0x3] =	wrdreg s5  }
0xb9: {  	[dreg:$0x4] =	wrdreg $0xC0  }
0xba: {  	_ =	task [dreg:s22], $0x5FFFF  }
0xbb: {  	[dreg:$0x1] =	wrdreg $0xFFFFFFFF  }
0xbc: {  	[dreg:$0x0] =	wrdreg $0x60  }
0xbd: {  	[dreg:$0x2] =	wrdreg s24  }
0xbe: {  	[dreg:$0x3] =	wrdreg $0x65000  }
0xbf: {  	[dreg:$0x4] =	wrdreg $0x9  }
0xc0: {  	_ =	task.clear_ibuf [dreg:s22], $0x5FFFF;
	_ =	strace $0x9000004F  }
0xc1: {  	s29 =	simm.s32 $0x9;
	_ =	strace $0x80000051  }
0xc2: {  	_ =	swait.ge [sflag:s29], $0x1  }
0xc3: {  	[sflag:s29] =	ssyncadd.s32 $0xFFFFFFFF  }
0xc4: {  	_ =	strace $0x90000051  }
0xc5: {  	_ =	sfence  }
0xc6: {  	s30 =	sld [smem:$0x0];
	_ =	sdelay $0x2  }
0xc7: {  	s31 =	sshll.u32 s1, $0xD;
	s1 =	sshrl.u32 s1, $0x2  }
0xc8: {  	s4 =	sand.u32 $0x4000, s31;
	s1 =	sadd.s32 s1, s30  }
0xc9: {  	s0 =	sor.u32 s4, s0;
	s1 =	sshll.u32 s1, $0x11  }
0xca: {  	s0 =	sor.u32 s1, s0  }
0xcb: {  	s0 =	sadd.s32 $0x8F2B, s0  }
0xcc: {  	[sflag:s0] =	ssyncadd.remote.s32 $0x1  }
0xcd: {  	_ =	sfence.sel $0xFFFF  }
0xce: {  	[dreg:$0x0] =	wrdreg $0xFFFFFFFF;
	(pc) =	sbr.abs _section_cstart, $3  }
0xcf: {  	[dreg:$0x1] =	wrdreg $0xFFFFFFFF  }
0xd0: {  	_ =	task.clear_ibuf [dreg:s22], $0x2FFFF;
	_ =	strace $0x9FFFFFFF  }
0xd1: {  	(tm) =	ssettm $0x7FFFFFFF  }
tec
execute0_lowered:
.L_overlay_start_1:
0x0: {  	(tag) =	ssettag $0x1  }
0x1: {  	s0 =	stileid.u32;
	s1 =	srdreg.scid  }
0x2: {  	s5 =	rddreg [dreg:$0x0];
	s4 =	smul.u32 $0x2710, s0  }
0x3: {  	s2 =	rddreg [dreg:$0x1];
	s3 =	simm.s32 $0x0;
	s8 =	smul.u32 $0x27100, s0  }
0x4: {  	s13 =	simm.s32 $0xC8;
	s14 =	simm.s32 $0x0;
	s26 =	smul.u32 $0x2800, s0  }
0x5: {  	s6 =	sand.u32 $0x1, s1;
	s1 =	rddreg [dreg:$0x2];
	s11 =	smul.u32 $0x50000, s0  }
0x6: {  	[smem:$0x7FF] =	sst s3;
	s31 =	sshll.u32 s0, $0x6;
	s7 =	smul.u32 $0x1388, s6  }
0x7: {  	_ =	strace $0x80000050;
	s9 =	smul.u32 $0x28000, s6;
	s28 =	ssub.s32 $0x2, s6  }
0x8: {  	s6 =	smul.u32 $0x13880, s6;
	s8 =	sadd.s32 s8, s5;
	s29 =	sshrl.u32 s28, $0x1  }
0x9: {  	s30 =	sshrl.u32 s11, $0x2;
	s11 =	simm.s32 $0x1;
	s4 =	sadd.s32 s7, s4  }
0xa: {  	s7 =	sadd.s32 s26, s9;
	s9 =	ssub.s32 s28, s29;
	s12 =	sadd.s32 s30, s2  }
0xb: {  	s8 =	sadd.s32 s6, s8;
	s4 =	sshrl.u32 s4, $0x3;
	s7 =	sadd.s32 s7, s5  }
0xc: {  	s8 =	sadd.s32 $0x20C200, s8;
	s10 =	sadd.s32 s4, s5;
	s4 =	sadd.s32 $0x1B9A00, s5  }
0xd: {  	s5 =	sor.u32 $0x1C01, s31;
	s6 =	sadd.s32 $0x47D200, s7;
	s7 =	smax.u32 s9, $0x1  }
0xe: {  	s9 =	sadd.s32 $0x6A0A00, s10;
	s10 =	sshrl.u32 s12, $0x3;
	s12 =	simm.s32 $0x100  }
.LBB2_1:
0xf: {  	[spmem:s10], [sflag:s5] =	dma.local [hbm:s4], $0x2800  }
0x10: {  	_ =	swait.ge [sflag:s11], $0x2800  }
0x11: {  	[sflag:s11] =	ssyncset.done $0x0  }
0x12: {  	[sflag:s11] =	ssyncadd.s32 $0xFFFFD800  }
0x13: {  	s15 =	sadd.s32 $0x0, s9;
	[bflag:$0x0] =	sbarrier.arrive $0xFFFF  }
0x14: {  	[tilespmem:s3], [sflag:$0x1] =	stream.linear.gather [hbm4b:s15+s3], $0xC8, $0x38;
	[tilespmem:$0x1A500] =	vst v63  }
0x15: {  	_ =	swait.ge [sflag:s11], $0xC8  }
0x16: {  	[sflag:s11] =	ssyncset.done $0x0  }
0x17: {  	[sflag:s11] =	ssyncadd.s32 $0xFFFFFF38  }
0x18: {  	[tilespmem:s12], [sflag:$0x1] =	stream.linear.gather [hbm4b:s8+s3], $0x6400, $0x38;
	[tilespmem:$0x1A500] =	vst v63  }
0x19: {  	_ =	swait.ge [sflag:s11], $0x6400  }
0x1a: {  	[sflag:s11] =	ssyncset.done $0x0  }
0x1b: {  	[sflag:s11] =	ssyncadd.s32 $0xFFFF9C00  }
0x1c: {  	[spmem:s2] =	stream.indirect.scatter.add.f32 [tilespmem:s12], [sflag:$0x1], $0x80, s3, s13, $0xb8;
	[tilespmem:$0x1A500] =	vst v63  }
0x1d: {  	s16 =	simm.s32 $0x19;
	_ =	swait.ge [sflag:s11], $0x6400  }
0x1e: {  	s17 =	simm.s32 $0x32;
	s15 =	sadd.s32 $0xC80, s8;
	[sflag:s11] =	ssyncset.done $0x0  }
.LBB2_2:
0x1f: {  	s18 =	sadd.s32 s16, s9  }
0x20: {  	[sflag:s11] =	ssyncadd.s32 $0xFFFF9C00;
	s16 =	smov.u32 s17;
	s19 =	sadd.s32 $0x19, s17  }
0x21: {  	[tilespmem:s3], [sflag:$0x1] =	stream.linear.gather [hbm4b:s18+s3], $0xC8, $0x38;
	[tilespmem:$0x1A500] =	vst v63  }
0x22: {  	p0 =	sne.s32 s17, $0x258;
	_ =	swait.ge [sflag:s11], $0xC8  }
0x23: {  	[sflag:s11] =	ssyncset.done $0x0  }
0x24: {  	[sflag:s11] =	ssyncadd.s32 $0xFFFFFF38  }
0x25: {  	[tilespmem:s12], [sflag:$0x1] =	stream.linear.gather [hbm4b:s15+s3], $0x6400, $0x38;
	[tilespmem:$0x1A500] =	vst v63  }
0x26: {  	_ =	swait.ge [sflag:s11], $0x6400  }
.Ltmp0:
0x27: {  	[sflag:s11] =	ssyncset.done $0x0;
	(pc) =	sbr.rel @p0 .LBB2_2-.Ltmp0, $4  }
0x28: {  	[sflag:s11] =	ssyncadd.s32 $0xFFFF9C00  }
0x29: {  	[spmem:s2] =	stream.indirect.scatter.add.f32 [tilespmem:s12], [sflag:$0x1], $0x80, s3, s13, $0xb8;
	[tilespmem:$0x1A500] =	vst v63  }
0x2a: {  	_ =	swait.ge [sflag:s11], $0x6400  }
0x2b: {  	s17 =	smov.u32 s19;
	s15 =	sadd.s32 $0xC80, s15;
	[sflag:s11] =	ssyncset.done $0x0  }
0x2c: {  	s16 =	sadd.s32 s16, s9;
	[sflag:s11] =	ssyncadd.s32 $0xFFFF9C00  }
0x2d: {  	[tilespmem:s3], [sflag:$0x1] =	stream.linear.gather [hbm4b:s16+s3], $0xC8, $0x38;
	[tilespmem:$0x1A500] =	vst v63  }
0x2e: {  	_ =	swait.ge [sflag:s11], $0xC8  }
0x2f: {  	[sflag:s11] =	ssyncset.done $0x0  }
0x30: {  	[sflag:s11] =	ssyncadd.s32 $0xFFFFFF38  }
0x31: {  	[tilespmem:s12], [sflag:$0x1] =	stream.linear.gather [hbm4b:s15+s3], $0x6400, $0x38;
	[tilespmem:$0x1A500] =	vst v63  }
0x32: {  	_ =	swait.ge [sflag:s11], $0x6400  }
0x33: {  	[sflag:s11] =	ssyncset.done $0x0  }
0x34: {  	[sflag:s11] =	ssyncadd.s32 $0xFFFF9C00  }
0x35: {  	[spmem:s2] =	stream.indirect.scatter.add.f32 [tilespmem:s12], [sflag:$0x1], $0x80, s3, s13, $0xb8;
	[tilespmem:$0x1A500] =	vst v63  }
0x36: {  	_ =	swait.ge [sflag:s11], $0x6400  }
0x37: {  	s14 =	sadd.s32 $0x1, s14;
	[sflag:s11] =	ssyncset.done $0x0  }
0x38: {  	p0 =	sne.s32 s14, s7;
	[sflag:s11] =	ssyncadd.s32 $0xFFFF9C00  }
.Ltmp1:
0x39: {  	[bflag:$0x0] =	sbarrier.arrive $0xFFFF;
	(pc) =	sbr.rel @p0 .LBB2_1-.Ltmp1, $4  }
0x3a: {  	[hbm:s6], [sflag:s5] =	dma.local [spmem:s10], $0x2800  }
0x3b: {  	_ =	swait.ge [sflag:s11], $0x2800  }
0x3c: {  	[sflag:s11] =	ssyncset.done $0x0  }
0x3d: {  	[sflag:s11] =	ssyncadd.s32 $0xFFFFD800  }
0x3e: {  	_ =	sfence.sel $0x180000  }
0x3f: {  	[bflag:$0x0] =	sbarrier.arrive $0xFFFF  }
0x40: {  	p0 =	sne.s32 s0, $0x0;
	_ =	strace $0x90000050  }
0x41: {  	s0 =	sadd.s32 @!p0 $0x100000, s1;
	[bflag:$0x2] =	sbarrier.arrive $0xFFFF  }
0x42: {  	[sflag:s0] =	ssyncadd.tile.s32 @!p0 $0x1;
	_ =	shalt  }
.Lfunc_end2:
_tile_overlayer_lowered:
.L_overlay_start_2:
0x43: {  	(tag) =	ssettag $0x2  }
0x44: {  	s0 =	rddreg [dreg:$0x0];
	s2 =	stileid.u32  }
0x45: {  	s1 =	rddreg [dreg:$0x1];
	p0 =	sne.s32 s2, $0x0  }
0x46: {  	s3 =	rddreg [dreg:$0x2];
	[bflag:$0x3] =	sbarrier.arrive $0xFFFF;
	s2 =	simm.s32 @!p0 $0x1C01  }
0x47: {  	[timem:s3], [sflag:s2] =	dma.local @!p0 [hbm:s0], s1  }
0x48: {  	s0 =	simm.s32 @!p0 $0x1  }
0x49: {  	_ =	swait.ge @!p0 [sflag:s0], s1  }
0x4a: {  	s1 =	ssub.s32 @!p0 $0x0, s1;
	[sflag:s0] =	ssyncset.done @!p0 $0x0  }
0x4b: {  	[sflag:s0] =	ssyncadd.s32 @!p0 s1  }
0x4c: {  	[bflag:$0x3] =	sbarrier.arrive $0xFFFF  }
0x4d: {  	_ =	shalt  }

</sc_bundles>
